<compile_context>
chip_gen: v7x
topology: tpu7x:2x2x1
jax: 0.10.2.dev20260603
libtpu: 0.0.44.dev20260713+nightly
codegen_flags: <defaults>
</compile_context>

<pallas_src>
import functools

import jax
import jax.numpy as jnp
from jax import lax
from jax.experimental import pallas as pl
from jax.experimental.pallas import tpu as pltpu
from jax.experimental.pallas import tpu_sc as plsc

BATCH = 1024
NC = 2
NS = 16
NW = NC * NS


def _dense_body(w_ref, x_ref, b_ref, out_ref):
    i = pl.program_id(0)
    acc = lax.dot_general(
        w_ref[...], x_ref[...],
        dimension_numbers=(((1,), (1,)), ((), ())),
        preferred_element_type=jnp.float32,
    )
    bias = b_ref[0, pl.ds(i * w_ref.shape[0], w_ref.shape[0])]
    out_ref[...] = jnp.maximum(acc + bias[:, None], 0.0)


def _dense_tc(x, W0, b0):
    D, K = W0.shape
    BM = 256
    grid = (D // BM,)
    return pl.pallas_call(
        _dense_body,
        grid=grid,
        in_specs=[
            pl.BlockSpec((BM, K), lambda i: (i, 0)),
            pl.BlockSpec((BATCH, K), lambda i: (0, 0)),
            pl.BlockSpec((1, D), lambda i: (0, 0)),
        ],
        out_specs=pl.BlockSpec((BM, BATCH), lambda i: (i, 0)),
        out_shape=jax.ShapeDtypeStruct((D, BATCH), jnp.float32),
    )(W0, x, b0.reshape(1, D))


def _spmm_body(M, RB, NB, CH, RPW, relu_in,
               h_hbm, rv_hbm, cols_hbm, bptr_hbm, out_hbm,
               bptr_v, cbb0, cbb1, rvb0, rvb1, gb0, gb1, acc,
               sg0, sg1, scb0, scb1, srv0, srv1):
    wid = lax.axis_index("s") * NC + lax.axis_index("c")
    pltpu.sync_copy(bptr_hbm, bptr_v)
    zvec = jnp.zeros((16,), jnp.float32)
    JW = BATCH // 16

    def blk_body(blk, _):
        r0 = wid * RPW + blk * RB
        bp = bptr_v[pl.ds(wid * NB + blk, 16)]
        e0 = bp[0]
        e1 = bp[1]
        e0a = (e0 // 8) * 8
        nch = jnp.maximum((e1 - e0a + CH - 1) // CH, 1)
        nchp = (nch + 1) // 2

        def st(c):
            return e0a + jnp.minimum(c, nch - 1) * CH

        def cb_copy(c, cbb, sem):
            return pltpu.make_async_copy(
                cols_hbm.at[pl.ds(st(c), CH)], cbb, sem)

        def rv_copy(c, rvb, sem):
            return pltpu.make_async_copy(
                rv_hbm.at[pl.ds(2 * st(c), 2 * CH)],
                rvb.at[pl.ds(0, 2 * CH)], sem)

        def g_copy(cbb, gb, sem):
            return pltpu.make_async_copy(h_hbm.at[cbb], gb, sem)

        cb_copy(0, cbb0, scb0).start()
        rv_copy(0, rvb0, srv0).start()
        cb_copy(1, cbb1, scb1).start()
        rv_copy(1, rvb1, srv1).start()

        @plsc.parallel_loop(0, RB * JW, 1, unroll=8)
        def _zero(i):
            acc[i // JW, pl.ds((i % JW) * 16, 16)] = zvec
        cb_copy(0, cbb0, scb0).wait()
        g_copy(cbb0, gb0, sg0).start()

        def compute(gb, rvb, guard):
            def ent(e, _):
                w = rvb[pl.ds(2 * e, 16)]
                lr = w[0] - r0
                ok = jnp.logical_and(
                    jnp.logical_and(lr >= 0, lr < RB), guard)
                v = jnp.where(ok, lax.bitcast_convert_type(w[1], jnp.float32),
                              0.0)
                lrc = jnp.where(ok, lr, 0)
                vvec = jnp.full((16,), v, jnp.float32)

                @plsc.parallel_loop(0, JW, 1, unroll=8)
                def _col(j):
                    g = gb[e, pl.ds(j * 16, 16)]
                    if relu_in:
                        g = jnp.maximum(g, 0.0)
                    plsc.addupdate(acc.at[lrc, pl.ds(j * 16, 16)], vvec * g)

                return 0

            lax.fori_loop(0, CH, ent, 0)

        def pair(t, _):
            a = 2 * t
            b = a + 1
            g_copy(cbb0, gb0, sg0).wait()
            cb_copy(b, cbb1, scb1).wait()
            g_copy(cbb1, gb1, sg1).start()
            cb_copy(a + 2, cbb0, scb0).start()
            rv_copy(a, rvb0, srv0).wait()
            compute(gb0, rvb0, True)
            rv_copy(a + 2, rvb0, srv0).start()
            g_copy(cbb1, gb1, sg1).wait()
            cb_copy(a + 2, cbb0, scb0).wait()
            g_copy(cbb0, gb0, sg0).start()
            cb_copy(b + 2, cbb1, scb1).start()
            rv_copy(b, rvb1, srv1).wait()
            compute(gb1, rvb1, b < nch)
            rv_copy(b + 2, rvb1, srv1).start()
            return 0

        lax.fori_loop(0, nchp, pair, 0)
        g_copy(cbb0, gb0, sg0).wait()
        cb_copy(0, cbb1, scb1).wait()
        rv_copy(0, rvb0, srv0).wait()
        rv_copy(0, rvb1, srv1).wait()
        pltpu.sync_copy(acc, out_hbm.at[pl.ds(r0, RB)])
        return 0

    lax.fori_loop(0, NB, blk_body, 0)


def _spmm_sc(h, vals, rows, cols, M, RB, CH, relu_in):
    nnz = vals.shape[0]
    RPW = M // NW
    NB = RPW // RB
    bptr = jnp.searchsorted(rows, jnp.arange(0, M + 1, RB)).astype(jnp.int32)
    PB = ((M // RB + 1 + 16 + 7) // 8) * 8
    bptr = jnp.concatenate(
        [bptr, jnp.full((PB - bptr.shape[0],), nnz, jnp.int32)])
    L = (((nnz + 2 * CH) + 7) // 8) * 8
    pad = L - nnz
    rows_p = jnp.concatenate([rows, jnp.full((pad,), M, jnp.int32)])
    cols_p = jnp.concatenate([cols, jnp.zeros((pad,), jnp.int32)])
    vals_p = jnp.concatenate([vals, jnp.zeros((pad,), jnp.float32)])
    vbits = lax.bitcast_convert_type(vals_p, jnp.int32)
    rv = jnp.stack([rows_p, vbits], axis=1).reshape(-1)

    mesh = plsc.VectorSubcoreMesh(core_axis_name="c", subcore_axis_name="s",
                                  num_cores=NC, num_subcores=NS)
    body = functools.partial(_spmm_body, M, RB, NB, CH, RPW, relu_in)
    f = pl.kernel(
        body,
        out_type=jax.ShapeDtypeStruct((M, BATCH), jnp.float32),
        mesh=mesh,
        scratch_types=[
            pltpu.VMEM((PB,), jnp.int32),
            pltpu.VMEM((CH,), jnp.int32),
            pltpu.VMEM((CH,), jnp.int32),
            pltpu.VMEM((2 * CH + 16,), jnp.int32),
            pltpu.VMEM((2 * CH + 16,), jnp.int32),
            pltpu.VMEM((CH, BATCH), jnp.float32),
            pltpu.VMEM((CH, BATCH), jnp.float32),
            pltpu.VMEM((RB, BATCH), jnp.float32),
            pltpu.SemaphoreType.DMA,
            pltpu.SemaphoreType.DMA,
            pltpu.SemaphoreType.DMA,
            pltpu.SemaphoreType.DMA,
            pltpu.SemaphoreType.DMA,
            pltpu.SemaphoreType.DMA,
        ],
    )
    return f(h, rv, cols_p, bptr)


def _transpose_body(in_ref, out_ref):
    out_ref[...] = jnp.maximum(in_ref[...].T, 0.0)


def _transpose_tc(h):
    D, B = h.shape
    BM, BN = 512, 256
    return pl.pallas_call(
        _transpose_body,
        grid=(D // BM, B // BN),
        in_specs=[pl.BlockSpec((BM, BN), lambda i, j: (i, j))],
        out_specs=pl.BlockSpec((BN, BM), lambda i, j: (j, i)),
        out_shape=jax.ShapeDtypeStruct((B, D), jnp.float32),
    )(h)


def kernel(x, W0, b0, vals1, rows1, cols1, vals2, rows2, cols2):
    S1 = 16384
    S2 = 4096
    h1 = _dense_tc(x, W0, b0)
    h2 = _spmm_sc(h1, vals1, rows1, cols1, M=S1, RB=64, CH=24, relu_in=False)
    h3 = _spmm_sc(h2, vals2, rows2, cols2, M=S2, RB=64, CH=24, relu_in=True)
    return _transpose_tc(h3)

# --- scband reference (transcript-rebuilt; emitter-appended) ---
"""Pipeline reference for scband-three-layer-fcmodel-68015102099870 (READ-ONLY COPY).

The authoritative reference and input builder live on the scoring server;
editing this copy changes nothing except your own understanding.
"""

import jax, jax.numpy as jnp
import numpy as np

INPUT_SIZE = 4096
DENSE_SIZE = 4096
SPARSE_SIZE1 = 16384
SPARSE_SIZE2 = 4096
DENSITY1 = 0.001
DENSITY2 = 0.001
BATCH = 1024


def _make_sparse(rng, out_size, in_size, density):
    dense = rng.standard_normal((out_size, in_size)).astype(np.float32)
    mask = rng.random((out_size, in_size)) < density
    rows, cols = np.nonzero(mask)
    vals = dense[rows, cols]
    return (jnp.asarray(vals, dtype=jnp.float32),
            jnp.asarray(rows.astype(np.int32)),
            jnp.asarray(cols.astype(np.int32)))


def setup_inputs(seed: int = 0) -> dict:
    key = jax.random.key(seed)
    k_x, k_w, k_b = jax.random.split(key, 3)
    rng = np.random.default_rng(0)
    x = jax.random.normal(k_x, (BATCH, INPUT_SIZE), dtype=jnp.float32)
    # dense nn.Linear params
    bound = 1.0 / np.sqrt(INPUT_SIZE)
    W0 = jax.random.uniform(k_w, (DENSE_SIZE, INPUT_SIZE), minval=-bound, maxval=bound, dtype=jnp.float32)
    b0 = jax.random.uniform(k_b, (DENSE_SIZE,), minval=-bound, maxval=bound, dtype=jnp.float32)
    # sparse layer 1: weight [SPARSE_SIZE1, DENSE_SIZE]
    vals1, rows1, cols1 = _make_sparse(rng, SPARSE_SIZE1, DENSE_SIZE, DENSITY1)
    # sparse layer 2: weight [SPARSE_SIZE2, SPARSE_SIZE1]
    vals2, rows2, cols2 = _make_sparse(rng, SPARSE_SIZE2, SPARSE_SIZE1, DENSITY2)
    return {"x": x, "W0": W0, "b0": b0,
            "vals1": vals1, "rows1": rows1, "cols1": cols1,
            "vals2": vals2, "rows2": rows2, "cols2": cols2}


def _sparse_mm(x, vals, rows, cols, out_size):
    # Faithful to SparseLinear.forward: output = (W_csr @ x.T).T
    # NOTE: in the original code the bias broadcast is immediately overwritten
    # by the spmm result, so bias is effectively unused. We reproduce that.
    gathered = jnp.take(x, cols, axis=1) * vals  # [B, nnz]
    out_t = jax.ops.segment_sum(gathered.T, rows, num_segments=out_size)  # [out, B]
    return out_t.T


def reference(x, W0, b0, vals1, rows1, cols1, vals2, rows2, cols2):
    # ThreeLayerFCModel.forward; the rp_time loop recomputes identical pure
    # results, so one iteration per layer is mathematically identical.
    x1 = jax.nn.relu(x @ W0.T + b0)
    x2 = jax.nn.relu(_sparse_mm(x1, vals1, rows1, cols1, SPARSE_SIZE1))
    x3 = jax.nn.relu(_sparse_mm(x2, vals2, rows2, cols2, SPARSE_SIZE2))
    return x3

if __name__ == "__main__":
    import jax
    _d = setup_inputs()
    print(jax.jit(kernel)(*tuple(_d.values())))

</pallas_src>

<mosaic_0001>
#map = affine_map<(d0, d1) -> (0, 0)>
#map1 = affine_map<(d0, d1) -> (0)>
module attributes {stable_mosaic.version = 14 : i64} {
  func.func @_spmm_body(%arg0: i32, %arg1: i32, %arg2: memref<4096x1024xf32, #tpu.memory_space<hbm>>, %arg3: memref<134512xi32, #tpu.memory_space<hbm>>, %arg4: memref<67256xi32, #tpu.memory_space<hbm>>, %arg5: memref<280xi32, #tpu.memory_space<hbm>>, %arg6: memref<16384x1024xf32, #tpu.memory_space<hbm>>, %arg7: memref<280xi32, #tpu.memory_space<vmem>>, %arg8: memref<24xi32, #tpu.memory_space<vmem>>, %arg9: memref<24xi32, #tpu.memory_space<vmem>>, %arg10: memref<64xi32, #tpu.memory_space<vmem>>, %arg11: memref<64xi32, #tpu.memory_space<vmem>>, %arg12: memref<24x1024xf32, #tpu.memory_space<vmem>>, %arg13: memref<24x1024xf32, #tpu.memory_space<vmem>>, %arg14: memref<64x1024xf32, #tpu.memory_space<vmem>>, %arg15: memref<!tpu.dma_semaphore, #tpu.memory_space<semaphore_mem>>, %arg16: memref<!tpu.dma_semaphore, #tpu.memory_space<semaphore_mem>>, %arg17: memref<!tpu.dma_semaphore, #tpu.memory_space<semaphore_mem>>, %arg18: memref<!tpu.dma_semaphore, #tpu.memory_space<semaphore_mem>>, %arg19: memref<!tpu.dma_semaphore, #tpu.memory_space<semaphore_mem>>, %arg20: memref<!tpu.dma_semaphore, #tpu.memory_space<semaphore_mem>>) attributes {dimension_semantics = [#tpu.dimension_semantics<core_parallel>, #tpu.dimension_semantics<subcore_parallel>], iteration_bounds = array<i64: 2, 16>, scalar_prefetch = 0 : i64, scratch_operands = 14 : i64, tpu.core_type = #tpu.core_type<sc_vector_subcore>, window_params = [{transform_indices = #map}, {transform_indices = #map1}, {transform_indices = #map1}, {transform_indices = #map1}, {transform_indices = #map}]} {
    %mul3A = arith.constant 2 : i32
    %mul3A_0 = arith.muli %arg1, %mul3A : i32
    %add3A = arith.addi %mul3A_0, %arg0 : i32
    "tpu.region"() ({
      %run_scoped3A = tpu.sem_alloc : memref<!tpu.dma_semaphore, #tpu.memory_space<semaphore_mem>>
      tpu.enqueue_dma source(%arg5 : memref<280xi32, #tpu.memory_space<hbm>>) target(%arg7 : memref<280xi32, #tpu.memory_space<vmem>>) target_semaphore(%run_scoped3A : memref<!tpu.dma_semaphore, #tpu.memory_space<semaphore_mem>>)
      tpu.wait_dma2 semaphore(%run_scoped3A : memref<!tpu.dma_semaphore, #tpu.memory_space<semaphore_mem>>) src(%arg5 : memref<280xi32, #tpu.memory_space<hbm>>) dst(%arg7 : memref<280xi32, #tpu.memory_space<vmem>>)
      tpu.yield
    }) : () -> ()
    %broadcast_in_dim3A = arith.constant 0.000000e+00 : f32
    %broadcast_in_dim3A_1 = vector.broadcast %broadcast_in_dim3A : f32 to vector<16xf32>
    %scan3A = arith.constant 0 : i32
    %scan3A_2 = arith.constant 0 : i32
    %scan3A_3 = arith.constant 8 : i32
    %scan3A_4 = arith.addi %scan3A_2, %scan3A_3 : i32
    %scan3A_5 = arith.constant 1 : i32
    %scan3A_6 = scf.for %scan3A_8 = %scan3A_2 to %scan3A_4 step %scan3A_5 iter_args(%scan3A_9 = %scan3A) -> (i32)  : i32 {
      %mul3A_10 = arith.constant 512 : i32
      %mul3A_11 = arith.muli %add3A, %mul3A_10 : i32
      %mul3A_12 = arith.constant 64 : i32
      %mul3A_13 = arith.muli %scan3A_8, %mul3A_12 : i32
      %add3A_14 = arith.addi %mul3A_11, %mul3A_13 : i32
      %mul3A_15 = arith.constant 8 : i32
      %mul3A_16 = arith.muli %add3A, %mul3A_15 : i32
      %add3A_17 = arith.addi %mul3A_16, %scan3A_8 : i32
      %get3A = arith.index_cast %add3A_17 : i32 to index
      %get3A_18 = tpu.vector_load %arg7[%get3A] {strides = array<i32>} : memref<280xi32, #tpu.memory_space<vmem>>, vector<16xi32>,
      %get3A_19 = vector.shape_cast %get3A_18 : vector<16xi32> to vector<16xi32>
      %slice3A = vector.extract_strided_slice %get3A_19 {offsets = [0], sizes = [1], strides = [1]} : vector<16xi32> to vector<1xi32>
      %squeeze3A = vector.extract %slice3A[0] : i32 from vector<1xi32>
      %slice3A_20 = vector.extract_strided_slice %get3A_19 {offsets = [1], sizes = [1], strides = [1]} : vector<16xi32> to vector<1xi32>
      %squeeze3A_21 = vector.extract %slice3A_20[0] : i32 from vector<1xi32>
      %jit3A = arith.constant 8 : i32
      %div3A = arith.divsi %squeeze3A, %jit3A : i32
      %sign3A = arith.constant 0 : i32
      %sign3A_22 = arith.cmpi sgt, %squeeze3A, %sign3A : i32
      %sign3A_23 = arith.extui %sign3A_22 : i1 to i32
      %sign3A_24 = arith.constant 0 : i32
      %sign3A_25 = arith.cmpi slt, %squeeze3A, %sign3A_24 : i32
      %sign3A_26 = arith.extui %sign3A_25 : i1 to i32
      %sign3A_27 = arith.subi %sign3A_23, %sign3A_26 : i32
      %sign3A_28 = arith.constant 0 : i32
      %sign3A_29 = arith.cmpi sgt, %jit3A, %sign3A_28 : i32
      %sign3A_30 = arith.extui %sign3A_29 : i1 to i32
      %sign3A_31 = arith.constant 0 : i32
      %sign3A_32 = arith.cmpi slt, %jit3A, %sign3A_31 : i32
      %sign3A_33 = arith.extui %sign3A_32 : i1 to i32
      %sign3A_34 = arith.subi %sign3A_30, %sign3A_33 : i32
      %ne3A = arith.cmpi ne, %sign3A_27, %sign3A_34 : i32
      %rem3A = arith.remsi %squeeze3A, %jit3A : i32
      %ne3A_35 = arith.constant 0 : i32
      %ne3A_36 = arith.cmpi ne, %rem3A, %ne3A_35 : i32
      %and3A = arith.andi %ne3A, %ne3A_36 : i1
      %sub3A = arith.constant 1 : i32
      %sub3A_37 = arith.subi %div3A, %sub3A : i32
      %select_n3A = arith.select %and3A, %sub3A_37, %div3A : i32
      %mul3A_38 = arith.constant 8 : i32
      %mul3A_39 = arith.muli %select_n3A, %mul3A_38 : i32
      %sub3A_40 = arith.subi %squeeze3A_21, %mul3A_39 : i32
      %add3A_41 = arith.constant 24 : i32
      %add3A_42 = arith.addi %sub3A_40, %add3A_41 : i32
      %sub3A_43 = arith.constant 1 : i32
      %sub3A_44 = arith.subi %add3A_42, %sub3A_43 : i32
      %jit3A_45 = arith.constant 24 : i32
      %div3A_46 = arith.divsi %sub3A_44, %jit3A_45 : i32
      %sign3A_47 = arith.constant 0 : i32
      %sign3A_48 = arith.cmpi sgt, %sub3A_44, %sign3A_47 : i32
      %sign3A_49 = arith.extui %sign3A_48 : i1 to i32
      %sign3A_50 = arith.constant 0 : i32
      %sign3A_51 = arith.cmpi slt, %sub3A_44, %sign3A_50 : i32
      %sign3A_52 = arith.extui %sign3A_51 : i1 to i32
      %sign3A_53 = arith.subi %sign3A_49, %sign3A_52 : i32
      %sign3A_54 = arith.constant 0 : i32
      %sign3A_55 = arith.cmpi sgt, %jit3A_45, %sign3A_54 : i32
      %sign3A_56 = arith.extui %sign3A_55 : i1 to i32
      %sign3A_57 = arith.constant 0 : i32
      %sign3A_58 = arith.cmpi slt, %jit3A_45, %sign3A_57 : i32
      %sign3A_59 = arith.extui %sign3A_58 : i1 to i32
      %sign3A_60 = arith.subi %sign3A_56, %sign3A_59 : i32
      %ne3A_61 = arith.cmpi ne, %sign3A_53, %sign3A_60 : i32
      %rem3A_62 = arith.remsi %sub3A_44, %jit3A_45 : i32
      %ne3A_63 = arith.constant 0 : i32
      %ne3A_64 = arith.cmpi ne, %rem3A_62, %ne3A_63 : i32
      %and3A_65 = arith.andi %ne3A_61, %ne3A_64 : i1
      %sub3A_66 = arith.constant 1 : i32
      %sub3A_67 = arith.subi %div3A_46, %sub3A_66 : i32
      %select_n3A_68 = arith.select %and3A_65, %sub3A_67, %div3A_46 : i32
      %max3A = arith.constant 1 : i32
      %max3A_69 = arith.maxsi %select_n3A_68, %max3A : i32
      %add3A_70 = arith.constant 1 : i32
      %add3A_71 = arith.addi %max3A_69, %add3A_70 : i32
      %jit3A_72 = arith.constant 2 : i32
      %div3A_73 = arith.divsi %add3A_71, %jit3A_72 : i32
      %sign3A_74 = arith.constant 0 : i32
      %sign3A_75 = arith.cmpi sgt, %add3A_71, %sign3A_74 : i32
      %sign3A_76 = arith.extui %sign3A_75 : i1 to i32
      %sign3A_77 = arith.constant 0 : i32
      %sign3A_78 = arith.cmpi slt, %add3A_71, %sign3A_77 : i32
      %sign3A_79 = arith.extui %sign3A_78 : i1 to i32
      %sign3A_80 = arith.subi %sign3A_76, %sign3A_79 : i32
      %sign3A_81 = arith.constant 0 : i32
      %sign3A_82 = arith.cmpi sgt, %jit3A_72, %sign3A_81 : i32
      %sign3A_83 = arith.extui %sign3A_82 : i1 to i32
      %sign3A_84 = arith.constant 0 : i32
      %sign3A_85 = arith.cmpi slt, %jit3A_72, %sign3A_84 : i32
      %sign3A_86 = arith.extui %sign3A_85 : i1 to i32
      %sign3A_87 = arith.subi %sign3A_83, %sign3A_86 : i32
      %ne3A_88 = arith.cmpi ne, %sign3A_80, %sign3A_87 : i32
      %rem3A_89 = arith.remsi %add3A_71, %jit3A_72 : i32
      %ne3A_90 = arith.constant 0 : i32
      %ne3A_91 = arith.cmpi ne, %rem3A_89, %ne3A_90 : i32
      %and3A_92 = arith.andi %ne3A_88, %ne3A_91 : i1
      %sub3A_93 = arith.constant 1 : i32
      %sub3A_94 = arith.subi %div3A_73, %sub3A_93 : i32
      %select_n3A_95 = arith.select %and3A_92, %sub3A_94, %div3A_73 : i32
      %sub3A_96 = arith.constant 1 : i32
      %sub3A_97 = arith.subi %max3A_69, %sub3A_96 : i32
      %min3A = arith.constant 0 : i32
      %min3A_98 = arith.minsi %min3A, %sub3A_97 : i32
      %mul3A_99 = arith.constant 24 : i32
      %mul3A_100 = arith.muli %min3A_98, %mul3A_99 : i32
      %add3A_101 = arith.addi %mul3A_39, %mul3A_100 : i32
      %dma_start3A = tpu.memref_slice %arg4[%add3A_101] : memref<67256xi32, #tpu.memory_space<hbm>> -> memref<24xi32, #tpu.memory_space<hbm>>
      %dma_start3A_102 = tpu.memref_slice %arg4[%add3A_101] : memref<67256xi32, #tpu.memory_space<hbm>> -> memref<24xi32, #tpu.memory_space<hbm>>
      tpu.enqueue_dma source(%dma_start3A_102 : memref<24xi32, #tpu.memory_space<hbm>>) target(%arg8 : memref<24xi32, #tpu.memory_space<vmem>>) target_semaphore(%arg17 : memref<!tpu.dma_semaphore, #tpu.memory_space<semaphore_mem>>)
      %sub3A_103 = arith.constant 1 : i32
      %sub3A_104 = arith.subi %max3A_69, %sub3A_103 : i32
      %min3A_105 = arith.constant 0 : i32
      %min3A_106 = arith.minsi %min3A_105, %sub3A_104 : i32
      %mul3A_107 = arith.constant 24 : i32
      %mul3A_108 = arith.muli %min3A_106, %mul3A_107 : i32
      %add3A_109 = arith.addi %mul3A_39, %mul3A_108 : i32
      %mul3A_110 = arith.constant 2 : i32
      %mul3A_111 = arith.muli %mul3A_110, %add3A_109 : i32
      %dma_start3A_112 = arith.constant 0 : i32
      %dma_start3A_113 = tpu.memref_slice %arg10[%dma_start3A_112] : memref<64xi32, #tpu.memory_space<vmem>> -> memref<48xi32, #tpu.memory_space<vmem>>
      %dma_start3A_114 = tpu.memref_slice %arg3[%mul3A_111] : memref<134512xi32, #tpu.memory_space<hbm>> -> memref<48xi32, #tpu.memory_space<hbm>>
      %dma_start3A_115 = arith.constant 0 : i32
      %dma_start3A_116 = tpu.memref_slice %arg10[%dma_start3A_115] : memref<64xi32, #tpu.memory_space<vmem>> -> memref<48xi32, #tpu.memory_space<vmem>>
      %dma_start3A_117 = tpu.memref_slice %arg3[%mul3A_111] : memref<134512xi32, #tpu.memory_space<hbm>> -> memref<48xi32, #tpu.memory_space<hbm>>
      tpu.enqueue_dma source(%dma_start3A_117 : memref<48xi32, #tpu.memory_space<hbm>>) target(%dma_start3A_116 : memref<48xi32, #tpu.memory_space<vmem>>) target_semaphore(%arg19 : memref<!tpu.dma_semaphore, #tpu.memory_space<semaphore_mem>>)
      %sub3A_118 = arith.constant 1 : i32
      %sub3A_119 = arith.subi %max3A_69, %sub3A_118 : i32
      %min3A_120 = arith.constant 1 : i32
      %min3A_121 = arith.minsi %min3A_120, %sub3A_119 : i32
      %mul3A_122 = arith.constant 24 : i32
      %mul3A_123 = arith.muli %min3A_121, %mul3A_122 : i32
      %add3A_124 = arith.addi %mul3A_39, %mul3A_123 : i32
      %dma_start3A_125 = tpu.memref_slice %arg4[%add3A_124] : memref<67256xi32, #tpu.memory_space<hbm>> -> memref<24xi32, #tpu.memory_space<hbm>>
      %dma_start3A_126 = tpu.memref_slice %arg4[%add3A_124] : memref<67256xi32, #tpu.memory_space<hbm>> -> memref<24xi32, #tpu.memory_space<hbm>>
      tpu.enqueue_dma source(%dma_start3A_126 : memref<24xi32, #tpu.memory_space<hbm>>) target(%arg9 : memref<24xi32, #tpu.memory_space<vmem>>) target_semaphore(%arg18 : memref<!tpu.dma_semaphore, #tpu.memory_space<semaphore_mem>>)
      %sub3A_127 = arith.constant 1 : i32
      %sub3A_128 = arith.subi %max3A_69, %sub3A_127 : i32
      %min3A_129 = arith.constant 1 : i32
      %min3A_130 = arith.minsi %min3A_129, %sub3A_128 : i32
      %mul3A_131 = arith.constant 24 : i32
      %mul3A_132 = arith.muli %min3A_130, %mul3A_131 : i32
      %add3A_133 = arith.addi %mul3A_39, %mul3A_132 : i32
      %mul3A_134 = arith.constant 2 : i32
      %mul3A_135 = arith.muli %mul3A_134, %add3A_133 : i32
      %dma_start3A_136 = arith.constant 0 : i32
      %dma_start3A_137 = tpu.memref_slice %arg11[%dma_start3A_136] : memref<64xi32, #tpu.memory_space<vmem>> -> memref<48xi32, #tpu.memory_space<vmem>>
      %dma_start3A_138 = tpu.memref_slice %arg3[%mul3A_135] : memref<134512xi32, #tpu.memory_space<hbm>> -> memref<48xi32, #tpu.memory_space<hbm>>
      %dma_start3A_139 = arith.constant 0 : i32
      %dma_start3A_140 = tpu.memref_slice %arg11[%dma_start3A_139] : memref<64xi32, #tpu.memory_space<vmem>> -> memref<48xi32, #tpu.memory_space<vmem>>
      %dma_start3A_141 = tpu.memref_slice %arg3[%mul3A_135] : memref<134512xi32, #tpu.memory_space<hbm>> -> memref<48xi32, #tpu.memory_space<hbm>>
      tpu.enqueue_dma source(%dma_start3A_141 : memref<48xi32, #tpu.memory_space<hbm>>) target(%dma_start3A_140 : memref<48xi32, #tpu.memory_space<vmem>>) target_semaphore(%arg20 : memref<!tpu.dma_semaphore, #tpu.memory_space<semaphore_mem>>)
      %parallel_loop3A = arith.constant 0 : i32
      %parallel_loop3A_142 = arith.constant 4096 : i32
      %parallel_loop3A_143 = arith.constant 1 : i32
      scf.for %parallel_loop3A_209 = %parallel_loop3A to %parallel_loop3A_142 step %parallel_loop3A_143  : i32 {
        %parallel_loop3A_210 = arith.constant 64 : i32
        %parallel_loop3A_211 = arith.divsi %parallel_loop3A_209, %parallel_loop3A_210 : i32
        %parallel_loop3A_212 = arith.constant 0 : i32
        %parallel_loop3A_213 = arith.cmpi sgt, %parallel_loop3A_209, %parallel_loop3A_212 : i32
        %parallel_loop3A_214 = arith.extui %parallel_loop3A_213 : i1 to i32
        %parallel_loop3A_215 = arith.constant 0 : i32
        %parallel_loop3A_216 = arith.cmpi slt, %parallel_loop3A_209, %parallel_loop3A_215 : i32
        %parallel_loop3A_217 = arith.extui %parallel_loop3A_216 : i1 to i32
        %parallel_loop3A_218 = arith.subi %parallel_loop3A_214, %parallel_loop3A_217 : i32
        %parallel_loop3A_219 = arith.constant 0 : i32
        %parallel_loop3A_220 = arith.cmpi sgt, %parallel_loop3A_210, %parallel_loop3A_219 : i32
        %parallel_loop3A_221 = arith.extui %parallel_loop3A_220 : i1 to i32
        %parallel_loop3A_222 = arith.constant 0 : i32
        %parallel_loop3A_223 = arith.cmpi slt, %parallel_loop3A_210, %parallel_loop3A_222 : i32
        %parallel_loop3A_224 = arith.extui %parallel_loop3A_223 : i1 to i32
        %parallel_loop3A_225 = arith.subi %parallel_loop3A_221, %parallel_loop3A_224 : i32
        %parallel_loop3A_226 = arith.cmpi ne, %parallel_loop3A_218, %parallel_loop3A_225 : i32
        %parallel_loop3A_227 = arith.remsi %parallel_loop3A_209, %parallel_loop3A_210 : i32
        %parallel_loop3A_228 = arith.constant 0 : i32
        %parallel_loop3A_229 = arith.cmpi ne, %parallel_loop3A_227, %parallel_loop3A_228 : i32
        %parallel_loop3A_230 = arith.andi %parallel_loop3A_226, %parallel_loop3A_229 : i1
        %parallel_loop3A_231 = arith.constant 1 : i32
        %parallel_loop3A_232 = arith.subi %parallel_loop3A_211, %parallel_loop3A_231 : i32
        %parallel_loop3A_233 = arith.select %parallel_loop3A_230, %parallel_loop3A_232, %parallel_loop3A_211 : i32
        %parallel_loop3A_234 = arith.constant 64 : i32
        %parallel_loop3A_235 = arith.constant 0 : i32
        %parallel_loop3A_236 = arith.cmpi eq, %parallel_loop3A_234, %parallel_loop3A_235 : i32
        %parallel_loop3A_237 = arith.constant 1 : i32
        %parallel_loop3A_238 = arith.select %parallel_loop3A_236, %parallel_loop3A_237, %parallel_loop3A_234 : i32
        %parallel_loop3A_239 = arith.remsi %parallel_loop3A_209, %parallel_loop3A_238 : i32
        %parallel_loop3A_240 = arith.constant 0 : i32
        %parallel_loop3A_241 = arith.cmpi ne, %parallel_loop3A_239, %parallel_loop3A_240 : i32
        %parallel_loop3A_242 = arith.constant 0 : i32
        %parallel_loop3A_243 = arith.cmpi slt, %parallel_loop3A_239, %parallel_loop3A_242 : i32
        %parallel_loop3A_244 = arith.constant 0 : i32
        %parallel_loop3A_245 = arith.cmpi slt, %parallel_loop3A_238, %parallel_loop3A_244 : i32
        %parallel_loop3A_246 = arith.xori %parallel_loop3A_243, %parallel_loop3A_245 : i1
        %parallel_loop3A_247 = arith.andi %parallel_loop3A_246, %parallel_loop3A_241 : i1
        %parallel_loop3A_248 = arith.addi %parallel_loop3A_239, %parallel_loop3A_238 : i32
        %parallel_loop3A_249 = arith.select %parallel_loop3A_247, %parallel_loop3A_248, %parallel_loop3A_239 : i32
        %parallel_loop3A_250 = arith.constant 16 : i32
        %parallel_loop3A_251 = arith.muli %parallel_loop3A_249, %parallel_loop3A_250 : i32
        %parallel_loop3A_252 = arith.index_cast %parallel_loop3A_233 : i32 to index
        %parallel_loop3A_253 = arith.index_cast %parallel_loop3A_251 : i32 to index
        %parallel_loop3A_254 = tpu.vector_load %arg14[%parallel_loop3A_252, %parallel_loop3A_253] {strides = array<i32>} : memref<64x1024xf32, #tpu.memory_space<vmem>>, vector<1x16xf32>,
        %parallel_loop3A_255 = vector.shape_cast %parallel_loop3A_254 : vector<1x16xf32> to vector<16xf32>
        %parallel_loop3A_256 = vector.shape_cast %broadcast_in_dim3A_1 : vector<16xf32> to vector<1x16xf32>
        tpu.vector_store %arg14[%parallel_loop3A_252, %parallel_loop3A_253], %parallel_loop3A_256 {strides = array<i32>} : memref<64x1024xf32, #tpu.memory_space<vmem>>, vector<1x16xf32>,
      } {sc.loop_unroll_factor = 8 : i64, sc.parallel_access}
      %sub3A_144 = arith.constant 1 : i32
      %sub3A_145 = arith.subi %max3A_69, %sub3A_144 : i32
      %min3A_146 = arith.constant 0 : i32
      %min3A_147 = arith.minsi %min3A_146, %sub3A_145 : i32
      %mul3A_148 = arith.constant 24 : i32
      %mul3A_149 = arith.muli %min3A_147, %mul3A_148 : i32
      %add3A_150 = arith.addi %mul3A_39, %mul3A_149 : i32
      %dma_wait3A = tpu.memref_slice %arg4[%add3A_150] : memref<67256xi32, #tpu.memory_space<hbm>> -> memref<24xi32, #tpu.memory_space<hbm>>
      %dma_wait3A_151 = tpu.memref_slice %arg4[%add3A_150] : memref<67256xi32, #tpu.memory_space<hbm>> -> memref<24xi32, #tpu.memory_space<hbm>>
      tpu.wait_dma2 semaphore(%arg17 : memref<!tpu.dma_semaphore, #tpu.memory_space<semaphore_mem>>) src(%dma_wait3A_151 : memref<24xi32, #tpu.memory_space<hbm>>) dst(%arg8 : memref<24xi32, #tpu.memory_space<vmem>>)
      %dma_start3A_152 = arith.constant 0 : i32
      %dma_start3A_153 = arith.constant 0 : i32
      %dma_start3A_154 = tpu.memref_slice %arg2[%dma_start3A_152, %dma_start3A_153] : memref<4096x1024xf32, #tpu.memory_space<hbm>> -> memref<4096x1024xf32, #tpu.memory_space<hbm>>
      tpu.enqueue_indirect_dma source(%dma_start3A_154 : memref<4096x1024xf32, #tpu.memory_space<hbm>>) target(%arg12 : memref<24x1024xf32, #tpu.memory_space<vmem>>) offsets(%arg8 : memref<24xi32, #tpu.memory_space<vmem>>) semaphore(%arg15 : memref<!tpu.dma_semaphore, #tpu.memory_space<semaphore_mem>>)
      %while3A = arith.constant 0 : i32
      %while3A_155 = arith.constant 0 : i32
      %while3A_156 = arith.subi %select_n3A_95, %while3A : i32
      %while3A_157 = arith.addi %while3A, %while3A_156 : i32
      %while3A_158 = arith.constant 1 : i32
      %while3A_159 = arith.divsi %while3A_156, %while3A_158 : i32
      %while3A_160 = arith.muli %while3A_159, %while3A_158 : i32
      %while3A_161 = arith.addi %while3A, %while3A_160 : i32
      %while3A_162 = arith.constant 1 : i32
      %while3A_163 = scf.for %while3A_209 = %while3A to %while3A_161 step %while3A_162 iter_args(%while3A_210 = %while3A_155) -> (i32)  : i32 {
        %mul3A_211 = arith.constant 2 : i32
        %mul3A_212 = arith.muli %mul3A_211, %while3A_209 : i32
        %add3A_213 = arith.constant 1 : i32
        %add3A_214 = arith.addi %mul3A_212, %add3A_213 : i32
        %dma_wait3A_215 = arith.constant 0 : i32
        %dma_wait3A_216 = arith.constant 0 : i32
        %dma_wait3A_217 = tpu.memref_slice %arg2[%dma_wait3A_215, %dma_wait3A_216] : memref<4096x1024xf32, #tpu.memory_space<hbm>> -> memref<4096x1024xf32, #tpu.memory_space<hbm>>
        tpu.wait_indirect_dma semaphore(%arg15 : memref<!tpu.dma_semaphore, #tpu.memory_space<semaphore_mem>>) src(%dma_wait3A_217 : memref<4096x1024xf32, #tpu.memory_space<hbm>>) dst(%arg12 : memref<24x1024xf32, #tpu.memory_space<vmem>>)
        %sub3A_218 = arith.constant 1 : i32
        %sub3A_219 = arith.subi %max3A_69, %sub3A_218 : i32
        %min3A_220 = arith.minsi %add3A_214, %sub3A_219 : i32
        %mul3A_221 = arith.constant 24 : i32
        %mul3A_222 = arith.muli %min3A_220, %mul3A_221 : i32
        %add3A_223 = arith.addi %mul3A_39, %mul3A_222 : i32
        %dma_wait3A_224 = tpu.memref_slice %arg4[%add3A_223] : memref<67256xi32, #tpu.memory_space<hbm>> -> memref<24xi32, #tpu.memory_space<hbm>>
        %dma_wait3A_225 = tpu.memref_slice %arg4[%add3A_223] : memref<67256xi32, #tpu.memory_space<hbm>> -> memref<24xi32, #tpu.memory_space<hbm>>
        tpu.wait_dma2 semaphore(%arg18 : memref<!tpu.dma_semaphore, #tpu.memory_space<semaphore_mem>>) src(%dma_wait3A_225 : memref<24xi32, #tpu.memory_space<hbm>>) dst(%arg9 : memref<24xi32, #tpu.memory_space<vmem>>)
        %dma_start3A_226 = arith.constant 0 : i32
        %dma_start3A_227 = arith.constant 0 : i32
        %dma_start3A_228 = tpu.memref_slice %arg2[%dma_start3A_226, %dma_start3A_227] : memref<4096x1024xf32, #tpu.memory_space<hbm>> -> memref<4096x1024xf32, #tpu.memory_space<hbm>>
        tpu.enqueue_indirect_dma source(%dma_start3A_228 : memref<4096x1024xf32, #tpu.memory_space<hbm>>) target(%arg13 : memref<24x1024xf32, #tpu.memory_space<vmem>>) offsets(%arg9 : memref<24xi32, #tpu.memory_space<vmem>>) semaphore(%arg16 : memref<!tpu.dma_semaphore, #tpu.memory_space<semaphore_mem>>)
        %add3A_229 = arith.constant 2 : i32
        %add3A_230 = arith.addi %mul3A_212, %add3A_229 : i32
        %sub3A_231 = arith.constant 1 : i32
        %sub3A_232 = arith.subi %max3A_69, %sub3A_231 : i32
        %min3A_233 = arith.minsi %add3A_230, %sub3A_232 : i32
        %mul3A_234 = arith.constant 24 : i32
        %mul3A_235 = arith.muli %min3A_233, %mul3A_234 : i32
        %add3A_236 = arith.addi %mul3A_39, %mul3A_235 : i32
        %dma_start3A_237 = tpu.memref_slice %arg4[%add3A_236] : memref<67256xi32, #tpu.memory_space<hbm>> -> memref<24xi32, #tpu.memory_space<hbm>>
        %dma_start3A_238 = tpu.memref_slice %arg4[%add3A_236] : memref<67256xi32, #tpu.memory_space<hbm>> -> memref<24xi32, #tpu.memory_space<hbm>>
        tpu.enqueue_dma source(%dma_start3A_238 : memref<24xi32, #tpu.memory_space<hbm>>) target(%arg8 : memref<24xi32, #tpu.memory_space<vmem>>) target_semaphore(%arg17 : memref<!tpu.dma_semaphore, #tpu.memory_space<semaphore_mem>>)
        %sub3A_239 = arith.constant 1 : i32
        %sub3A_240 = arith.subi %max3A_69, %sub3A_239 : i32
        %min3A_241 = arith.minsi %mul3A_212, %sub3A_240 : i32
        %mul3A_242 = arith.constant 24 : i32
        %mul3A_243 = arith.muli %min3A_241, %mul3A_242 : i32
        %add3A_244 = arith.addi %mul3A_39, %mul3A_243 : i32
        %mul3A_245 = arith.constant 2 : i32
        %mul3A_246 = arith.muli %mul3A_245, %add3A_244 : i32
        %dma_wait3A_247 = arith.constant 0 : i32
        %dma_wait3A_248 = tpu.memref_slice %arg10[%dma_wait3A_247] : memref<64xi32, #tpu.memory_space<vmem>> -> memref<48xi32, #tpu.memory_space<vmem>>
        %dma_wait3A_249 = tpu.memref_slice %arg3[%mul3A_246] : memref<134512xi32, #tpu.memory_space<hbm>> -> memref<48xi32, #tpu.memory_space<hbm>>
        %dma_wait3A_250 = arith.constant 0 : i32
        %dma_wait3A_251 = tpu.memref_slice %arg10[%dma_wait3A_250] : memref<64xi32, #tpu.memory_space<vmem>> -> memref<48xi32, #tpu.memory_space<vmem>>
        %dma_wait3A_252 = tpu.memref_slice %arg3[%mul3A_246] : memref<134512xi32, #tpu.memory_space<hbm>> -> memref<48xi32, #tpu.memory_space<hbm>>
        tpu.wait_dma2 semaphore(%arg19 : memref<!tpu.dma_semaphore, #tpu.memory_space<semaphore_mem>>) src(%dma_wait3A_252 : memref<48xi32, #tpu.memory_space<hbm>>) dst(%dma_wait3A_251 : memref<48xi32, #tpu.memory_space<vmem>>)
        %scan3A_253 = arith.constant 0 : i32
        %scan3A_254 = arith.constant 0 : i32
        %scan3A_255 = arith.constant 24 : i32
        %scan3A_256 = arith.addi %scan3A_254, %scan3A_255 : i32
        %scan3A_257 = arith.constant 1 : i32
        %scan3A_258 = scf.for %scan3A_340 = %scan3A_254 to %scan3A_256 step %scan3A_257 iter_args(%scan3A_341 = %scan3A_253) -> (i32)  : i32 {
          %mul3A_342 = arith.constant 2 : i32
          %mul3A_343 = arith.muli %mul3A_342, %scan3A_340 : i32
          %get3A_344 = arith.index_cast %mul3A_343 : i32 to index
          %get3A_345 = tpu.vector_load %arg10[%get3A_344] {strides = array<i32>} : memref<64xi32, #tpu.memory_space<vmem>>, vector<16xi32>,
          %get3A_346 = vector.shape_cast %get3A_345 : vector<16xi32> to vector<16xi32>
          %slice3A_347 = vector.extract_strided_slice %get3A_346 {offsets = [0], sizes = [1], strides = [1]} : vector<16xi32> to vector<1xi32>
          %squeeze3A_348 = vector.extract %slice3A_347[0] : i32 from vector<1xi32>
          %sub3A_349 = arith.subi %squeeze3A_348, %add3A_14 : i32
          %ge3A = arith.constant 0 : i32
          %ge3A_350 = arith.cmpi sge, %sub3A_349, %ge3A : i32
          %lt3A_351 = arith.constant 64 : i32
          %lt3A_352 = arith.cmpi slt, %sub3A_349, %lt3A_351 : i32
          %and3A_353 = arith.andi %ge3A_350, %lt3A_352 : i1
          %and3A_354 = arith.constant true
          %and3A_355 = arith.andi %and3A_353, %and3A_354 : i1
          %slice3A_356 = vector.extract_strided_slice %get3A_346 {offsets = [1], sizes = [1], strides = [1]} : vector<16xi32> to vector<1xi32>
          %squeeze3A_357 = vector.extract %slice3A_356[0] : i32 from vector<1xi32>
          %bitcast_convert_type3A = arith.bitcast %squeeze3A_357 : i32 to f32
          %jit3A_358 = arith.constant 0.000000e+00 : f32
          %select_n3A_359 = arith.select %and3A_355, %bitcast_convert_type3A, %jit3A_358 : f32
          %jit3A_360 = arith.constant 0 : i32
          %select_n3A_361 = arith.select %and3A_355, %sub3A_349, %jit3A_360 : i32
          %broadcast_in_dim3A_362 = vector.broadcast %select_n3A_359 : f32 to vector<16xf32>
          %parallel_loop3A_363 = arith.constant 0 : i32
          %parallel_loop3A_364 = arith.constant 64 : i32
          %parallel_loop3A_365 = arith.constant 1 : i32
          scf.for %parallel_loop3A_367 = %parallel_loop3A_363 to %parallel_loop3A_364 step %parallel_loop3A_365  : i32 {
            %parallel_loop3A_368 = arith.constant 16 : i32
            %parallel_loop3A_369 = arith.muli %parallel_loop3A_367, %parallel_loop3A_368 : i32
            %parallel_loop3A_370 = arith.index_cast %scan3A_340 : i32 to index
            %parallel_loop3A_371 = arith.index_cast %parallel_loop3A_369 : i32 to index
            %parallel_loop3A_372 = tpu.vector_load %arg12[%parallel_loop3A_370, %parallel_loop3A_371] {strides = array<i32>} : memref<24x1024xf32, #tpu.memory_space<vmem>>, vector<1x16xf32>,
            %parallel_loop3A_373 = vector.shape_cast %parallel_loop3A_372 : vector<1x16xf32> to vector<16xf32>
            %parallel_loop3A_374 = arith.constant 16 : i32
            %parallel_loop3A_375 = arith.muli %parallel_loop3A_367, %parallel_loop3A_374 : i32
            %parallel_loop3A_376 = arith.mulf %broadcast_in_dim3A_362, %parallel_loop3A_373 : vector<16xf32>
            %parallel_loop3A_377 = arith.index_cast %select_n3A_361 : i32 to index
            %parallel_loop3A_378 = arith.index_cast %parallel_loop3A_375 : i32 to index
            %parallel_loop3A_379 = tpu.vector_load %arg14[%parallel_loop3A_377, %parallel_loop3A_378] {strides = array<i32>} : memref<64x1024xf32, #tpu.memory_space<vmem>>, vector<1x16xf32>,
            %parallel_loop3A_380 = vector.shape_cast %parallel_loop3A_379 : vector<1x16xf32> to vector<16xf32>
            %parallel_loop3A_381 = vector.shape_cast %parallel_loop3A_376 : vector<16xf32> to vector<1x16xf32>
            tpu.vector_store %arg14[%parallel_loop3A_377, %parallel_loop3A_378], %parallel_loop3A_381 {add = true, strides = array<i32>} : memref<64x1024xf32, #tpu.memory_space<vmem>>, vector<1x16xf32>,
          } {sc.loop_unroll_factor = 8 : i64, sc.parallel_access}
          %scan3A_366 = arith.constant 0 : i32
          scf.yield %scan3A_366 : i32
        }
        %scan3A_259 = arith.constant 24 : i32
        %add3A_260 = arith.constant 2 : i32
        %add3A_261 = arith.addi %mul3A_212, %add3A_260 : i32
        %sub3A_262 = arith.constant 1 : i32
        %sub3A_263 = arith.subi %max3A_69, %sub3A_262 : i32
        %min3A_264 = arith.minsi %add3A_261, %sub3A_263 : i32
        %mul3A_265 = arith.constant 24 : i32
        %mul3A_266 = arith.muli %min3A_264, %mul3A_265 : i32
        %add3A_267 = arith.addi %mul3A_39, %mul3A_266 : i32
        %mul3A_268 = arith.constant 2 : i32
        %mul3A_269 = arith.muli %mul3A_268, %add3A_267 : i32
        %dma_start3A_270 = arith.constant 0 : i32
        %dma_start3A_271 = tpu.memref_slice %arg10[%dma_start3A_270] : memref<64xi32, #tpu.memory_space<vmem>> -> memref<48xi32, #tpu.memory_space<vmem>>
        %dma_start3A_272 = tpu.memref_slice %arg3[%mul3A_269] : memref<134512xi32, #tpu.memory_space<hbm>> -> memref<48xi32, #tpu.memory_space<hbm>>
        %dma_start3A_273 = arith.constant 0 : i32
        %dma_start3A_274 = tpu.memref_slice %arg10[%dma_start3A_273] : memref<64xi32, #tpu.memory_space<vmem>> -> memref<48xi32, #tpu.memory_space<vmem>>
        %dma_start3A_275 = tpu.memref_slice %arg3[%mul3A_269] : memref<134512xi32, #tpu.memory_space<hbm>> -> memref<48xi32, #tpu.memory_space<hbm>>
        tpu.enqueue_dma source(%dma_start3A_275 : memref<48xi32, #tpu.memory_space<hbm>>) target(%dma_start3A_274 : memref<48xi32, #tpu.memory_space<vmem>>) target_semaphore(%arg19 : memref<!tpu.dma_semaphore, #tpu.memory_space<semaphore_mem>>)
        %dma_wait3A_276 = arith.constant 0 : i32
        %dma_wait3A_277 = arith.constant 0 : i32
        %dma_wait3A_278 = tpu.memref_slice %arg2[%dma_wait3A_276, %dma_wait3A_277] : memref<4096x1024xf32, #tpu.memory_space<hbm>> -> memref<4096x1024xf32, #tpu.memory_space<hbm>>
        tpu.wait_indirect_dma semaphore(%arg16 : memref<!tpu.dma_semaphore, #tpu.memory_space<semaphore_mem>>) src(%dma_wait3A_278 : memref<4096x1024xf32, #tpu.memory_space<hbm>>) dst(%arg13 : memref<24x1024xf32, #tpu.memory_space<vmem>>)
        %add3A_279 = arith.constant 2 : i32
        %add3A_280 = arith.addi %mul3A_212, %add3A_279 : i32
        %sub3A_281 = arith.constant 1 : i32
        %sub3A_282 = arith.subi %max3A_69, %sub3A_281 : i32
        %min3A_283 = arith.minsi %add3A_280, %sub3A_282 : i32
        %mul3A_284 = arith.constant 24 : i32
        %mul3A_285 = arith.muli %min3A_283, %mul3A_284 : i32
        %add3A_286 = arith.addi %mul3A_39, %mul3A_285 : i32
        %dma_wait3A_287 = tpu.memref_slice %arg4[%add3A_286] : memref<67256xi32, #tpu.memory_space<hbm>> -> memref<24xi32, #tpu.memory_space<hbm>>
        %dma_wait3A_288 = tpu.memref_slice %arg4[%add3A_286] : memref<67256xi32, #tpu.memory_space<hbm>> -> memref<24xi32, #tpu.memory_space<hbm>>
        tpu.wait_dma2 semaphore(%arg17 : memref<!tpu.dma_semaphore, #tpu.memory_space<semaphore_mem>>) src(%dma_wait3A_288 : memref<24xi32, #tpu.memory_space<hbm>>) dst(%arg8 : memref<24xi32, #tpu.memory_space<vmem>>)
        %dma_start3A_289 = arith.constant 0 : i32
        %dma_start3A_290 = arith.constant 0 : i32
        %dma_start3A_291 = tpu.memref_slice %arg2[%dma_start3A_289, %dma_start3A_290] : memref<4096x1024xf32, #tpu.memory_space<hbm>> -> memref<4096x1024xf32, #tpu.memory_space<hbm>>
        tpu.enqueue_indirect_dma source(%dma_start3A_291 : memref<4096x1024xf32, #tpu.memory_space<hbm>>) target(%arg12 : memref<24x1024xf32, #tpu.memory_space<vmem>>) offsets(%arg8 : memref<24xi32, #tpu.memory_space<vmem>>) semaphore(%arg15 : memref<!tpu.dma_semaphore, #tpu.memory_space<semaphore_mem>>)
        %add3A_292 = arith.constant 2 : i32
        %add3A_293 = arith.addi %add3A_214, %add3A_292 : i32
        %sub3A_294 = arith.constant 1 : i32
        %sub3A_295 = arith.subi %max3A_69, %sub3A_294 : i32
        %min3A_296 = arith.minsi %add3A_293, %sub3A_295 : i32
        %mul3A_297 = arith.constant 24 : i32
        %mul3A_298 = arith.muli %min3A_296, %mul3A_297 : i32
        %add3A_299 = arith.addi %mul3A_39, %mul3A_298 : i32
        %dma_start3A_300 = tpu.memref_slice %arg4[%add3A_299] : memref<67256xi32, #tpu.memory_space<hbm>> -> memref<24xi32, #tpu.memory_space<hbm>>
        %dma_start3A_301 = tpu.memref_slice %arg4[%add3A_299] : memref<67256xi32, #tpu.memory_space<hbm>> -> memref<24xi32, #tpu.memory_space<hbm>>
        tpu.enqueue_dma source(%dma_start3A_301 : memref<24xi32, #tpu.memory_space<hbm>>) target(%arg9 : memref<24xi32, #tpu.memory_space<vmem>>) target_semaphore(%arg18 : memref<!tpu.dma_semaphore, #tpu.memory_space<semaphore_mem>>)
        %sub3A_302 = arith.constant 1 : i32
        %sub3A_303 = arith.subi %max3A_69, %sub3A_302 : i32
        %min3A_304 = arith.minsi %add3A_214, %sub3A_303 : i32
        %mul3A_305 = arith.constant 24 : i32
        %mul3A_306 = arith.muli %min3A_304, %mul3A_305 : i32
        %add3A_307 = arith.addi %mul3A_39, %mul3A_306 : i32
        %mul3A_308 = arith.constant 2 : i32
        %mul3A_309 = arith.muli %mul3A_308, %add3A_307 : i32
        %dma_wait3A_310 = arith.constant 0 : i32
        %dma_wait3A_311 = tpu.memref_slice %arg11[%dma_wait3A_310] : memref<64xi32, #tpu.memory_space<vmem>> -> memref<48xi32, #tpu.memory_space<vmem>>
        %dma_wait3A_312 = tpu.memref_slice %arg3[%mul3A_309] : memref<134512xi32, #tpu.memory_space<hbm>> -> memref<48xi32, #tpu.memory_space<hbm>>
        %dma_wait3A_313 = arith.constant 0 : i32
        %dma_wait3A_314 = tpu.memref_slice %arg11[%dma_wait3A_313] : memref<64xi32, #tpu.memory_space<vmem>> -> memref<48xi32, #tpu.memory_space<vmem>>
        %dma_wait3A_315 = tpu.memref_slice %arg3[%mul3A_309] : memref<134512xi32, #tpu.memory_space<hbm>> -> memref<48xi32, #tpu.memory_space<hbm>>
        tpu.wait_dma2 semaphore(%arg20 : memref<!tpu.dma_semaphore, #tpu.memory_space<semaphore_mem>>) src(%dma_wait3A_315 : memref<48xi32, #tpu.memory_space<hbm>>) dst(%dma_wait3A_314 : memref<48xi32, #tpu.memory_space<vmem>>)
        %lt3A = arith.cmpi slt, %add3A_214, %max3A_69 : i32
        %scan3A_316 = arith.constant 0 : i32
        %scan3A_317 = arith.constant 0 : i32
        %scan3A_318 = arith.constant 24 : i32
        %scan3A_319 = arith.addi %scan3A_317, %scan3A_318 : i32
        %scan3A_320 = arith.constant 1 : i32
        %scan3A_321 = scf.for %scan3A_340 = %scan3A_317 to %scan3A_319 step %scan3A_320 iter_args(%scan3A_341 = %scan3A_316) -> (i32)  : i32 {
          %mul3A_342 = arith.constant 2 : i32
          %mul3A_343 = arith.muli %mul3A_342, %scan3A_340 : i32
          %get3A_344 = arith.index_cast %mul3A_343 : i32 to index
          %get3A_345 = tpu.vector_load %arg11[%get3A_344] {strides = array<i32>} : memref<64xi32, #tpu.memory_space<vmem>>, vector<16xi32>,
          %get3A_346 = vector.shape_cast %get3A_345 : vector<16xi32> to vector<16xi32>
          %slice3A_347 = vector.extract_strided_slice %get3A_346 {offsets = [0], sizes = [1], strides = [1]} : vector<16xi32> to vector<1xi32>
          %squeeze3A_348 = vector.extract %slice3A_347[0] : i32 from vector<1xi32>
          %sub3A_349 = arith.subi %squeeze3A_348, %add3A_14 : i32
          %ge3A = arith.constant 0 : i32
          %ge3A_350 = arith.cmpi sge, %sub3A_349, %ge3A : i32
          %lt3A_351 = arith.constant 64 : i32
          %lt3A_352 = arith.cmpi slt, %sub3A_349, %lt3A_351 : i32
          %and3A_353 = arith.andi %ge3A_350, %lt3A_352 : i1
          %and3A_354 = arith.andi %and3A_353, %lt3A : i1
          %slice3A_355 = vector.extract_strided_slice %get3A_346 {offsets = [1], sizes = [1], strides = [1]} : vector<16xi32> to vector<1xi32>
          %squeeze3A_356 = vector.extract %slice3A_355[0] : i32 from vector<1xi32>
          %bitcast_convert_type3A = arith.bitcast %squeeze3A_356 : i32 to f32
          %jit3A_357 = arith.constant 0.000000e+00 : f32
          %select_n3A_358 = arith.select %and3A_354, %bitcast_convert_type3A, %jit3A_357 : f32
          %jit3A_359 = arith.constant 0 : i32
          %select_n3A_360 = arith.select %and3A_354, %sub3A_349, %jit3A_359 : i32
          %broadcast_in_dim3A_361 = vector.broadcast %select_n3A_358 : f32 to vector<16xf32>
          %parallel_loop3A_362 = arith.constant 0 : i32
          %parallel_loop3A_363 = arith.constant 64 : i32
          %parallel_loop3A_364 = arith.constant 1 : i32
          scf.for %parallel_loop3A_366 = %parallel_loop3A_362 to %parallel_loop3A_363 step %parallel_loop3A_364  : i32 {
            %parallel_loop3A_367 = arith.constant 16 : i32
            %parallel_loop3A_368 = arith.muli %parallel_loop3A_366, %parallel_loop3A_367 : i32
            %parallel_loop3A_369 = arith.index_cast %scan3A_340 : i32 to index
            %parallel_loop3A_370 = arith.index_cast %parallel_loop3A_368 : i32 to index
            %parallel_loop3A_371 = tpu.vector_load %arg13[%parallel_loop3A_369, %parallel_loop3A_370] {strides = array<i32>} : memref<24x1024xf32, #tpu.memory_space<vmem>>, vector<1x16xf32>,
            %parallel_loop3A_372 = vector.shape_cast %parallel_loop3A_371 : vector<1x16xf32> to vector<16xf32>
            %parallel_loop3A_373 = arith.constant 16 : i32
            %parallel_loop3A_374 = arith.muli %parallel_loop3A_366, %parallel_loop3A_373 : i32
            %parallel_loop3A_375 = arith.mulf %broadcast_in_dim3A_361, %parallel_loop3A_372 : vector<16xf32>
            %parallel_loop3A_376 = arith.index_cast %select_n3A_360 : i32 to index
            %parallel_loop3A_377 = arith.index_cast %parallel_loop3A_374 : i32 to index
            %parallel_loop3A_378 = tpu.vector_load %arg14[%parallel_loop3A_376, %parallel_loop3A_377] {strides = array<i32>} : memref<64x1024xf32, #tpu.memory_space<vmem>>, vector<1x16xf32>,
            %parallel_loop3A_379 = vector.shape_cast %parallel_loop3A_378 : vector<1x16xf32> to vector<16xf32>
            %parallel_loop3A_380 = vector.shape_cast %parallel_loop3A_375 : vector<16xf32> to vector<1x16xf32>
            tpu.vector_store %arg14[%parallel_loop3A_376, %parallel_loop3A_377], %parallel_loop3A_380 {add = true, strides = array<i32>} : memref<64x1024xf32, #tpu.memory_space<vmem>>, vector<1x16xf32>,
          } {sc.loop_unroll_factor = 8 : i64, sc.parallel_access}
          %scan3A_365 = arith.constant 0 : i32
          scf.yield %scan3A_365 : i32
        }
        %scan3A_322 = arith.constant 24 : i32
        %add3A_323 = arith.constant 2 : i32
        %add3A_324 = arith.addi %add3A_214, %add3A_323 : i32
        %sub3A_325 = arith.constant 1 : i32
        %sub3A_326 = arith.subi %max3A_69, %sub3A_325 : i32
        %min3A_327 = arith.minsi %add3A_324, %sub3A_326 : i32
        %mul3A_328 = arith.constant 24 : i32
        %mul3A_329 = arith.muli %min3A_327, %mul3A_328 : i32
        %add3A_330 = arith.addi %mul3A_39, %mul3A_329 : i32
        %mul3A_331 = arith.constant 2 : i32
        %mul3A_332 = arith.muli %mul3A_331, %add3A_330 : i32
        %dma_start3A_333 = arith.constant 0 : i32
        %dma_start3A_334 = tpu.memref_slice %arg11[%dma_start3A_333] : memref<64xi32, #tpu.memory_space<vmem>> -> memref<48xi32, #tpu.memory_space<vmem>>
        %dma_start3A_335 = tpu.memref_slice %arg3[%mul3A_332] : memref<134512xi32, #tpu.memory_space<hbm>> -> memref<48xi32, #tpu.memory_space<hbm>>
        %dma_start3A_336 = arith.constant 0 : i32
        %dma_start3A_337 = tpu.memref_slice %arg11[%dma_start3A_336] : memref<64xi32, #tpu.memory_space<vmem>> -> memref<48xi32, #tpu.memory_space<vmem>>
        %dma_start3A_338 = tpu.memref_slice %arg3[%mul3A_332] : memref<134512xi32, #tpu.memory_space<hbm>> -> memref<48xi32, #tpu.memory_space<hbm>>
        tpu.enqueue_dma source(%dma_start3A_338 : memref<48xi32, #tpu.memory_space<hbm>>) target(%dma_start3A_337 : memref<48xi32, #tpu.memory_space<vmem>>) target_semaphore(%arg20 : memref<!tpu.dma_semaphore, #tpu.memory_space<semaphore_mem>>)
        %while3A_339 = arith.constant 0 : i32
        scf.yield %while3A_339 : i32
      }
      %while3A_164 = arith.constant 1 : i32
      %while3A_165 = scf.for %while3A_209 = %while3A_161 to %while3A_157 step %while3A_164 iter_args(%while3A_210 = %while3A_163) -> (i32)  : i32 {
        %mul3A_211 = arith.constant 2 : i32
        %mul3A_212 = arith.muli %mul3A_211, %while3A_209 : i32
        %add3A_213 = arith.constant 1 : i32
        %add3A_214 = arith.addi %mul3A_212, %add3A_213 : i32
        %dma_wait3A_215 = arith.constant 0 : i32
        %dma_wait3A_216 = arith.constant 0 : i32
        %dma_wait3A_217 = tpu.memref_slice %arg2[%dma_wait3A_215, %dma_wait3A_216] : memref<4096x1024xf32, #tpu.memory_space<hbm>> -> memref<4096x1024xf32, #tpu.memory_space<hbm>>
        tpu.wait_indirect_dma semaphore(%arg15 : memref<!tpu.dma_semaphore, #tpu.memory_space<semaphore_mem>>) src(%dma_wait3A_217 : memref<4096x1024xf32, #tpu.memory_space<hbm>>) dst(%arg12 : memref<24x1024xf32, #tpu.memory_space<vmem>>)
        %sub3A_218 = arith.constant 1 : i32
        %sub3A_219 = arith.subi %max3A_69, %sub3A_218 : i32
        %min3A_220 = arith.minsi %add3A_214, %sub3A_219 : i32
        %mul3A_221 = arith.constant 24 : i32
        %mul3A_222 = arith.muli %min3A_220, %mul3A_221 : i32
        %add3A_223 = arith.addi %mul3A_39, %mul3A_222 : i32
        %dma_wait3A_224 = tpu.memref_slice %arg4[%add3A_223] : memref<67256xi32, #tpu.memory_space<hbm>> -> memref<24xi32, #tpu.memory_space<hbm>>
        %dma_wait3A_225 = tpu.memref_slice %arg4[%add3A_223] : memref<67256xi32, #tpu.memory_space<hbm>> -> memref<24xi32, #tpu.memory_space<hbm>>
        tpu.wait_dma2 semaphore(%arg18 : memref<!tpu.dma_semaphore, #tpu.memory_space<semaphore_mem>>) src(%dma_wait3A_225 : memref<24xi32, #tpu.memory_space<hbm>>) dst(%arg9 : memref<24xi32, #tpu.memory_space<vmem>>)
        %dma_start3A_226 = arith.constant 0 : i32
        %dma_start3A_227 = arith.constant 0 : i32
        %dma_start3A_228 = tpu.memref_slice %arg2[%dma_start3A_226, %dma_start3A_227] : memref<4096x1024xf32, #tpu.memory_space<hbm>> -> memref<4096x1024xf32, #tpu.memory_space<hbm>>
        tpu.enqueue_indirect_dma source(%dma_start3A_228 : memref<4096x1024xf32, #tpu.memory_space<hbm>>) target(%arg13 : memref<24x1024xf32, #tpu.memory_space<vmem>>) offsets(%arg9 : memref<24xi32, #tpu.memory_space<vmem>>) semaphore(%arg16 : memref<!tpu.dma_semaphore, #tpu.memory_space<semaphore_mem>>)
        %add3A_229 = arith.constant 2 : i32
        %add3A_230 = arith.addi %mul3A_212, %add3A_229 : i32
        %sub3A_231 = arith.constant 1 : i32
        %sub3A_232 = arith.subi %max3A_69, %sub3A_231 : i32
        %min3A_233 = arith.minsi %add3A_230, %sub3A_232 : i32
        %mul3A_234 = arith.constant 24 : i32
        %mul3A_235 = arith.muli %min3A_233, %mul3A_234 : i32
        %add3A_236 = arith.addi %mul3A_39, %mul3A_235 : i32
        %dma_start3A_237 = tpu.memref_slice %arg4[%add3A_236] : memref<67256xi32, #tpu.memory_space<hbm>> -> memref<24xi32, #tpu.memory_space<hbm>>
        %dma_start3A_238 = tpu.memref_slice %arg4[%add3A_236] : memref<67256xi32, #tpu.memory_space<hbm>> -> memref<24xi32, #tpu.memory_space<hbm>>
        tpu.enqueue_dma source(%dma_start3A_238 : memref<24xi32, #tpu.memory_space<hbm>>) target(%arg8 : memref<24xi32, #tpu.memory_space<vmem>>) target_semaphore(%arg17 : memref<!tpu.dma_semaphore, #tpu.memory_space<semaphore_mem>>)
        %sub3A_239 = arith.constant 1 : i32
        %sub3A_240 = arith.subi %max3A_69, %sub3A_239 : i32
        %min3A_241 = arith.minsi %mul3A_212, %sub3A_240 : i32
        %mul3A_242 = arith.constant 24 : i32
        %mul3A_243 = arith.muli %min3A_241, %mul3A_242 : i32
        %add3A_244 = arith.addi %mul3A_39, %mul3A_243 : i32
        %mul3A_245 = arith.constant 2 : i32
        %mul3A_246 = arith.muli %mul3A_245, %add3A_244 : i32
        %dma_wait3A_247 = arith.constant 0 : i32
        %dma_wait3A_248 = tpu.memref_slice %arg10[%dma_wait3A_247] : memref<64xi32, #tpu.memory_space<vmem>> -> memref<48xi32, #tpu.memory_space<vmem>>
        %dma_wait3A_249 = tpu.memref_slice %arg3[%mul3A_246] : memref<134512xi32, #tpu.memory_space<hbm>> -> memref<48xi32, #tpu.memory_space<hbm>>
        %dma_wait3A_250 = arith.constant 0 : i32
        %dma_wait3A_251 = tpu.memref_slice %arg10[%dma_wait3A_250] : memref<64xi32, #tpu.memory_space<vmem>> -> memref<48xi32, #tpu.memory_space<vmem>>
        %dma_wait3A_252 = tpu.memref_slice %arg3[%mul3A_246] : memref<134512xi32, #tpu.memory_space<hbm>> -> memref<48xi32, #tpu.memory_space<hbm>>
        tpu.wait_dma2 semaphore(%arg19 : memref<!tpu.dma_semaphore, #tpu.memory_space<semaphore_mem>>) src(%dma_wait3A_252 : memref<48xi32, #tpu.memory_space<hbm>>) dst(%dma_wait3A_251 : memref<48xi32, #tpu.memory_space<vmem>>)
        %scan3A_253 = arith.constant 0 : i32
        %scan3A_254 = arith.constant 0 : i32
        %scan3A_255 = arith.constant 24 : i32
        %scan3A_256 = arith.addi %scan3A_254, %scan3A_255 : i32
        %scan3A_257 = arith.constant 1 : i32
        %scan3A_258 = scf.for %scan3A_340 = %scan3A_254 to %scan3A_256 step %scan3A_257 iter_args(%scan3A_341 = %scan3A_253) -> (i32)  : i32 {
          %mul3A_342 = arith.constant 2 : i32
          %mul3A_343 = arith.muli %mul3A_342, %scan3A_340 : i32
          %get3A_344 = arith.index_cast %mul3A_343 : i32 to index
          %get3A_345 = tpu.vector_load %arg10[%get3A_344] {strides = array<i32>} : memref<64xi32, #tpu.memory_space<vmem>>, vector<16xi32>,
          %get3A_346 = vector.shape_cast %get3A_345 : vector<16xi32> to vector<16xi32>
          %slice3A_347 = vector.extract_strided_slice %get3A_346 {offsets = [0], sizes = [1], strides = [1]} : vector<16xi32> to vector<1xi32>
          %squeeze3A_348 = vector.extract %slice3A_347[0] : i32 from vector<1xi32>
          %sub3A_349 = arith.subi %squeeze3A_348, %add3A_14 : i32
          %ge3A = arith.constant 0 : i32
          %ge3A_350 = arith.cmpi sge, %sub3A_349, %ge3A : i32
          %lt3A_351 = arith.constant 64 : i32
          %lt3A_352 = arith.cmpi slt, %sub3A_349, %lt3A_351 : i32
          %and3A_353 = arith.andi %ge3A_350, %lt3A_352 : i1
          %and3A_354 = arith.constant true
          %and3A_355 = arith.andi %and3A_353, %and3A_354 : i1
          %slice3A_356 = vector.extract_strided_slice %get3A_346 {offsets = [1], sizes = [1], strides = [1]} : vector<16xi32> to vector<1xi32>
          %squeeze3A_357 = vector.extract %slice3A_356[0] : i32 from vector<1xi32>
          %bitcast_convert_type3A = arith.bitcast %squeeze3A_357 : i32 to f32
          %jit3A_358 = arith.constant 0.000000e+00 : f32
          %select_n3A_359 = arith.select %and3A_355, %bitcast_convert_type3A, %jit3A_358 : f32
          %jit3A_360 = arith.constant 0 : i32
          %select_n3A_361 = arith.select %and3A_355, %sub3A_349, %jit3A_360 : i32
          %broadcast_in_dim3A_362 = vector.broadcast %select_n3A_359 : f32 to vector<16xf32>
          %parallel_loop3A_363 = arith.constant 0 : i32
          %parallel_loop3A_364 = arith.constant 64 : i32
          %parallel_loop3A_365 = arith.constant 1 : i32
          scf.for %parallel_loop3A_367 = %parallel_loop3A_363 to %parallel_loop3A_364 step %parallel_loop3A_365  : i32 {
            %parallel_loop3A_368 = arith.constant 16 : i32
            %parallel_loop3A_369 = arith.muli %parallel_loop3A_367, %parallel_loop3A_368 : i32
            %parallel_loop3A_370 = arith.index_cast %scan3A_340 : i32 to index
            %parallel_loop3A_371 = arith.index_cast %parallel_loop3A_369 : i32 to index
            %parallel_loop3A_372 = tpu.vector_load %arg12[%parallel_loop3A_370, %parallel_loop3A_371] {strides = array<i32>} : memref<24x1024xf32, #tpu.memory_space<vmem>>, vector<1x16xf32>,
            %parallel_loop3A_373 = vector.shape_cast %parallel_loop3A_372 : vector<1x16xf32> to vector<16xf32>
            %parallel_loop3A_374 = arith.constant 16 : i32
            %parallel_loop3A_375 = arith.muli %parallel_loop3A_367, %parallel_loop3A_374 : i32
            %parallel_loop3A_376 = arith.mulf %broadcast_in_dim3A_362, %parallel_loop3A_373 : vector<16xf32>
            %parallel_loop3A_377 = arith.index_cast %select_n3A_361 : i32 to index
            %parallel_loop3A_378 = arith.index_cast %parallel_loop3A_375 : i32 to index
            %parallel_loop3A_379 = tpu.vector_load %arg14[%parallel_loop3A_377, %parallel_loop3A_378] {strides = array<i32>} : memref<64x1024xf32, #tpu.memory_space<vmem>>, vector<1x16xf32>,
            %parallel_loop3A_380 = vector.shape_cast %parallel_loop3A_379 : vector<1x16xf32> to vector<16xf32>
            %parallel_loop3A_381 = vector.shape_cast %parallel_loop3A_376 : vector<16xf32> to vector<1x16xf32>
            tpu.vector_store %arg14[%parallel_loop3A_377, %parallel_loop3A_378], %parallel_loop3A_381 {add = true, strides = array<i32>} : memref<64x1024xf32, #tpu.memory_space<vmem>>, vector<1x16xf32>,
          } {sc.loop_unroll_factor = 8 : i64, sc.parallel_access}
          %scan3A_366 = arith.constant 0 : i32
          scf.yield %scan3A_366 : i32
        }
        %scan3A_259 = arith.constant 24 : i32
        %add3A_260 = arith.constant 2 : i32
        %add3A_261 = arith.addi %mul3A_212, %add3A_260 : i32
        %sub3A_262 = arith.constant 1 : i32
        %sub3A_263 = arith.subi %max3A_69, %sub3A_262 : i32
        %min3A_264 = arith.minsi %add3A_261, %sub3A_263 : i32
        %mul3A_265 = arith.constant 24 : i32
        %mul3A_266 = arith.muli %min3A_264, %mul3A_265 : i32
        %add3A_267 = arith.addi %mul3A_39, %mul3A_266 : i32
        %mul3A_268 = arith.constant 2 : i32
        %mul3A_269 = arith.muli %mul3A_268, %add3A_267 : i32
        %dma_start3A_270 = arith.constant 0 : i32
        %dma_start3A_271 = tpu.memref_slice %arg10[%dma_start3A_270] : memref<64xi32, #tpu.memory_space<vmem>> -> memref<48xi32, #tpu.memory_space<vmem>>
        %dma_start3A_272 = tpu.memref_slice %arg3[%mul3A_269] : memref<134512xi32, #tpu.memory_space<hbm>> -> memref<48xi32, #tpu.memory_space<hbm>>
        %dma_start3A_273 = arith.constant 0 : i32
        %dma_start3A_274 = tpu.memref_slice %arg10[%dma_start3A_273] : memref<64xi32, #tpu.memory_space<vmem>> -> memref<48xi32, #tpu.memory_space<vmem>>
        %dma_start3A_275 = tpu.memref_slice %arg3[%mul3A_269] : memref<134512xi32, #tpu.memory_space<hbm>> -> memref<48xi32, #tpu.memory_space<hbm>>
        tpu.enqueue_dma source(%dma_start3A_275 : memref<48xi32, #tpu.memory_space<hbm>>) target(%dma_start3A_274 : memref<48xi32, #tpu.memory_space<vmem>>) target_semaphore(%arg19 : memref<!tpu.dma_semaphore, #tpu.memory_space<semaphore_mem>>)
        %dma_wait3A_276 = arith.constant 0 : i32
        %dma_wait3A_277 = arith.constant 0 : i32
        %dma_wait3A_278 = tpu.memref_slice %arg2[%dma_wait3A_276, %dma_wait3A_277] : memref<4096x1024xf32, #tpu.memory_space<hbm>> -> memref<4096x1024xf32, #tpu.memory_space<hbm>>
        tpu.wait_indirect_dma semaphore(%arg16 : memref<!tpu.dma_semaphore, #tpu.memory_space<semaphore_mem>>) src(%dma_wait3A_278 : memref<4096x1024xf32, #tpu.memory_space<hbm>>) dst(%arg13 : memref<24x1024xf32, #tpu.memory_space<vmem>>)
        %add3A_279 = arith.constant 2 : i32
        %add3A_280 = arith.addi %mul3A_212, %add3A_279 : i32
        %sub3A_281 = arith.constant 1 : i32
        %sub3A_282 = arith.subi %max3A_69, %sub3A_281 : i32
        %min3A_283 = arith.minsi %add3A_280, %sub3A_282 : i32
        %mul3A_284 = arith.constant 24 : i32
        %mul3A_285 = arith.muli %min3A_283, %mul3A_284 : i32
        %add3A_286 = arith.addi %mul3A_39, %mul3A_285 : i32
        %dma_wait3A_287 = tpu.memref_slice %arg4[%add3A_286] : memref<67256xi32, #tpu.memory_space<hbm>> -> memref<24xi32, #tpu.memory_space<hbm>>
        %dma_wait3A_288 = tpu.memref_slice %arg4[%add3A_286] : memref<67256xi32, #tpu.memory_space<hbm>> -> memref<24xi32, #tpu.memory_space<hbm>>
        tpu.wait_dma2 semaphore(%arg17 : memref<!tpu.dma_semaphore, #tpu.memory_space<semaphore_mem>>) src(%dma_wait3A_288 : memref<24xi32, #tpu.memory_space<hbm>>) dst(%arg8 : memref<24xi32, #tpu.memory_space<vmem>>)
        %dma_start3A_289 = arith.constant 0 : i32
        %dma_start3A_290 = arith.constant 0 : i32
        %dma_start3A_291 = tpu.memref_slice %arg2[%dma_start3A_289, %dma_start3A_290] : memref<4096x1024xf32, #tpu.memory_space<hbm>> -> memref<4096x1024xf32, #tpu.memory_space<hbm>>
        tpu.enqueue_indirect_dma source(%dma_start3A_291 : memref<4096x1024xf32, #tpu.memory_space<hbm>>) target(%arg12 : memref<24x1024xf32, #tpu.memory_space<vmem>>) offsets(%arg8 : memref<24xi32, #tpu.memory_space<vmem>>) semaphore(%arg15 : memref<!tpu.dma_semaphore, #tpu.memory_space<semaphore_mem>>)
        %add3A_292 = arith.constant 2 : i32
        %add3A_293 = arith.addi %add3A_214, %add3A_292 : i32
        %sub3A_294 = arith.constant 1 : i32
        %sub3A_295 = arith.subi %max3A_69, %sub3A_294 : i32
        %min3A_296 = arith.minsi %add3A_293, %sub3A_295 : i32
        %mul3A_297 = arith.constant 24 : i32
        %mul3A_298 = arith.muli %min3A_296, %mul3A_297 : i32
        %add3A_299 = arith.addi %mul3A_39, %mul3A_298 : i32
        %dma_start3A_300 = tpu.memref_slice %arg4[%add3A_299] : memref<67256xi32, #tpu.memory_space<hbm>> -> memref<24xi32, #tpu.memory_space<hbm>>
        %dma_start3A_301 = tpu.memref_slice %arg4[%add3A_299] : memref<67256xi32, #tpu.memory_space<hbm>> -> memref<24xi32, #tpu.memory_space<hbm>>
        tpu.enqueue_dma source(%dma_start3A_301 : memref<24xi32, #tpu.memory_space<hbm>>) target(%arg9 : memref<24xi32, #tpu.memory_space<vmem>>) target_semaphore(%arg18 : memref<!tpu.dma_semaphore, #tpu.memory_space<semaphore_mem>>)
        %sub3A_302 = arith.constant 1 : i32
        %sub3A_303 = arith.subi %max3A_69, %sub3A_302 : i32
        %min3A_304 = arith.minsi %add3A_214, %sub3A_303 : i32
        %mul3A_305 = arith.constant 24 : i32
        %mul3A_306 = arith.muli %min3A_304, %mul3A_305 : i32
        %add3A_307 = arith.addi %mul3A_39, %mul3A_306 : i32
        %mul3A_308 = arith.constant 2 : i32
        %mul3A_309 = arith.muli %mul3A_308, %add3A_307 : i32
        %dma_wait3A_310 = arith.constant 0 : i32
        %dma_wait3A_311 = tpu.memref_slice %arg11[%dma_wait3A_310] : memref<64xi32, #tpu.memory_space<vmem>> -> memref<48xi32, #tpu.memory_space<vmem>>
        %dma_wait3A_312 = tpu.memref_slice %arg3[%mul3A_309] : memref<134512xi32, #tpu.memory_space<hbm>> -> memref<48xi32, #tpu.memory_space<hbm>>
        %dma_wait3A_313 = arith.constant 0 : i32
        %dma_wait3A_314 = tpu.memref_slice %arg11[%dma_wait3A_313] : memref<64xi32, #tpu.memory_space<vmem>> -> memref<48xi32, #tpu.memory_space<vmem>>
        %dma_wait3A_315 = tpu.memref_slice %arg3[%mul3A_309] : memref<134512xi32, #tpu.memory_space<hbm>> -> memref<48xi32, #tpu.memory_space<hbm>>
        tpu.wait_dma2 semaphore(%arg20 : memref<!tpu.dma_semaphore, #tpu.memory_space<semaphore_mem>>) src(%dma_wait3A_315 : memref<48xi32, #tpu.memory_space<hbm>>) dst(%dma_wait3A_314 : memref<48xi32, #tpu.memory_space<vmem>>)
        %lt3A = arith.cmpi slt, %add3A_214, %max3A_69 : i32
        %scan3A_316 = arith.constant 0 : i32
        %scan3A_317 = arith.constant 0 : i32
        %scan3A_318 = arith.constant 24 : i32
        %scan3A_319 = arith.addi %scan3A_317, %scan3A_318 : i32
        %scan3A_320 = arith.constant 1 : i32
        %scan3A_321 = scf.for %scan3A_340 = %scan3A_317 to %scan3A_319 step %scan3A_320 iter_args(%scan3A_341 = %scan3A_316) -> (i32)  : i32 {
          %mul3A_342 = arith.constant 2 : i32
          %mul3A_343 = arith.muli %mul3A_342, %scan3A_340 : i32
          %get3A_344 = arith.index_cast %mul3A_343 : i32 to index
          %get3A_345 = tpu.vector_load %arg11[%get3A_344] {strides = array<i32>} : memref<64xi32, #tpu.memory_space<vmem>>, vector<16xi32>,
          %get3A_346 = vector.shape_cast %get3A_345 : vector<16xi32> to vector<16xi32>
          %slice3A_347 = vector.extract_strided_slice %get3A_346 {offsets = [0], sizes = [1], strides = [1]} : vector<16xi32> to vector<1xi32>
          %squeeze3A_348 = vector.extract %slice3A_347[0] : i32 from vector<1xi32>
          %sub3A_349 = arith.subi %squeeze3A_348, %add3A_14 : i32
          %ge3A = arith.constant 0 : i32
          %ge3A_350 = arith.cmpi sge, %sub3A_349, %ge3A : i32
          %lt3A_351 = arith.constant 64 : i32
          %lt3A_352 = arith.cmpi slt, %sub3A_349, %lt3A_351 : i32
          %and3A_353 = arith.andi %ge3A_350, %lt3A_352 : i1
          %and3A_354 = arith.andi %and3A_353, %lt3A : i1
          %slice3A_355 = vector.extract_strided_slice %get3A_346 {offsets = [1], sizes = [1], strides = [1]} : vector<16xi32> to vector<1xi32>
          %squeeze3A_356 = vector.extract %slice3A_355[0] : i32 from vector<1xi32>
          %bitcast_convert_type3A = arith.bitcast %squeeze3A_356 : i32 to f32
          %jit3A_357 = arith.constant 0.000000e+00 : f32
          %select_n3A_358 = arith.select %and3A_354, %bitcast_convert_type3A, %jit3A_357 : f32
          %jit3A_359 = arith.constant 0 : i32
          %select_n3A_360 = arith.select %and3A_354, %sub3A_349, %jit3A_359 : i32
          %broadcast_in_dim3A_361 = vector.broadcast %select_n3A_358 : f32 to vector<16xf32>
          %parallel_loop3A_362 = arith.constant 0 : i32
          %parallel_loop3A_363 = arith.constant 64 : i32
          %parallel_loop3A_364 = arith.constant 1 : i32
          scf.for %parallel_loop3A_366 = %parallel_loop3A_362 to %parallel_loop3A_363 step %parallel_loop3A_364  : i32 {
            %parallel_loop3A_367 = arith.constant 16 : i32
            %parallel_loop3A_368 = arith.muli %parallel_loop3A_366, %parallel_loop3A_367 : i32
            %parallel_loop3A_369 = arith.index_cast %scan3A_340 : i32 to index
            %parallel_loop3A_370 = arith.index_cast %parallel_loop3A_368 : i32 to index
            %parallel_loop3A_371 = tpu.vector_load %arg13[%parallel_loop3A_369, %parallel_loop3A_370] {strides = array<i32>} : memref<24x1024xf32, #tpu.memory_space<vmem>>, vector<1x16xf32>,
            %parallel_loop3A_372 = vector.shape_cast %parallel_loop3A_371 : vector<1x16xf32> to vector<16xf32>
            %parallel_loop3A_373 = arith.constant 16 : i32
            %parallel_loop3A_374 = arith.muli %parallel_loop3A_366, %parallel_loop3A_373 : i32
            %parallel_loop3A_375 = arith.mulf %broadcast_in_dim3A_361, %parallel_loop3A_372 : vector<16xf32>
            %parallel_loop3A_376 = arith.index_cast %select_n3A_360 : i32 to index
            %parallel_loop3A_377 = arith.index_cast %parallel_loop3A_374 : i32 to index
            %parallel_loop3A_378 = tpu.vector_load %arg14[%parallel_loop3A_376, %parallel_loop3A_377] {strides = array<i32>} : memref<64x1024xf32, #tpu.memory_space<vmem>>, vector<1x16xf32>,
            %parallel_loop3A_379 = vector.shape_cast %parallel_loop3A_378 : vector<1x16xf32> to vector<16xf32>
            %parallel_loop3A_380 = vector.shape_cast %parallel_loop3A_375 : vector<16xf32> to vector<1x16xf32>
            tpu.vector_store %arg14[%parallel_loop3A_376, %parallel_loop3A_377], %parallel_loop3A_380 {add = true, strides = array<i32>} : memref<64x1024xf32, #tpu.memory_space<vmem>>, vector<1x16xf32>,
          } {sc.loop_unroll_factor = 8 : i64, sc.parallel_access}
          %scan3A_365 = arith.constant 0 : i32
          scf.yield %scan3A_365 : i32
        }
        %scan3A_322 = arith.constant 24 : i32
        %add3A_323 = arith.constant 2 : i32
        %add3A_324 = arith.addi %add3A_214, %add3A_323 : i32
        %sub3A_325 = arith.constant 1 : i32
        %sub3A_326 = arith.subi %max3A_69, %sub3A_325 : i32
        %min3A_327 = arith.minsi %add3A_324, %sub3A_326 : i32
        %mul3A_328 = arith.constant 24 : i32
        %mul3A_329 = arith.muli %min3A_327, %mul3A_328 : i32
        %add3A_330 = arith.addi %mul3A_39, %mul3A_329 : i32
        %mul3A_331 = arith.constant 2 : i32
        %mul3A_332 = arith.muli %mul3A_331, %add3A_330 : i32
        %dma_start3A_333 = arith.constant 0 : i32
        %dma_start3A_334 = tpu.memref_slice %arg11[%dma_start3A_333] : memref<64xi32, #tpu.memory_space<vmem>> -> memref<48xi32, #tpu.memory_space<vmem>>
        %dma_start3A_335 = tpu.memref_slice %arg3[%mul3A_332] : memref<134512xi32, #tpu.memory_space<hbm>> -> memref<48xi32, #tpu.memory_space<hbm>>
        %dma_start3A_336 = arith.constant 0 : i32
        %dma_start3A_337 = tpu.memref_slice %arg11[%dma_start3A_336] : memref<64xi32, #tpu.memory_space<vmem>> -> memref<48xi32, #tpu.memory_space<vmem>>
        %dma_start3A_338 = tpu.memref_slice %arg3[%mul3A_332] : memref<134512xi32, #tpu.memory_space<hbm>> -> memref<48xi32, #tpu.memory_space<hbm>>
        tpu.enqueue_dma source(%dma_start3A_338 : memref<48xi32, #tpu.memory_space<hbm>>) target(%dma_start3A_337 : memref<48xi32, #tpu.memory_space<vmem>>) target_semaphore(%arg20 : memref<!tpu.dma_semaphore, #tpu.memory_space<semaphore_mem>>)
        %while3A_339 = arith.constant 0 : i32
        scf.yield %while3A_339 : i32
      }
      %dma_wait3A_166 = arith.constant 0 : i32
      %dma_wait3A_167 = arith.constant 0 : i32
      %dma_wait3A_168 = tpu.memref_slice %arg2[%dma_wait3A_166, %dma_wait3A_167] : memref<4096x1024xf32, #tpu.memory_space<hbm>> -> memref<4096x1024xf32, #tpu.memory_space<hbm>>
      tpu.wait_indirect_dma semaphore(%arg15 : memref<!tpu.dma_semaphore, #tpu.memory_space<semaphore_mem>>) src(%dma_wait3A_168 : memref<4096x1024xf32, #tpu.memory_space<hbm>>) dst(%arg12 : memref<24x1024xf32, #tpu.memory_space<vmem>>)
      %sub3A_169 = arith.constant 1 : i32
      %sub3A_170 = arith.subi %max3A_69, %sub3A_169 : i32
      %min3A_171 = arith.constant 0 : i32
      %min3A_172 = arith.minsi %min3A_171, %sub3A_170 : i32
      %mul3A_173 = arith.constant 24 : i32
      %mul3A_174 = arith.muli %min3A_172, %mul3A_173 : i32
      %add3A_175 = arith.addi %mul3A_39, %mul3A_174 : i32
      %dma_wait3A_176 = tpu.memref_slice %arg4[%add3A_175] : memref<67256xi32, #tpu.memory_space<hbm>> -> memref<24xi32, #tpu.memory_space<hbm>>
      %dma_wait3A_177 = tpu.memref_slice %arg4[%add3A_175] : memref<67256xi32, #tpu.memory_space<hbm>> -> memref<24xi32, #tpu.memory_space<hbm>>
      tpu.wait_dma2 semaphore(%arg18 : memref<!tpu.dma_semaphore, #tpu.memory_space<semaphore_mem>>) src(%dma_wait3A_177 : memref<24xi32, #tpu.memory_space<hbm>>) dst(%arg9 : memref<24xi32, #tpu.memory_space<vmem>>)
      %sub3A_178 = arith.constant 1 : i32
      %sub3A_179 = arith.subi %max3A_69, %sub3A_178 : i32
      %min3A_180 = arith.constant 0 : i32
      %min3A_181 = arith.minsi %min3A_180, %sub3A_179 : i32
      %mul3A_182 = arith.constant 24 : i32
      %mul3A_183 = arith.muli %min3A_181, %mul3A_182 : i32
      %add3A_184 = arith.addi %mul3A_39, %mul3A_183 : i32
      %mul3A_185 = arith.constant 2 : i32
      %mul3A_186 = arith.muli %mul3A_185, %add3A_184 : i32
      %dma_wait3A_187 = arith.constant 0 : i32
      %dma_wait3A_188 = tpu.memref_slice %arg10[%dma_wait3A_187] : memref<64xi32, #tpu.memory_space<vmem>> -> memref<48xi32, #tpu.memory_space<vmem>>
      %dma_wait3A_189 = tpu.memref_slice %arg3[%mul3A_186] : memref<134512xi32, #tpu.memory_space<hbm>> -> memref<48xi32, #tpu.memory_space<hbm>>
      %dma_wait3A_190 = arith.constant 0 : i32
      %dma_wait3A_191 = tpu.memref_slice %arg10[%dma_wait3A_190] : memref<64xi32, #tpu.memory_space<vmem>> -> memref<48xi32, #tpu.memory_space<vmem>>
      %dma_wait3A_192 = tpu.memref_slice %arg3[%mul3A_186] : memref<134512xi32, #tpu.memory_space<hbm>> -> memref<48xi32, #tpu.memory_space<hbm>>
      tpu.wait_dma2 semaphore(%arg19 : memref<!tpu.dma_semaphore, #tpu.memory_space<semaphore_mem>>) src(%dma_wait3A_192 : memref<48xi32, #tpu.memory_space<hbm>>) dst(%dma_wait3A_191 : memref<48xi32, #tpu.memory_space<vmem>>)
      %sub3A_193 = arith.constant 1 : i32
      %sub3A_194 = arith.subi %max3A_69, %sub3A_193 : i32
      %min3A_195 = arith.constant 0 : i32
      %min3A_196 = arith.minsi %min3A_195, %sub3A_194 : i32
      %mul3A_197 = arith.constant 24 : i32
      %mul3A_198 = arith.muli %min3A_196, %mul3A_197 : i32
      %add3A_199 = arith.addi %mul3A_39, %mul3A_198 : i32
      %mul3A_200 = arith.constant 2 : i32
      %mul3A_201 = arith.muli %mul3A_200, %add3A_199 : i32
      %dma_wait3A_202 = arith.constant 0 : i32
      %dma_wait3A_203 = tpu.memref_slice %arg11[%dma_wait3A_202] : memref<64xi32, #tpu.memory_space<vmem>> -> memref<48xi32, #tpu.memory_space<vmem>>
      %dma_wait3A_204 = tpu.memref_slice %arg3[%mul3A_201] : memref<134512xi32, #tpu.memory_space<hbm>> -> memref<48xi32, #tpu.memory_space<hbm>>
      %dma_wait3A_205 = arith.constant 0 : i32
      %dma_wait3A_206 = tpu.memref_slice %arg11[%dma_wait3A_205] : memref<64xi32, #tpu.memory_space<vmem>> -> memref<48xi32, #tpu.memory_space<vmem>>
      %dma_wait3A_207 = tpu.memref_slice %arg3[%mul3A_201] : memref<134512xi32, #tpu.memory_space<hbm>> -> memref<48xi32, #tpu.memory_space<hbm>>
      tpu.wait_dma2 semaphore(%arg20 : memref<!tpu.dma_semaphore, #tpu.memory_space<semaphore_mem>>) src(%dma_wait3A_207 : memref<48xi32, #tpu.memory_space<hbm>>) dst(%dma_wait3A_206 : memref<48xi32, #tpu.memory_space<vmem>>)
      "tpu.region"() ({
        %run_scoped3A = tpu.sem_alloc : memref<!tpu.dma_semaphore, #tpu.memory_space<semaphore_mem>>
        %dma_start3A_209 = arith.constant 0 : i32
        %dma_start3A_210 = tpu.memref_slice %arg6[%add3A_14, %dma_start3A_209] : memref<16384x1024xf32, #tpu.memory_space<hbm>> -> memref<64x1024xf32, #tpu.memory_space<hbm>>
        %dma_start3A_211 = arith.constant 0 : i32
        %dma_start3A_212 = tpu.memref_slice %arg6[%add3A_14, %dma_start3A_211] : memref<16384x1024xf32, #tpu.memory_space<hbm>> -> memref<64x1024xf32, #tpu.memory_space<hbm>>
        tpu.enqueue_dma source(%arg14 : memref<64x1024xf32, #tpu.memory_space<vmem>>) target(%dma_start3A_212 : memref<64x1024xf32, #tpu.memory_space<hbm>>) target_semaphore(%run_scoped3A : memref<!tpu.dma_semaphore, #tpu.memory_space<semaphore_mem>>)
        %dma_wait3A_213 = arith.constant 0 : i32
        %dma_wait3A_214 = tpu.memref_slice %arg6[%add3A_14, %dma_wait3A_213] : memref<16384x1024xf32, #tpu.memory_space<hbm>> -> memref<64x1024xf32, #tpu.memory_space<hbm>>
        %dma_wait3A_215 = arith.constant 0 : i32
        %dma_wait3A_216 = tpu.memref_slice %arg6[%add3A_14, %dma_wait3A_215] : memref<16384x1024xf32, #tpu.memory_space<hbm>> -> memref<64x1024xf32, #tpu.memory_space<hbm>>
        tpu.wait_dma2 semaphore(%run_scoped3A : memref<!tpu.dma_semaphore, #tpu.memory_space<semaphore_mem>>) src(%arg14 : memref<64x1024xf32, #tpu.memory_space<vmem>>) dst(%dma_wait3A_216 : memref<64x1024xf32, #tpu.memory_space<hbm>>)
        tpu.yield
      }) : () -> ()
      %scan3A_208 = arith.constant 0 : i32
      scf.yield %scan3A_208 : i32
    }
    %scan3A_7 = arith.constant 8 : i32
    return
  }
}

#map = affine_map<(d0, d1) -> (0, 0)>
#map1 = affine_map<(d0, d1) -> (0)>
module attributes {stable_mosaic.version = 14 : i64} {
  func.func @_spmm_body(%arg0: i32, %arg1: i32, %arg2: memref<16384x1024xf32, #tpu.memory_space<hbm>>, %arg3: memref<133920xi32, #tpu.memory_space<hbm>>, %arg4: memref<66960xi32, #tpu.memory_space<hbm>>, %arg5: memref<88xi32, #tpu.memory_space<hbm>>, %arg6: memref<4096x1024xf32, #tpu.memory_space<hbm>>, %arg7: memref<88xi32, #tpu.memory_space<vmem>>, %arg8: memref<24xi32, #tpu.memory_space<vmem>>, %arg9: memref<24xi32, #tpu.memory_space<vmem>>, %arg10: memref<64xi32, #tpu.memory_space<vmem>>, %arg11: memref<64xi32, #tpu.memory_space<vmem>>, %arg12: memref<24x1024xf32, #tpu.memory_space<vmem>>, %arg13: memref<24x1024xf32, #tpu.memory_space<vmem>>, %arg14: memref<64x1024xf32, #tpu.memory_space<vmem>>, %arg15: memref<!tpu.dma_semaphore, #tpu.memory_space<semaphore_mem>>, %arg16: memref<!tpu.dma_semaphore, #tpu.memory_space<semaphore_mem>>, %arg17: memref<!tpu.dma_semaphore, #tpu.memory_space<semaphore_mem>>, %arg18: memref<!tpu.dma_semaphore, #tpu.memory_space<semaphore_mem>>, %arg19: memref<!tpu.dma_semaphore, #tpu.memory_space<semaphore_mem>>, %arg20: memref<!tpu.dma_semaphore, #tpu.memory_space<semaphore_mem>>) attributes {dimension_semantics = [#tpu.dimension_semantics<core_parallel>, #tpu.dimension_semantics<subcore_parallel>], iteration_bounds = array<i64: 2, 16>, scalar_prefetch = 0 : i64, scratch_operands = 14 : i64, tpu.core_type = #tpu.core_type<sc_vector_subcore>, window_params = [{transform_indices = #map}, {transform_indices = #map1}, {transform_indices = #map1}, {transform_indices = #map1}, {transform_indices = #map}]} {
    %mul3A = arith.constant 2 : i32
    %mul3A_0 = arith.muli %arg1, %mul3A : i32
    %add3A = arith.addi %mul3A_0, %arg0 : i32
    "tpu.region"() ({
      %run_scoped3A = tpu.sem_alloc : memref<!tpu.dma_semaphore, #tpu.memory_space<semaphore_mem>>
      tpu.enqueue_dma source(%arg5 : memref<88xi32, #tpu.memory_space<hbm>>) target(%arg7 : memref<88xi32, #tpu.memory_space<vmem>>) target_semaphore(%run_scoped3A : memref<!tpu.dma_semaphore, #tpu.memory_space<semaphore_mem>>)
      tpu.wait_dma2 semaphore(%run_scoped3A : memref<!tpu.dma_semaphore, #tpu.memory_space<semaphore_mem>>) src(%arg5 : memref<88xi32, #tpu.memory_space<hbm>>) dst(%arg7 : memref<88xi32, #tpu.memory_space<vmem>>)
      tpu.yield
    }) : () -> ()
    %broadcast_in_dim3A = arith.constant 0.000000e+00 : f32
    %broadcast_in_dim3A_1 = vector.broadcast %broadcast_in_dim3A : f32 to vector<16xf32>
    %scan3A = arith.constant 0 : i32
    %scan3A_2 = arith.constant 0 : i32
    %scan3A_3 = arith.constant 2 : i32
    %scan3A_4 = arith.addi %scan3A_2, %scan3A_3 : i32
    %scan3A_5 = arith.constant 1 : i32
    %scan3A_6 = scf.for %scan3A_8 = %scan3A_2 to %scan3A_4 step %scan3A_5 iter_args(%scan3A_9 = %scan3A) -> (i32)  : i32 {
      %mul3A_10 = arith.constant 128 : i32
      %mul3A_11 = arith.muli %add3A, %mul3A_10 : i32
      %mul3A_12 = arith.constant 64 : i32
      %mul3A_13 = arith.muli %scan3A_8, %mul3A_12 : i32
      %add3A_14 = arith.addi %mul3A_11, %mul3A_13 : i32
      %mul3A_15 = arith.constant 2 : i32
      %mul3A_16 = arith.muli %add3A, %mul3A_15 : i32
      %add3A_17 = arith.addi %mul3A_16, %scan3A_8 : i32
      %get3A = arith.index_cast %add3A_17 : i32 to index
      %get3A_18 = tpu.vector_load %arg7[%get3A] {strides = array<i32>} : memref<88xi32, #tpu.memory_space<vmem>>, vector<16xi32>,
      %get3A_19 = vector.shape_cast %get3A_18 : vector<16xi32> to vector<16xi32>
      %slice3A = vector.extract_strided_slice %get3A_19 {offsets = [0], sizes = [1], strides = [1]} : vector<16xi32> to vector<1xi32>
      %squeeze3A = vector.extract %slice3A[0] : i32 from vector<1xi32>
      %slice3A_20 = vector.extract_strided_slice %get3A_19 {offsets = [1], sizes = [1], strides = [1]} : vector<16xi32> to vector<1xi32>
      %squeeze3A_21 = vector.extract %slice3A_20[0] : i32 from vector<1xi32>
      %jit3A = arith.constant 8 : i32
      %div3A = arith.divsi %squeeze3A, %jit3A : i32
      %sign3A = arith.constant 0 : i32
      %sign3A_22 = arith.cmpi sgt, %squeeze3A, %sign3A : i32
      %sign3A_23 = arith.extui %sign3A_22 : i1 to i32
      %sign3A_24 = arith.constant 0 : i32
      %sign3A_25 = arith.cmpi slt, %squeeze3A, %sign3A_24 : i32
      %sign3A_26 = arith.extui %sign3A_25 : i1 to i32
      %sign3A_27 = arith.subi %sign3A_23, %sign3A_26 : i32
      %sign3A_28 = arith.constant 0 : i32
      %sign3A_29 = arith.cmpi sgt, %jit3A, %sign3A_28 : i32
      %sign3A_30 = arith.extui %sign3A_29 : i1 to i32
      %sign3A_31 = arith.constant 0 : i32
      %sign3A_32 = arith.cmpi slt, %jit3A, %sign3A_31 : i32
      %sign3A_33 = arith.extui %sign3A_32 : i1 to i32
      %sign3A_34 = arith.subi %sign3A_30, %sign3A_33 : i32
      %ne3A = arith.cmpi ne, %sign3A_27, %sign3A_34 : i32
      %rem3A = arith.remsi %squeeze3A, %jit3A : i32
      %ne3A_35 = arith.constant 0 : i32
      %ne3A_36 = arith.cmpi ne, %rem3A, %ne3A_35 : i32
      %and3A = arith.andi %ne3A, %ne3A_36 : i1
      %sub3A = arith.constant 1 : i32
      %sub3A_37 = arith.subi %div3A, %sub3A : i32
      %select_n3A = arith.select %and3A, %sub3A_37, %div3A : i32
      %mul3A_38 = arith.constant 8 : i32
      %mul3A_39 = arith.muli %select_n3A, %mul3A_38 : i32
      %sub3A_40 = arith.subi %squeeze3A_21, %mul3A_39 : i32
      %add3A_41 = arith.constant 24 : i32
      %add3A_42 = arith.addi %sub3A_40, %add3A_41 : i32
      %sub3A_43 = arith.constant 1 : i32
      %sub3A_44 = arith.subi %add3A_42, %sub3A_43 : i32
      %jit3A_45 = arith.constant 24 : i32
      %div3A_46 = arith.divsi %sub3A_44, %jit3A_45 : i32
      %sign3A_47 = arith.constant 0 : i32
      %sign3A_48 = arith.cmpi sgt, %sub3A_44, %sign3A_47 : i32
      %sign3A_49 = arith.extui %sign3A_48 : i1 to i32
      %sign3A_50 = arith.constant 0 : i32
      %sign3A_51 = arith.cmpi slt, %sub3A_44, %sign3A_50 : i32
      %sign3A_52 = arith.extui %sign3A_51 : i1 to i32
      %sign3A_53 = arith.subi %sign3A_49, %sign3A_52 : i32
      %sign3A_54 = arith.constant 0 : i32
      %sign3A_55 = arith.cmpi sgt, %jit3A_45, %sign3A_54 : i32
      %sign3A_56 = arith.extui %sign3A_55 : i1 to i32
      %sign3A_57 = arith.constant 0 : i32
      %sign3A_58 = arith.cmpi slt, %jit3A_45, %sign3A_57 : i32
      %sign3A_59 = arith.extui %sign3A_58 : i1 to i32
      %sign3A_60 = arith.subi %sign3A_56, %sign3A_59 : i32
      %ne3A_61 = arith.cmpi ne, %sign3A_53, %sign3A_60 : i32
      %rem3A_62 = arith.remsi %sub3A_44, %jit3A_45 : i32
      %ne3A_63 = arith.constant 0 : i32
      %ne3A_64 = arith.cmpi ne, %rem3A_62, %ne3A_63 : i32
      %and3A_65 = arith.andi %ne3A_61, %ne3A_64 : i1
      %sub3A_66 = arith.constant 1 : i32
      %sub3A_67 = arith.subi %div3A_46, %sub3A_66 : i32
      %select_n3A_68 = arith.select %and3A_65, %sub3A_67, %div3A_46 : i32
      %max3A = arith.constant 1 : i32
      %max3A_69 = arith.maxsi %select_n3A_68, %max3A : i32
      %add3A_70 = arith.constant 1 : i32
      %add3A_71 = arith.addi %max3A_69, %add3A_70 : i32
      %jit3A_72 = arith.constant 2 : i32
      %div3A_73 = arith.divsi %add3A_71, %jit3A_72 : i32
      %sign3A_74 = arith.constant 0 : i32
      %sign3A_75 = arith.cmpi sgt, %add3A_71, %sign3A_74 : i32
      %sign3A_76 = arith.extui %sign3A_75 : i1 to i32
      %sign3A_77 = arith.constant 0 : i32
      %sign3A_78 = arith.cmpi slt, %add3A_71, %sign3A_77 : i32
      %sign3A_79 = arith.extui %sign3A_78 : i1 to i32
      %sign3A_80 = arith.subi %sign3A_76, %sign3A_79 : i32
      %sign3A_81 = arith.constant 0 : i32
      %sign3A_82 = arith.cmpi sgt, %jit3A_72, %sign3A_81 : i32
      %sign3A_83 = arith.extui %sign3A_82 : i1 to i32
      %sign3A_84 = arith.constant 0 : i32
      %sign3A_85 = arith.cmpi slt, %jit3A_72, %sign3A_84 : i32
      %sign3A_86 = arith.extui %sign3A_85 : i1 to i32
      %sign3A_87 = arith.subi %sign3A_83, %sign3A_86 : i32
      %ne3A_88 = arith.cmpi ne, %sign3A_80, %sign3A_87 : i32
      %rem3A_89 = arith.remsi %add3A_71, %jit3A_72 : i32
      %ne3A_90 = arith.constant 0 : i32
      %ne3A_91 = arith.cmpi ne, %rem3A_89, %ne3A_90 : i32
      %and3A_92 = arith.andi %ne3A_88, %ne3A_91 : i1
      %sub3A_93 = arith.constant 1 : i32
      %sub3A_94 = arith.subi %div3A_73, %sub3A_93 : i32
      %select_n3A_95 = arith.select %and3A_92, %sub3A_94, %div3A_73 : i32
      %sub3A_96 = arith.constant 1 : i32
      %sub3A_97 = arith.subi %max3A_69, %sub3A_96 : i32
      %min3A = arith.constant 0 : i32
      %min3A_98 = arith.minsi %min3A, %sub3A_97 : i32
      %mul3A_99 = arith.constant 24 : i32
      %mul3A_100 = arith.muli %min3A_98, %mul3A_99 : i32
      %add3A_101 = arith.addi %mul3A_39, %mul3A_100 : i32
      %dma_start3A = tpu.memref_slice %arg4[%add3A_101] : memref<66960xi32, #tpu.memory_space<hbm>> -> memref<24xi32, #tpu.memory_space<hbm>>
      %dma_start3A_102 = tpu.memref_slice %arg4[%add3A_101] : memref<66960xi32, #tpu.memory_space<hbm>> -> memref<24xi32, #tpu.memory_space<hbm>>
      tpu.enqueue_dma source(%dma_start3A_102 : memref<24xi32, #tpu.memory_space<hbm>>) target(%arg8 : memref<24xi32, #tpu.memory_space<vmem>>) target_semaphore(%arg17 : memref<!tpu.dma_semaphore, #tpu.memory_space<semaphore_mem>>)
      %sub3A_103 = arith.constant 1 : i32
      %sub3A_104 = arith.subi %max3A_69, %sub3A_103 : i32
      %min3A_105 = arith.constant 0 : i32
      %min3A_106 = arith.minsi %min3A_105, %sub3A_104 : i32
      %mul3A_107 = arith.constant 24 : i32
      %mul3A_108 = arith.muli %min3A_106, %mul3A_107 : i32
      %add3A_109 = arith.addi %mul3A_39, %mul3A_108 : i32
      %mul3A_110 = arith.constant 2 : i32
      %mul3A_111 = arith.muli %mul3A_110, %add3A_109 : i32
      %dma_start3A_112 = arith.constant 0 : i32
      %dma_start3A_113 = tpu.memref_slice %arg10[%dma_start3A_112] : memref<64xi32, #tpu.memory_space<vmem>> -> memref<48xi32, #tpu.memory_space<vmem>>
      %dma_start3A_114 = tpu.memref_slice %arg3[%mul3A_111] : memref<133920xi32, #tpu.memory_space<hbm>> -> memref<48xi32, #tpu.memory_space<hbm>>
      %dma_start3A_115 = arith.constant 0 : i32
      %dma_start3A_116 = tpu.memref_slice %arg10[%dma_start3A_115] : memref<64xi32, #tpu.memory_space<vmem>> -> memref<48xi32, #tpu.memory_space<vmem>>
      %dma_start3A_117 = tpu.memref_slice %arg3[%mul3A_111] : memref<133920xi32, #tpu.memory_space<hbm>> -> memref<48xi32, #tpu.memory_space<hbm>>
      tpu.enqueue_dma source(%dma_start3A_117 : memref<48xi32, #tpu.memory_space<hbm>>) target(%dma_start3A_116 : memref<48xi32, #tpu.memory_space<vmem>>) target_semaphore(%arg19 : memref<!tpu.dma_semaphore, #tpu.memory_space<semaphore_mem>>)
      %sub3A_118 = arith.constant 1 : i32
      %sub3A_119 = arith.subi %max3A_69, %sub3A_118 : i32
      %min3A_120 = arith.constant 1 : i32
      %min3A_121 = arith.minsi %min3A_120, %sub3A_119 : i32
      %mul3A_122 = arith.constant 24 : i32
      %mul3A_123 = arith.muli %min3A_121, %mul3A_122 : i32
      %add3A_124 = arith.addi %mul3A_39, %mul3A_123 : i32
      %dma_start3A_125 = tpu.memref_slice %arg4[%add3A_124] : memref<66960xi32, #tpu.memory_space<hbm>> -> memref<24xi32, #tpu.memory_space<hbm>>
      %dma_start3A_126 = tpu.memref_slice %arg4[%add3A_124] : memref<66960xi32, #tpu.memory_space<hbm>> -> memref<24xi32, #tpu.memory_space<hbm>>
      tpu.enqueue_dma source(%dma_start3A_126 : memref<24xi32, #tpu.memory_space<hbm>>) target(%arg9 : memref<24xi32, #tpu.memory_space<vmem>>) target_semaphore(%arg18 : memref<!tpu.dma_semaphore, #tpu.memory_space<semaphore_mem>>)
      %sub3A_127 = arith.constant 1 : i32
      %sub3A_128 = arith.subi %max3A_69, %sub3A_127 : i32
      %min3A_129 = arith.constant 1 : i32
      %min3A_130 = arith.minsi %min3A_129, %sub3A_128 : i32
      %mul3A_131 = arith.constant 24 : i32
      %mul3A_132 = arith.muli %min3A_130, %mul3A_131 : i32
      %add3A_133 = arith.addi %mul3A_39, %mul3A_132 : i32
      %mul3A_134 = arith.constant 2 : i32
      %mul3A_135 = arith.muli %mul3A_134, %add3A_133 : i32
      %dma_start3A_136 = arith.constant 0 : i32
      %dma_start3A_137 = tpu.memref_slice %arg11[%dma_start3A_136] : memref<64xi32, #tpu.memory_space<vmem>> -> memref<48xi32, #tpu.memory_space<vmem>>
      %dma_start3A_138 = tpu.memref_slice %arg3[%mul3A_135] : memref<133920xi32, #tpu.memory_space<hbm>> -> memref<48xi32, #tpu.memory_space<hbm>>
      %dma_start3A_139 = arith.constant 0 : i32
      %dma_start3A_140 = tpu.memref_slice %arg11[%dma_start3A_139] : memref<64xi32, #tpu.memory_space<vmem>> -> memref<48xi32, #tpu.memory_space<vmem>>
      %dma_start3A_141 = tpu.memref_slice %arg3[%mul3A_135] : memref<133920xi32, #tpu.memory_space<hbm>> -> memref<48xi32, #tpu.memory_space<hbm>>
      tpu.enqueue_dma source(%dma_start3A_141 : memref<48xi32, #tpu.memory_space<hbm>>) target(%dma_start3A_140 : memref<48xi32, #tpu.memory_space<vmem>>) target_semaphore(%arg20 : memref<!tpu.dma_semaphore, #tpu.memory_space<semaphore_mem>>)
      %parallel_loop3A = arith.constant 0 : i32
      %parallel_loop3A_142 = arith.constant 4096 : i32
      %parallel_loop3A_143 = arith.constant 1 : i32
      scf.for %parallel_loop3A_209 = %parallel_loop3A to %parallel_loop3A_142 step %parallel_loop3A_143  : i32 {
        %parallel_loop3A_210 = arith.constant 64 : i32
        %parallel_loop3A_211 = arith.divsi %parallel_loop3A_209, %parallel_loop3A_210 : i32
        %parallel_loop3A_212 = arith.constant 0 : i32
        %parallel_loop3A_213 = arith.cmpi sgt, %parallel_loop3A_209, %parallel_loop3A_212 : i32
        %parallel_loop3A_214 = arith.extui %parallel_loop3A_213 : i1 to i32
        %parallel_loop3A_215 = arith.constant 0 : i32
        %parallel_loop3A_216 = arith.cmpi slt, %parallel_loop3A_209, %parallel_loop3A_215 : i32
        %parallel_loop3A_217 = arith.extui %parallel_loop3A_216 : i1 to i32
        %parallel_loop3A_218 = arith.subi %parallel_loop3A_214, %parallel_loop3A_217 : i32
        %parallel_loop3A_219 = arith.constant 0 : i32
        %parallel_loop3A_220 = arith.cmpi sgt, %parallel_loop3A_210, %parallel_loop3A_219 : i32
        %parallel_loop3A_221 = arith.extui %parallel_loop3A_220 : i1 to i32
        %parallel_loop3A_222 = arith.constant 0 : i32
        %parallel_loop3A_223 = arith.cmpi slt, %parallel_loop3A_210, %parallel_loop3A_222 : i32
        %parallel_loop3A_224 = arith.extui %parallel_loop3A_223 : i1 to i32
        %parallel_loop3A_225 = arith.subi %parallel_loop3A_221, %parallel_loop3A_224 : i32
        %parallel_loop3A_226 = arith.cmpi ne, %parallel_loop3A_218, %parallel_loop3A_225 : i32
        %parallel_loop3A_227 = arith.remsi %parallel_loop3A_209, %parallel_loop3A_210 : i32
        %parallel_loop3A_228 = arith.constant 0 : i32
        %parallel_loop3A_229 = arith.cmpi ne, %parallel_loop3A_227, %parallel_loop3A_228 : i32
        %parallel_loop3A_230 = arith.andi %parallel_loop3A_226, %parallel_loop3A_229 : i1
        %parallel_loop3A_231 = arith.constant 1 : i32
        %parallel_loop3A_232 = arith.subi %parallel_loop3A_211, %parallel_loop3A_231 : i32
        %parallel_loop3A_233 = arith.select %parallel_loop3A_230, %parallel_loop3A_232, %parallel_loop3A_211 : i32
        %parallel_loop3A_234 = arith.constant 64 : i32
        %parallel_loop3A_235 = arith.constant 0 : i32
        %parallel_loop3A_236 = arith.cmpi eq, %parallel_loop3A_234, %parallel_loop3A_235 : i32
        %parallel_loop3A_237 = arith.constant 1 : i32
        %parallel_loop3A_238 = arith.select %parallel_loop3A_236, %parallel_loop3A_237, %parallel_loop3A_234 : i32
        %parallel_loop3A_239 = arith.remsi %parallel_loop3A_209, %parallel_loop3A_238 : i32
        %parallel_loop3A_240 = arith.constant 0 : i32
        %parallel_loop3A_241 = arith.cmpi ne, %parallel_loop3A_239, %parallel_loop3A_240 : i32
        %parallel_loop3A_242 = arith.constant 0 : i32
        %parallel_loop3A_243 = arith.cmpi slt, %parallel_loop3A_239, %parallel_loop3A_242 : i32
        %parallel_loop3A_244 = arith.constant 0 : i32
        %parallel_loop3A_245 = arith.cmpi slt, %parallel_loop3A_238, %parallel_loop3A_244 : i32
        %parallel_loop3A_246 = arith.xori %parallel_loop3A_243, %parallel_loop3A_245 : i1
        %parallel_loop3A_247 = arith.andi %parallel_loop3A_246, %parallel_loop3A_241 : i1
        %parallel_loop3A_248 = arith.addi %parallel_loop3A_239, %parallel_loop3A_238 : i32
        %parallel_loop3A_249 = arith.select %parallel_loop3A_247, %parallel_loop3A_248, %parallel_loop3A_239 : i32
        %parallel_loop3A_250 = arith.constant 16 : i32
        %parallel_loop3A_251 = arith.muli %parallel_loop3A_249, %parallel_loop3A_250 : i32
        %parallel_loop3A_252 = arith.index_cast %parallel_loop3A_233 : i32 to index
        %parallel_loop3A_253 = arith.index_cast %parallel_loop3A_251 : i32 to index
        %parallel_loop3A_254 = tpu.vector_load %arg14[%parallel_loop3A_252, %parallel_loop3A_253] {strides = array<i32>} : memref<64x1024xf32, #tpu.memory_space<vmem>>, vector<1x16xf32>,
        %parallel_loop3A_255 = vector.shape_cast %parallel_loop3A_254 : vector<1x16xf32> to vector<16xf32>
        %parallel_loop3A_256 = vector.shape_cast %broadcast_in_dim3A_1 : vector<16xf32> to vector<1x16xf32>
        tpu.vector_store %arg14[%parallel_loop3A_252, %parallel_loop3A_253], %parallel_loop3A_256 {strides = array<i32>} : memref<64x1024xf32, #tpu.memory_space<vmem>>, vector<1x16xf32>,
      } {sc.loop_unroll_factor = 8 : i64, sc.parallel_access}
      %sub3A_144 = arith.constant 1 : i32
      %sub3A_145 = arith.subi %max3A_69, %sub3A_144 : i32
      %min3A_146 = arith.constant 0 : i32
      %min3A_147 = arith.minsi %min3A_146, %sub3A_145 : i32
      %mul3A_148 = arith.constant 24 : i32
      %mul3A_149 = arith.muli %min3A_147, %mul3A_148 : i32
      %add3A_150 = arith.addi %mul3A_39, %mul3A_149 : i32
      %dma_wait3A = tpu.memref_slice %arg4[%add3A_150] : memref<66960xi32, #tpu.memory_space<hbm>> -> memref<24xi32, #tpu.memory_space<hbm>>
      %dma_wait3A_151 = tpu.memref_slice %arg4[%add3A_150] : memref<66960xi32, #tpu.memory_space<hbm>> -> memref<24xi32, #tpu.memory_space<hbm>>
      tpu.wait_dma2 semaphore(%arg17 : memref<!tpu.dma_semaphore, #tpu.memory_space<semaphore_mem>>) src(%dma_wait3A_151 : memref<24xi32, #tpu.memory_space<hbm>>) dst(%arg8 : memref<24xi32, #tpu.memory_space<vmem>>)
      %dma_start3A_152 = arith.constant 0 : i32
      %dma_start3A_153 = arith.constant 0 : i32
      %dma_start3A_154 = tpu.memref_slice %arg2[%dma_start3A_152, %dma_start3A_153] : memref<16384x1024xf32, #tpu.memory_space<hbm>> -> memref<16384x1024xf32, #tpu.memory_space<hbm>>
      tpu.enqueue_indirect_dma source(%dma_start3A_154 : memref<16384x1024xf32, #tpu.memory_space<hbm>>) target(%arg12 : memref<24x1024xf32, #tpu.memory_space<vmem>>) offsets(%arg8 : memref<24xi32, #tpu.memory_space<vmem>>) semaphore(%arg15 : memref<!tpu.dma_semaphore, #tpu.memory_space<semaphore_mem>>)
      %while3A = arith.constant 0 : i32
      %while3A_155 = arith.constant 0 : i32
      %while3A_156 = arith.subi %select_n3A_95, %while3A : i32
      %while3A_157 = arith.addi %while3A, %while3A_156 : i32
      %while3A_158 = arith.constant 1 : i32
      %while3A_159 = arith.divsi %while3A_156, %while3A_158 : i32
      %while3A_160 = arith.muli %while3A_159, %while3A_158 : i32
      %while3A_161 = arith.addi %while3A, %while3A_160 : i32
      %while3A_162 = arith.constant 1 : i32
      %while3A_163 = scf.for %while3A_209 = %while3A to %while3A_161 step %while3A_162 iter_args(%while3A_210 = %while3A_155) -> (i32)  : i32 {
        %mul3A_211 = arith.constant 2 : i32
        %mul3A_212 = arith.muli %mul3A_211, %while3A_209 : i32
        %add3A_213 = arith.constant 1 : i32
        %add3A_214 = arith.addi %mul3A_212, %add3A_213 : i32
        %dma_wait3A_215 = arith.constant 0 : i32
        %dma_wait3A_216 = arith.constant 0 : i32
        %dma_wait3A_217 = tpu.memref_slice %arg2[%dma_wait3A_215, %dma_wait3A_216] : memref<16384x1024xf32, #tpu.memory_space<hbm>> -> memref<16384x1024xf32, #tpu.memory_space<hbm>>
        tpu.wait_indirect_dma semaphore(%arg15 : memref<!tpu.dma_semaphore, #tpu.memory_space<semaphore_mem>>) src(%dma_wait3A_217 : memref<16384x1024xf32, #tpu.memory_space<hbm>>) dst(%arg12 : memref<24x1024xf32, #tpu.memory_space<vmem>>)
        %sub3A_218 = arith.constant 1 : i32
        %sub3A_219 = arith.subi %max3A_69, %sub3A_218 : i32
        %min3A_220 = arith.minsi %add3A_214, %sub3A_219 : i32
        %mul3A_221 = arith.constant 24 : i32
        %mul3A_222 = arith.muli %min3A_220, %mul3A_221 : i32
        %add3A_223 = arith.addi %mul3A_39, %mul3A_222 : i32
        %dma_wait3A_224 = tpu.memref_slice %arg4[%add3A_223] : memref<66960xi32, #tpu.memory_space<hbm>> -> memref<24xi32, #tpu.memory_space<hbm>>
        %dma_wait3A_225 = tpu.memref_slice %arg4[%add3A_223] : memref<66960xi32, #tpu.memory_space<hbm>> -> memref<24xi32, #tpu.memory_space<hbm>>
        tpu.wait_dma2 semaphore(%arg18 : memref<!tpu.dma_semaphore, #tpu.memory_space<semaphore_mem>>) src(%dma_wait3A_225 : memref<24xi32, #tpu.memory_space<hbm>>) dst(%arg9 : memref<24xi32, #tpu.memory_space<vmem>>)
        %dma_start3A_226 = arith.constant 0 : i32
        %dma_start3A_227 = arith.constant 0 : i32
        %dma_start3A_228 = tpu.memref_slice %arg2[%dma_start3A_226, %dma_start3A_227] : memref<16384x1024xf32, #tpu.memory_space<hbm>> -> memref<16384x1024xf32, #tpu.memory_space<hbm>>
        tpu.enqueue_indirect_dma source(%dma_start3A_228 : memref<16384x1024xf32, #tpu.memory_space<hbm>>) target(%arg13 : memref<24x1024xf32, #tpu.memory_space<vmem>>) offsets(%arg9 : memref<24xi32, #tpu.memory_space<vmem>>) semaphore(%arg16 : memref<!tpu.dma_semaphore, #tpu.memory_space<semaphore_mem>>)
        %add3A_229 = arith.constant 2 : i32
        %add3A_230 = arith.addi %mul3A_212, %add3A_229 : i32
        %sub3A_231 = arith.constant 1 : i32
        %sub3A_232 = arith.subi %max3A_69, %sub3A_231 : i32
        %min3A_233 = arith.minsi %add3A_230, %sub3A_232 : i32
        %mul3A_234 = arith.constant 24 : i32
        %mul3A_235 = arith.muli %min3A_233, %mul3A_234 : i32
        %add3A_236 = arith.addi %mul3A_39, %mul3A_235 : i32
        %dma_start3A_237 = tpu.memref_slice %arg4[%add3A_236] : memref<66960xi32, #tpu.memory_space<hbm>> -> memref<24xi32, #tpu.memory_space<hbm>>
        %dma_start3A_238 = tpu.memref_slice %arg4[%add3A_236] : memref<66960xi32, #tpu.memory_space<hbm>> -> memref<24xi32, #tpu.memory_space<hbm>>
        tpu.enqueue_dma source(%dma_start3A_238 : memref<24xi32, #tpu.memory_space<hbm>>) target(%arg8 : memref<24xi32, #tpu.memory_space<vmem>>) target_semaphore(%arg17 : memref<!tpu.dma_semaphore, #tpu.memory_space<semaphore_mem>>)
        %sub3A_239 = arith.constant 1 : i32
        %sub3A_240 = arith.subi %max3A_69, %sub3A_239 : i32
        %min3A_241 = arith.minsi %mul3A_212, %sub3A_240 : i32
        %mul3A_242 = arith.constant 24 : i32
        %mul3A_243 = arith.muli %min3A_241, %mul3A_242 : i32
        %add3A_244 = arith.addi %mul3A_39, %mul3A_243 : i32
        %mul3A_245 = arith.constant 2 : i32
        %mul3A_246 = arith.muli %mul3A_245, %add3A_244 : i32
        %dma_wait3A_247 = arith.constant 0 : i32
        %dma_wait3A_248 = tpu.memref_slice %arg10[%dma_wait3A_247] : memref<64xi32, #tpu.memory_space<vmem>> -> memref<48xi32, #tpu.memory_space<vmem>>
        %dma_wait3A_249 = tpu.memref_slice %arg3[%mul3A_246] : memref<133920xi32, #tpu.memory_space<hbm>> -> memref<48xi32, #tpu.memory_space<hbm>>
        %dma_wait3A_250 = arith.constant 0 : i32
        %dma_wait3A_251 = tpu.memref_slice %arg10[%dma_wait3A_250] : memref<64xi32, #tpu.memory_space<vmem>> -> memref<48xi32, #tpu.memory_space<vmem>>
        %dma_wait3A_252 = tpu.memref_slice %arg3[%mul3A_246] : memref<133920xi32, #tpu.memory_space<hbm>> -> memref<48xi32, #tpu.memory_space<hbm>>
        tpu.wait_dma2 semaphore(%arg19 : memref<!tpu.dma_semaphore, #tpu.memory_space<semaphore_mem>>) src(%dma_wait3A_252 : memref<48xi32, #tpu.memory_space<hbm>>) dst(%dma_wait3A_251 : memref<48xi32, #tpu.memory_space<vmem>>)
        %scan3A_253 = arith.constant 0 : i32
        %scan3A_254 = arith.constant 0 : i32
        %scan3A_255 = arith.constant 24 : i32
        %scan3A_256 = arith.addi %scan3A_254, %scan3A_255 : i32
        %scan3A_257 = arith.constant 1 : i32
        %scan3A_258 = scf.for %scan3A_340 = %scan3A_254 to %scan3A_256 step %scan3A_257 iter_args(%scan3A_341 = %scan3A_253) -> (i32)  : i32 {
          %mul3A_342 = arith.constant 2 : i32
          %mul3A_343 = arith.muli %mul3A_342, %scan3A_340 : i32
          %get3A_344 = arith.index_cast %mul3A_343 : i32 to index
          %get3A_345 = tpu.vector_load %arg10[%get3A_344] {strides = array<i32>} : memref<64xi32, #tpu.memory_space<vmem>>, vector<16xi32>,
          %get3A_346 = vector.shape_cast %get3A_345 : vector<16xi32> to vector<16xi32>
          %slice3A_347 = vector.extract_strided_slice %get3A_346 {offsets = [0], sizes = [1], strides = [1]} : vector<16xi32> to vector<1xi32>
          %squeeze3A_348 = vector.extract %slice3A_347[0] : i32 from vector<1xi32>
          %sub3A_349 = arith.subi %squeeze3A_348, %add3A_14 : i32
          %ge3A = arith.constant 0 : i32
          %ge3A_350 = arith.cmpi sge, %sub3A_349, %ge3A : i32
          %lt3A_351 = arith.constant 64 : i32
          %lt3A_352 = arith.cmpi slt, %sub3A_349, %lt3A_351 : i32
          %and3A_353 = arith.andi %ge3A_350, %lt3A_352 : i1
          %and3A_354 = arith.constant true
          %and3A_355 = arith.andi %and3A_353, %and3A_354 : i1
          %slice3A_356 = vector.extract_strided_slice %get3A_346 {offsets = [1], sizes = [1], strides = [1]} : vector<16xi32> to vector<1xi32>
          %squeeze3A_357 = vector.extract %slice3A_356[0] : i32 from vector<1xi32>
          %bitcast_convert_type3A = arith.bitcast %squeeze3A_357 : i32 to f32
          %jit3A_358 = arith.constant 0.000000e+00 : f32
          %select_n3A_359 = arith.select %and3A_355, %bitcast_convert_type3A, %jit3A_358 : f32
          %jit3A_360 = arith.constant 0 : i32
          %select_n3A_361 = arith.select %and3A_355, %sub3A_349, %jit3A_360 : i32
          %broadcast_in_dim3A_362 = vector.broadcast %select_n3A_359 : f32 to vector<16xf32>
          %parallel_loop3A_363 = arith.constant 0 : i32
          %parallel_loop3A_364 = arith.constant 64 : i32
          %parallel_loop3A_365 = arith.constant 1 : i32
          scf.for %parallel_loop3A_367 = %parallel_loop3A_363 to %parallel_loop3A_364 step %parallel_loop3A_365  : i32 {
            %parallel_loop3A_368 = arith.constant 16 : i32
            %parallel_loop3A_369 = arith.muli %parallel_loop3A_367, %parallel_loop3A_368 : i32
            %parallel_loop3A_370 = arith.index_cast %scan3A_340 : i32 to index
            %parallel_loop3A_371 = arith.index_cast %parallel_loop3A_369 : i32 to index
            %parallel_loop3A_372 = tpu.vector_load %arg12[%parallel_loop3A_370, %parallel_loop3A_371] {strides = array<i32>} : memref<24x1024xf32, #tpu.memory_space<vmem>>, vector<1x16xf32>,
            %parallel_loop3A_373 = vector.shape_cast %parallel_loop3A_372 : vector<1x16xf32> to vector<16xf32>
            %parallel_loop3A_374 = arith.constant 0.000000e+00 : f32
            %parallel_loop3A_375 = vector.broadcast %parallel_loop3A_374 : f32 to vector<16xf32>
            %parallel_loop3A_376 = arith.maximumf %parallel_loop3A_373, %parallel_loop3A_375 : vector<16xf32>
            %parallel_loop3A_377 = arith.constant 16 : i32
            %parallel_loop3A_378 = arith.muli %parallel_loop3A_367, %parallel_loop3A_377 : i32
            %parallel_loop3A_379 = arith.mulf %broadcast_in_dim3A_362, %parallel_loop3A_376 : vector<16xf32>
            %parallel_loop3A_380 = arith.index_cast %select_n3A_361 : i32 to index
            %parallel_loop3A_381 = arith.index_cast %parallel_loop3A_378 : i32 to index
            %parallel_loop3A_382 = tpu.vector_load %arg14[%parallel_loop3A_380, %parallel_loop3A_381] {strides = array<i32>} : memref<64x1024xf32, #tpu.memory_space<vmem>>, vector<1x16xf32>,
            %parallel_loop3A_383 = vector.shape_cast %parallel_loop3A_382 : vector<1x16xf32> to vector<16xf32>
            %parallel_loop3A_384 = vector.shape_cast %parallel_loop3A_379 : vector<16xf32> to vector<1x16xf32>
            tpu.vector_store %arg14[%parallel_loop3A_380, %parallel_loop3A_381], %parallel_loop3A_384 {add = true, strides = array<i32>} : memref<64x1024xf32, #tpu.memory_space<vmem>>, vector<1x16xf32>,
          } {sc.loop_unroll_factor = 8 : i64, sc.parallel_access}
          %scan3A_366 = arith.constant 0 : i32
          scf.yield %scan3A_366 : i32
        }
        %scan3A_259 = arith.constant 24 : i32
        %add3A_260 = arith.constant 2 : i32
        %add3A_261 = arith.addi %mul3A_212, %add3A_260 : i32
        %sub3A_262 = arith.constant 1 : i32
        %sub3A_263 = arith.subi %max3A_69, %sub3A_262 : i32
        %min3A_264 = arith.minsi %add3A_261, %sub3A_263 : i32
        %mul3A_265 = arith.constant 24 : i32
        %mul3A_266 = arith.muli %min3A_264, %mul3A_265 : i32
        %add3A_267 = arith.addi %mul3A_39, %mul3A_266 : i32
        %mul3A_268 = arith.constant 2 : i32
        %mul3A_269 = arith.muli %mul3A_268, %add3A_267 : i32
        %dma_start3A_270 = arith.constant 0 : i32
        %dma_start3A_271 = tpu.memref_slice %arg10[%dma_start3A_270] : memref<64xi32, #tpu.memory_space<vmem>> -> memref<48xi32, #tpu.memory_space<vmem>>
        %dma_start3A_272 = tpu.memref_slice %arg3[%mul3A_269] : memref<133920xi32, #tpu.memory_space<hbm>> -> memref<48xi32, #tpu.memory_space<hbm>>
        %dma_start3A_273 = arith.constant 0 : i32
        %dma_start3A_274 = tpu.memref_slice %arg10[%dma_start3A_273] : memref<64xi32, #tpu.memory_space<vmem>> -> memref<48xi32, #tpu.memory_space<vmem>>
        %dma_start3A_275 = tpu.memref_slice %arg3[%mul3A_269] : memref<133920xi32, #tpu.memory_space<hbm>> -> memref<48xi32, #tpu.memory_space<hbm>>
        tpu.enqueue_dma source(%dma_start3A_275 : memref<48xi32, #tpu.memory_space<hbm>>) target(%dma_start3A_274 : memref<48xi32, #tpu.memory_space<vmem>>) target_semaphore(%arg19 : memref<!tpu.dma_semaphore, #tpu.memory_space<semaphore_mem>>)
        %dma_wait3A_276 = arith.constant 0 : i32
        %dma_wait3A_277 = arith.constant 0 : i32
        %dma_wait3A_278 = tpu.memref_slice %arg2[%dma_wait3A_276, %dma_wait3A_277] : memref<16384x1024xf32, #tpu.memory_space<hbm>> -> memref<16384x1024xf32, #tpu.memory_space<hbm>>
        tpu.wait_indirect_dma semaphore(%arg16 : memref<!tpu.dma_semaphore, #tpu.memory_space<semaphore_mem>>) src(%dma_wait3A_278 : memref<16384x1024xf32, #tpu.memory_space<hbm>>) dst(%arg13 : memref<24x1024xf32, #tpu.memory_space<vmem>>)
        %add3A_279 = arith.constant 2 : i32
        %add3A_280 = arith.addi %mul3A_212, %add3A_279 : i32
        %sub3A_281 = arith.constant 1 : i32
        %sub3A_282 = arith.subi %max3A_69, %sub3A_281 : i32
        %min3A_283 = arith.minsi %add3A_280, %sub3A_282 : i32
        %mul3A_284 = arith.constant 24 : i32
        %mul3A_285 = arith.muli %min3A_283, %mul3A_284 : i32
        %add3A_286 = arith.addi %mul3A_39, %mul3A_285 : i32
        %dma_wait3A_287 = tpu.memref_slice %arg4[%add3A_286] : memref<66960xi32, #tpu.memory_space<hbm>> -> memref<24xi32, #tpu.memory_space<hbm>>
        %dma_wait3A_288 = tpu.memref_slice %arg4[%add3A_286] : memref<66960xi32, #tpu.memory_space<hbm>> -> memref<24xi32, #tpu.memory_space<hbm>>
        tpu.wait_dma2 semaphore(%arg17 : memref<!tpu.dma_semaphore, #tpu.memory_space<semaphore_mem>>) src(%dma_wait3A_288 : memref<24xi32, #tpu.memory_space<hbm>>) dst(%arg8 : memref<24xi32, #tpu.memory_space<vmem>>)
        %dma_start3A_289 = arith.constant 0 : i32
        %dma_start3A_290 = arith.constant 0 : i32
        %dma_start3A_291 = tpu.memref_slice %arg2[%dma_start3A_289, %dma_start3A_290] : memref<16384x1024xf32, #tpu.memory_space<hbm>> -> memref<16384x1024xf32, #tpu.memory_space<hbm>>
        tpu.enqueue_indirect_dma source(%dma_start3A_291 : memref<16384x1024xf32, #tpu.memory_space<hbm>>) target(%arg12 : memref<24x1024xf32, #tpu.memory_space<vmem>>) offsets(%arg8 : memref<24xi32, #tpu.memory_space<vmem>>) semaphore(%arg15 : memref<!tpu.dma_semaphore, #tpu.memory_space<semaphore_mem>>)
        %add3A_292 = arith.constant 2 : i32
        %add3A_293 = arith.addi %add3A_214, %add3A_292 : i32
        %sub3A_294 = arith.constant 1 : i32
        %sub3A_295 = arith.subi %max3A_69, %sub3A_294 : i32
        %min3A_296 = arith.minsi %add3A_293, %sub3A_295 : i32
        %mul3A_297 = arith.constant 24 : i32
        %mul3A_298 = arith.muli %min3A_296, %mul3A_297 : i32
        %add3A_299 = arith.addi %mul3A_39, %mul3A_298 : i32
        %dma_start3A_300 = tpu.memref_slice %arg4[%add3A_299] : memref<66960xi32, #tpu.memory_space<hbm>> -> memref<24xi32, #tpu.memory_space<hbm>>
        %dma_start3A_301 = tpu.memref_slice %arg4[%add3A_299] : memref<66960xi32, #tpu.memory_space<hbm>> -> memref<24xi32, #tpu.memory_space<hbm>>
        tpu.enqueue_dma source(%dma_start3A_301 : memref<24xi32, #tpu.memory_space<hbm>>) target(%arg9 : memref<24xi32, #tpu.memory_space<vmem>>) target_semaphore(%arg18 : memref<!tpu.dma_semaphore, #tpu.memory_space<semaphore_mem>>)
        %sub3A_302 = arith.constant 1 : i32
        %sub3A_303 = arith.subi %max3A_69, %sub3A_302 : i32
        %min3A_304 = arith.minsi %add3A_214, %sub3A_303 : i32
        %mul3A_305 = arith.constant 24 : i32
        %mul3A_306 = arith.muli %min3A_304, %mul3A_305 : i32
        %add3A_307 = arith.addi %mul3A_39, %mul3A_306 : i32
        %mul3A_308 = arith.constant 2 : i32
        %mul3A_309 = arith.muli %mul3A_308, %add3A_307 : i32
        %dma_wait3A_310 = arith.constant 0 : i32
        %dma_wait3A_311 = tpu.memref_slice %arg11[%dma_wait3A_310] : memref<64xi32, #tpu.memory_space<vmem>> -> memref<48xi32, #tpu.memory_space<vmem>>
        %dma_wait3A_312 = tpu.memref_slice %arg3[%mul3A_309] : memref<133920xi32, #tpu.memory_space<hbm>> -> memref<48xi32, #tpu.memory_space<hbm>>
        %dma_wait3A_313 = arith.constant 0 : i32
        %dma_wait3A_314 = tpu.memref_slice %arg11[%dma_wait3A_313] : memref<64xi32, #tpu.memory_space<vmem>> -> memref<48xi32, #tpu.memory_space<vmem>>
        %dma_wait3A_315 = tpu.memref_slice %arg3[%mul3A_309] : memref<133920xi32, #tpu.memory_space<hbm>> -> memref<48xi32, #tpu.memory_space<hbm>>
        tpu.wait_dma2 semaphore(%arg20 : memref<!tpu.dma_semaphore, #tpu.memory_space<semaphore_mem>>) src(%dma_wait3A_315 : memref<48xi32, #tpu.memory_space<hbm>>) dst(%dma_wait3A_314 : memref<48xi32, #tpu.memory_space<vmem>>)
        %lt3A = arith.cmpi slt, %add3A_214, %max3A_69 : i32
        %scan3A_316 = arith.constant 0 : i32
        %scan3A_317 = arith.constant 0 : i32
        %scan3A_318 = arith.constant 24 : i32
        %scan3A_319 = arith.addi %scan3A_317, %scan3A_318 : i32
        %scan3A_320 = arith.constant 1 : i32
        %scan3A_321 = scf.for %scan3A_340 = %scan3A_317 to %scan3A_319 step %scan3A_320 iter_args(%scan3A_341 = %scan3A_316) -> (i32)  : i32 {
          %mul3A_342 = arith.constant 2 : i32
          %mul3A_343 = arith.muli %mul3A_342, %scan3A_340 : i32
          %get3A_344 = arith.index_cast %mul3A_343 : i32 to index
          %get3A_345 = tpu.vector_load %arg11[%get3A_344] {strides = array<i32>} : memref<64xi32, #tpu.memory_space<vmem>>, vector<16xi32>,
          %get3A_346 = vector.shape_cast %get3A_345 : vector<16xi32> to vector<16xi32>
          %slice3A_347 = vector.extract_strided_slice %get3A_346 {offsets = [0], sizes = [1], strides = [1]} : vector<16xi32> to vector<1xi32>
          %squeeze3A_348 = vector.extract %slice3A_347[0] : i32 from vector<1xi32>
          %sub3A_349 = arith.subi %squeeze3A_348, %add3A_14 : i32
          %ge3A = arith.constant 0 : i32
          %ge3A_350 = arith.cmpi sge, %sub3A_349, %ge3A : i32
          %lt3A_351 = arith.constant 64 : i32
          %lt3A_352 = arith.cmpi slt, %sub3A_349, %lt3A_351 : i32
          %and3A_353 = arith.andi %ge3A_350, %lt3A_352 : i1
          %and3A_354 = arith.andi %and3A_353, %lt3A : i1
          %slice3A_355 = vector.extract_strided_slice %get3A_346 {offsets = [1], sizes = [1], strides = [1]} : vector<16xi32> to vector<1xi32>
          %squeeze3A_356 = vector.extract %slice3A_355[0] : i32 from vector<1xi32>
          %bitcast_convert_type3A = arith.bitcast %squeeze3A_356 : i32 to f32
          %jit3A_357 = arith.constant 0.000000e+00 : f32
          %select_n3A_358 = arith.select %and3A_354, %bitcast_convert_type3A, %jit3A_357 : f32
          %jit3A_359 = arith.constant 0 : i32
          %select_n3A_360 = arith.select %and3A_354, %sub3A_349, %jit3A_359 : i32
          %broadcast_in_dim3A_361 = vector.broadcast %select_n3A_358 : f32 to vector<16xf32>
          %parallel_loop3A_362 = arith.constant 0 : i32
          %parallel_loop3A_363 = arith.constant 64 : i32
          %parallel_loop3A_364 = arith.constant 1 : i32
          scf.for %parallel_loop3A_366 = %parallel_loop3A_362 to %parallel_loop3A_363 step %parallel_loop3A_364  : i32 {
            %parallel_loop3A_367 = arith.constant 16 : i32
            %parallel_loop3A_368 = arith.muli %parallel_loop3A_366, %parallel_loop3A_367 : i32
            %parallel_loop3A_369 = arith.index_cast %scan3A_340 : i32 to index
            %parallel_loop3A_370 = arith.index_cast %parallel_loop3A_368 : i32 to index
            %parallel_loop3A_371 = tpu.vector_load %arg13[%parallel_loop3A_369, %parallel_loop3A_370] {strides = array<i32>} : memref<24x1024xf32, #tpu.memory_space<vmem>>, vector<1x16xf32>,
            %parallel_loop3A_372 = vector.shape_cast %parallel_loop3A_371 : vector<1x16xf32> to vector<16xf32>
            %parallel_loop3A_373 = arith.constant 0.000000e+00 : f32
            %parallel_loop3A_374 = vector.broadcast %parallel_loop3A_373 : f32 to vector<16xf32>
            %parallel_loop3A_375 = arith.maximumf %parallel_loop3A_372, %parallel_loop3A_374 : vector<16xf32>
            %parallel_loop3A_376 = arith.constant 16 : i32
            %parallel_loop3A_377 = arith.muli %parallel_loop3A_366, %parallel_loop3A_376 : i32
            %parallel_loop3A_378 = arith.mulf %broadcast_in_dim3A_361, %parallel_loop3A_375 : vector<16xf32>
            %parallel_loop3A_379 = arith.index_cast %select_n3A_360 : i32 to index
            %parallel_loop3A_380 = arith.index_cast %parallel_loop3A_377 : i32 to index
            %parallel_loop3A_381 = tpu.vector_load %arg14[%parallel_loop3A_379, %parallel_loop3A_380] {strides = array<i32>} : memref<64x1024xf32, #tpu.memory_space<vmem>>, vector<1x16xf32>,
            %parallel_loop3A_382 = vector.shape_cast %parallel_loop3A_381 : vector<1x16xf32> to vector<16xf32>
            %parallel_loop3A_383 = vector.shape_cast %parallel_loop3A_378 : vector<16xf32> to vector<1x16xf32>
            tpu.vector_store %arg14[%parallel_loop3A_379, %parallel_loop3A_380], %parallel_loop3A_383 {add = true, strides = array<i32>} : memref<64x1024xf32, #tpu.memory_space<vmem>>, vector<1x16xf32>,
          } {sc.loop_unroll_factor = 8 : i64, sc.parallel_access}
          %scan3A_365 = arith.constant 0 : i32
          scf.yield %scan3A_365 : i32
        }
        %scan3A_322 = arith.constant 24 : i32
        %add3A_323 = arith.constant 2 : i32
        %add3A_324 = arith.addi %add3A_214, %add3A_323 : i32
        %sub3A_325 = arith.constant 1 : i32
        %sub3A_326 = arith.subi %max3A_69, %sub3A_325 : i32
        %min3A_327 = arith.minsi %add3A_324, %sub3A_326 : i32
        %mul3A_328 = arith.constant 24 : i32
        %mul3A_329 = arith.muli %min3A_327, %mul3A_328 : i32
        %add3A_330 = arith.addi %mul3A_39, %mul3A_329 : i32
        %mul3A_331 = arith.constant 2 : i32
        %mul3A_332 = arith.muli %mul3A_331, %add3A_330 : i32
        %dma_start3A_333 = arith.constant 0 : i32
        %dma_start3A_334 = tpu.memref_slice %arg11[%dma_start3A_333] : memref<64xi32, #tpu.memory_space<vmem>> -> memref<48xi32, #tpu.memory_space<vmem>>
        %dma_start3A_335 = tpu.memref_slice %arg3[%mul3A_332] : memref<133920xi32, #tpu.memory_space<hbm>> -> memref<48xi32, #tpu.memory_space<hbm>>
        %dma_start3A_336 = arith.constant 0 : i32
        %dma_start3A_337 = tpu.memref_slice %arg11[%dma_start3A_336] : memref<64xi32, #tpu.memory_space<vmem>> -> memref<48xi32, #tpu.memory_space<vmem>>
        %dma_start3A_338 = tpu.memref_slice %arg3[%mul3A_332] : memref<133920xi32, #tpu.memory_space<hbm>> -> memref<48xi32, #tpu.memory_space<hbm>>
        tpu.enqueue_dma source(%dma_start3A_338 : memref<48xi32, #tpu.memory_space<hbm>>) target(%dma_start3A_337 : memref<48xi32, #tpu.memory_space<vmem>>) target_semaphore(%arg20 : memref<!tpu.dma_semaphore, #tpu.memory_space<semaphore_mem>>)
        %while3A_339 = arith.constant 0 : i32
        scf.yield %while3A_339 : i32
      }
      %while3A_164 = arith.constant 1 : i32
      %while3A_165 = scf.for %while3A_209 = %while3A_161 to %while3A_157 step %while3A_164 iter_args(%while3A_210 = %while3A_163) -> (i32)  : i32 {
        %mul3A_211 = arith.constant 2 : i32
        %mul3A_212 = arith.muli %mul3A_211, %while3A_209 : i32
        %add3A_213 = arith.constant 1 : i32
        %add3A_214 = arith.addi %mul3A_212, %add3A_213 : i32
        %dma_wait3A_215 = arith.constant 0 : i32
        %dma_wait3A_216 = arith.constant 0 : i32
        %dma_wait3A_217 = tpu.memref_slice %arg2[%dma_wait3A_215, %dma_wait3A_216] : memref<16384x1024xf32, #tpu.memory_space<hbm>> -> memref<16384x1024xf32, #tpu.memory_space<hbm>>
        tpu.wait_indirect_dma semaphore(%arg15 : memref<!tpu.dma_semaphore, #tpu.memory_space<semaphore_mem>>) src(%dma_wait3A_217 : memref<16384x1024xf32, #tpu.memory_space<hbm>>) dst(%arg12 : memref<24x1024xf32, #tpu.memory_space<vmem>>)
        %sub3A_218 = arith.constant 1 : i32
        %sub3A_219 = arith.subi %max3A_69, %sub3A_218 : i32
        %min3A_220 = arith.minsi %add3A_214, %sub3A_219 : i32
        %mul3A_221 = arith.constant 24 : i32
        %mul3A_222 = arith.muli %min3A_220, %mul3A_221 : i32
        %add3A_223 = arith.addi %mul3A_39, %mul3A_222 : i32
        %dma_wait3A_224 = tpu.memref_slice %arg4[%add3A_223] : memref<66960xi32, #tpu.memory_space<hbm>> -> memref<24xi32, #tpu.memory_space<hbm>>
        %dma_wait3A_225 = tpu.memref_slice %arg4[%add3A_223] : memref<66960xi32, #tpu.memory_space<hbm>> -> memref<24xi32, #tpu.memory_space<hbm>>
        tpu.wait_dma2 semaphore(%arg18 : memref<!tpu.dma_semaphore, #tpu.memory_space<semaphore_mem>>) src(%dma_wait3A_225 : memref<24xi32, #tpu.memory_space<hbm>>) dst(%arg9 : memref<24xi32, #tpu.memory_space<vmem>>)
        %dma_start3A_226 = arith.constant 0 : i32
        %dma_start3A_227 = arith.constant 0 : i32
        %dma_start3A_228 = tpu.memref_slice %arg2[%dma_start3A_226, %dma_start3A_227] : memref<16384x1024xf32, #tpu.memory_space<hbm>> -> memref<16384x1024xf32, #tpu.memory_space<hbm>>
        tpu.enqueue_indirect_dma source(%dma_start3A_228 : memref<16384x1024xf32, #tpu.memory_space<hbm>>) target(%arg13 : memref<24x1024xf32, #tpu.memory_space<vmem>>) offsets(%arg9 : memref<24xi32, #tpu.memory_space<vmem>>) semaphore(%arg16 : memref<!tpu.dma_semaphore, #tpu.memory_space<semaphore_mem>>)
        %add3A_229 = arith.constant 2 : i32
        %add3A_230 = arith.addi %mul3A_212, %add3A_229 : i32
        %sub3A_231 = arith.constant 1 : i32
        %sub3A_232 = arith.subi %max3A_69, %sub3A_231 : i32
        %min3A_233 = arith.minsi %add3A_230, %sub3A_232 : i32
        %mul3A_234 = arith.constant 24 : i32
        %mul3A_235 = arith.muli %min3A_233, %mul3A_234 : i32
        %add3A_236 = arith.addi %mul3A_39, %mul3A_235 : i32
        %dma_start3A_237 = tpu.memref_slice %arg4[%add3A_236] : memref<66960xi32, #tpu.memory_space<hbm>> -> memref<24xi32, #tpu.memory_space<hbm>>
        %dma_start3A_238 = tpu.memref_slice %arg4[%add3A_236] : memref<66960xi32, #tpu.memory_space<hbm>> -> memref<24xi32, #tpu.memory_space<hbm>>
        tpu.enqueue_dma source(%dma_start3A_238 : memref<24xi32, #tpu.memory_space<hbm>>) target(%arg8 : memref<24xi32, #tpu.memory_space<vmem>>) target_semaphore(%arg17 : memref<!tpu.dma_semaphore, #tpu.memory_space<semaphore_mem>>)
        %sub3A_239 = arith.constant 1 : i32
        %sub3A_240 = arith.subi %max3A_69, %sub3A_239 : i32
        %min3A_241 = arith.minsi %mul3A_212, %sub3A_240 : i32
        %mul3A_242 = arith.constant 24 : i32
        %mul3A_243 = arith.muli %min3A_241, %mul3A_242 : i32
        %add3A_244 = arith.addi %mul3A_39, %mul3A_243 : i32
        %mul3A_245 = arith.constant 2 : i32
        %mul3A_246 = arith.muli %mul3A_245, %add3A_244 : i32
        %dma_wait3A_247 = arith.constant 0 : i32
        %dma_wait3A_248 = tpu.memref_slice %arg10[%dma_wait3A_247] : memref<64xi32, #tpu.memory_space<vmem>> -> memref<48xi32, #tpu.memory_space<vmem>>
        %dma_wait3A_249 = tpu.memref_slice %arg3[%mul3A_246] : memref<133920xi32, #tpu.memory_space<hbm>> -> memref<48xi32, #tpu.memory_space<hbm>>
        %dma_wait3A_250 = arith.constant 0 : i32
        %dma_wait3A_251 = tpu.memref_slice %arg10[%dma_wait3A_250] : memref<64xi32, #tpu.memory_space<vmem>> -> memref<48xi32, #tpu.memory_space<vmem>>
        %dma_wait3A_252 = tpu.memref_slice %arg3[%mul3A_246] : memref<133920xi32, #tpu.memory_space<hbm>> -> memref<48xi32, #tpu.memory_space<hbm>>
        tpu.wait_dma2 semaphore(%arg19 : memref<!tpu.dma_semaphore, #tpu.memory_space<semaphore_mem>>) src(%dma_wait3A_252 : memref<48xi32, #tpu.memory_space<hbm>>) dst(%dma_wait3A_251 : memref<48xi32, #tpu.memory_space<vmem>>)
        %scan3A_253 = arith.constant 0 : i32
        %scan3A_254 = arith.constant 0 : i32
        %scan3A_255 = arith.constant 24 : i32
        %scan3A_256 = arith.addi %scan3A_254, %scan3A_255 : i32
        %scan3A_257 = arith.constant 1 : i32
        %scan3A_258 = scf.for %scan3A_340 = %scan3A_254 to %scan3A_256 step %scan3A_257 iter_args(%scan3A_341 = %scan3A_253) -> (i32)  : i32 {
          %mul3A_342 = arith.constant 2 : i32
          %mul3A_343 = arith.muli %mul3A_342, %scan3A_340 : i32
          %get3A_344 = arith.index_cast %mul3A_343 : i32 to index
          %get3A_345 = tpu.vector_load %arg10[%get3A_344] {strides = array<i32>} : memref<64xi32, #tpu.memory_space<vmem>>, vector<16xi32>,
          %get3A_346 = vector.shape_cast %get3A_345 : vector<16xi32> to vector<16xi32>
          %slice3A_347 = vector.extract_strided_slice %get3A_346 {offsets = [0], sizes = [1], strides = [1]} : vector<16xi32> to vector<1xi32>
          %squeeze3A_348 = vector.extract %slice3A_347[0] : i32 from vector<1xi32>
          %sub3A_349 = arith.subi %squeeze3A_348, %add3A_14 : i32
          %ge3A = arith.constant 0 : i32
          %ge3A_350 = arith.cmpi sge, %sub3A_349, %ge3A : i32
          %lt3A_351 = arith.constant 64 : i32
          %lt3A_352 = arith.cmpi slt, %sub3A_349, %lt3A_351 : i32
          %and3A_353 = arith.andi %ge3A_350, %lt3A_352 : i1
          %and3A_354 = arith.constant true
          %and3A_355 = arith.andi %and3A_353, %and3A_354 : i1
          %slice3A_356 = vector.extract_strided_slice %get3A_346 {offsets = [1], sizes = [1], strides = [1]} : vector<16xi32> to vector<1xi32>
          %squeeze3A_357 = vector.extract %slice3A_356[0] : i32 from vector<1xi32>
          %bitcast_convert_type3A = arith.bitcast %squeeze3A_357 : i32 to f32
          %jit3A_358 = arith.constant 0.000000e+00 : f32
          %select_n3A_359 = arith.select %and3A_355, %bitcast_convert_type3A, %jit3A_358 : f32
          %jit3A_360 = arith.constant 0 : i32
          %select_n3A_361 = arith.select %and3A_355, %sub3A_349, %jit3A_360 : i32
          %broadcast_in_dim3A_362 = vector.broadcast %select_n3A_359 : f32 to vector<16xf32>
          %parallel_loop3A_363 = arith.constant 0 : i32
          %parallel_loop3A_364 = arith.constant 64 : i32
          %parallel_loop3A_365 = arith.constant 1 : i32
          scf.for %parallel_loop3A_367 = %parallel_loop3A_363 to %parallel_loop3A_364 step %parallel_loop3A_365  : i32 {
            %parallel_loop3A_368 = arith.constant 16 : i32
            %parallel_loop3A_369 = arith.muli %parallel_loop3A_367, %parallel_loop3A_368 : i32
            %parallel_loop3A_370 = arith.index_cast %scan3A_340 : i32 to index
            %parallel_loop3A_371 = arith.index_cast %parallel_loop3A_369 : i32 to index
            %parallel_loop3A_372 = tpu.vector_load %arg12[%parallel_loop3A_370, %parallel_loop3A_371] {strides = array<i32>} : memref<24x1024xf32, #tpu.memory_space<vmem>>, vector<1x16xf32>,
            %parallel_loop3A_373 = vector.shape_cast %parallel_loop3A_372 : vector<1x16xf32> to vector<16xf32>
            %parallel_loop3A_374 = arith.constant 0.000000e+00 : f32
            %parallel_loop3A_375 = vector.broadcast %parallel_loop3A_374 : f32 to vector<16xf32>
            %parallel_loop3A_376 = arith.maximumf %parallel_loop3A_373, %parallel_loop3A_375 : vector<16xf32>
            %parallel_loop3A_377 = arith.constant 16 : i32
            %parallel_loop3A_378 = arith.muli %parallel_loop3A_367, %parallel_loop3A_377 : i32
            %parallel_loop3A_379 = arith.mulf %broadcast_in_dim3A_362, %parallel_loop3A_376 : vector<16xf32>
            %parallel_loop3A_380 = arith.index_cast %select_n3A_361 : i32 to index
            %parallel_loop3A_381 = arith.index_cast %parallel_loop3A_378 : i32 to index
            %parallel_loop3A_382 = tpu.vector_load %arg14[%parallel_loop3A_380, %parallel_loop3A_381] {strides = array<i32>} : memref<64x1024xf32, #tpu.memory_space<vmem>>, vector<1x16xf32>,
            %parallel_loop3A_383 = vector.shape_cast %parallel_loop3A_382 : vector<1x16xf32> to vector<16xf32>
            %parallel_loop3A_384 = vector.shape_cast %parallel_loop3A_379 : vector<16xf32> to vector<1x16xf32>
            tpu.vector_store %arg14[%parallel_loop3A_380, %parallel_loop3A_381], %parallel_loop3A_384 {add = true, strides = array<i32>} : memref<64x1024xf32, #tpu.memory_space<vmem>>, vector<1x16xf32>,
          } {sc.loop_unroll_factor = 8 : i64, sc.parallel_access}
          %scan3A_366 = arith.constant 0 : i32
          scf.yield %scan3A_366 : i32
        }
        %scan3A_259 = arith.constant 24 : i32
        %add3A_260 = arith.constant 2 : i32
        %add3A_261 = arith.addi %mul3A_212, %add3A_260 : i32
        %sub3A_262 = arith.constant 1 : i32
        %sub3A_263 = arith.subi %max3A_69, %sub3A_262 : i32
        %min3A_264 = arith.minsi %add3A_261, %sub3A_263 : i32
        %mul3A_265 = arith.constant 24 : i32
        %mul3A_266 = arith.muli %min3A_264, %mul3A_265 : i32
        %add3A_267 = arith.addi %mul3A_39, %mul3A_266 : i32
        %mul3A_268 = arith.constant 2 : i32
        %mul3A_269 = arith.muli %mul3A_268, %add3A_267 : i32
        %dma_start3A_270 = arith.constant 0 : i32
        %dma_start3A_271 = tpu.memref_slice %arg10[%dma_start3A_270] : memref<64xi32, #tpu.memory_space<vmem>> -> memref<48xi32, #tpu.memory_space<vmem>>
        %dma_start3A_272 = tpu.memref_slice %arg3[%mul3A_269] : memref<133920xi32, #tpu.memory_space<hbm>> -> memref<48xi32, #tpu.memory_space<hbm>>
        %dma_start3A_273 = arith.constant 0 : i32
        %dma_start3A_274 = tpu.memref_slice %arg10[%dma_start3A_273] : memref<64xi32, #tpu.memory_space<vmem>> -> memref<48xi32, #tpu.memory_space<vmem>>
        %dma_start3A_275 = tpu.memref_slice %arg3[%mul3A_269] : memref<133920xi32, #tpu.memory_space<hbm>> -> memref<48xi32, #tpu.memory_space<hbm>>
        tpu.enqueue_dma source(%dma_start3A_275 : memref<48xi32, #tpu.memory_space<hbm>>) target(%dma_start3A_274 : memref<48xi32, #tpu.memory_space<vmem>>) target_semaphore(%arg19 : memref<!tpu.dma_semaphore, #tpu.memory_space<semaphore_mem>>)
        %dma_wait3A_276 = arith.constant 0 : i32
        %dma_wait3A_277 = arith.constant 0 : i32
        %dma_wait3A_278 = tpu.memref_slice %arg2[%dma_wait3A_276, %dma_wait3A_277] : memref<16384x1024xf32, #tpu.memory_space<hbm>> -> memref<16384x1024xf32, #tpu.memory_space<hbm>>
        tpu.wait_indirect_dma semaphore(%arg16 : memref<!tpu.dma_semaphore, #tpu.memory_space<semaphore_mem>>) src(%dma_wait3A_278 : memref<16384x1024xf32, #tpu.memory_space<hbm>>) dst(%arg13 : memref<24x1024xf32, #tpu.memory_space<vmem>>)
        %add3A_279 = arith.constant 2 : i32
        %add3A_280 = arith.addi %mul3A_212, %add3A_279 : i32
        %sub3A_281 = arith.constant 1 : i32
        %sub3A_282 = arith.subi %max3A_69, %sub3A_281 : i32
        %min3A_283 = arith.minsi %add3A_280, %sub3A_282 : i32
        %mul3A_284 = arith.constant 24 : i32
        %mul3A_285 = arith.muli %min3A_283, %mul3A_284 : i32
        %add3A_286 = arith.addi %mul3A_39, %mul3A_285 : i32
        %dma_wait3A_287 = tpu.memref_slice %arg4[%add3A_286] : memref<66960xi32, #tpu.memory_space<hbm>> -> memref<24xi32, #tpu.memory_space<hbm>>
        %dma_wait3A_288 = tpu.memref_slice %arg4[%add3A_286] : memref<66960xi32, #tpu.memory_space<hbm>> -> memref<24xi32, #tpu.memory_space<hbm>>
        tpu.wait_dma2 semaphore(%arg17 : memref<!tpu.dma_semaphore, #tpu.memory_space<semaphore_mem>>) src(%dma_wait3A_288 : memref<24xi32, #tpu.memory_space<hbm>>) dst(%arg8 : memref<24xi32, #tpu.memory_space<vmem>>)
        %dma_start3A_289 = arith.constant 0 : i32
        %dma_start3A_290 = arith.constant 0 : i32
        %dma_start3A_291 = tpu.memref_slice %arg2[%dma_start3A_289, %dma_start3A_290] : memref<16384x1024xf32, #tpu.memory_space<hbm>> -> memref<16384x1024xf32, #tpu.memory_space<hbm>>
        tpu.enqueue_indirect_dma source(%dma_start3A_291 : memref<16384x1024xf32, #tpu.memory_space<hbm>>) target(%arg12 : memref<24x1024xf32, #tpu.memory_space<vmem>>) offsets(%arg8 : memref<24xi32, #tpu.memory_space<vmem>>) semaphore(%arg15 : memref<!tpu.dma_semaphore, #tpu.memory_space<semaphore_mem>>)
        %add3A_292 = arith.constant 2 : i32
        %add3A_293 = arith.addi %add3A_214, %add3A_292 : i32
        %sub3A_294 = arith.constant 1 : i32
        %sub3A_295 = arith.subi %max3A_69, %sub3A_294 : i32
        %min3A_296 = arith.minsi %add3A_293, %sub3A_295 : i32
        %mul3A_297 = arith.constant 24 : i32
        %mul3A_298 = arith.muli %min3A_296, %mul3A_297 : i32
        %add3A_299 = arith.addi %mul3A_39, %mul3A_298 : i32
        %dma_start3A_300 = tpu.memref_slice %arg4[%add3A_299] : memref<66960xi32, #tpu.memory_space<hbm>> -> memref<24xi32, #tpu.memory_space<hbm>>
        %dma_start3A_301 = tpu.memref_slice %arg4[%add3A_299] : memref<66960xi32, #tpu.memory_space<hbm>> -> memref<24xi32, #tpu.memory_space<hbm>>
        tpu.enqueue_dma source(%dma_start3A_301 : memref<24xi32, #tpu.memory_space<hbm>>) target(%arg9 : memref<24xi32, #tpu.memory_space<vmem>>) target_semaphore(%arg18 : memref<!tpu.dma_semaphore, #tpu.memory_space<semaphore_mem>>)
        %sub3A_302 = arith.constant 1 : i32
        %sub3A_303 = arith.subi %max3A_69, %sub3A_302 : i32
        %min3A_304 = arith.minsi %add3A_214, %sub3A_303 : i32
        %mul3A_305 = arith.constant 24 : i32
        %mul3A_306 = arith.muli %min3A_304, %mul3A_305 : i32
        %add3A_307 = arith.addi %mul3A_39, %mul3A_306 : i32
        %mul3A_308 = arith.constant 2 : i32
        %mul3A_309 = arith.muli %mul3A_308, %add3A_307 : i32
        %dma_wait3A_310 = arith.constant 0 : i32
        %dma_wait3A_311 = tpu.memref_slice %arg11[%dma_wait3A_310] : memref<64xi32, #tpu.memory_space<vmem>> -> memref<48xi32, #tpu.memory_space<vmem>>
        %dma_wait3A_312 = tpu.memref_slice %arg3[%mul3A_309] : memref<133920xi32, #tpu.memory_space<hbm>> -> memref<48xi32, #tpu.memory_space<hbm>>
        %dma_wait3A_313 = arith.constant 0 : i32
        %dma_wait3A_314 = tpu.memref_slice %arg11[%dma_wait3A_313] : memref<64xi32, #tpu.memory_space<vmem>> -> memref<48xi32, #tpu.memory_space<vmem>>
        %dma_wait3A_315 = tpu.memref_slice %arg3[%mul3A_309] : memref<133920xi32, #tpu.memory_space<hbm>> -> memref<48xi32, #tpu.memory_space<hbm>>
        tpu.wait_dma2 semaphore(%arg20 : memref<!tpu.dma_semaphore, #tpu.memory_space<semaphore_mem>>) src(%dma_wait3A_315 : memref<48xi32, #tpu.memory_space<hbm>>) dst(%dma_wait3A_314 : memref<48xi32, #tpu.memory_space<vmem>>)
        %lt3A = arith.cmpi slt, %add3A_214, %max3A_69 : i32
        %scan3A_316 = arith.constant 0 : i32
        %scan3A_317 = arith.constant 0 : i32
        %scan3A_318 = arith.constant 24 : i32
        %scan3A_319 = arith.addi %scan3A_317, %scan3A_318 : i32
        %scan3A_320 = arith.constant 1 : i32
        %scan3A_321 = scf.for %scan3A_340 = %scan3A_317 to %scan3A_319 step %scan3A_320 iter_args(%scan3A_341 = %scan3A_316) -> (i32)  : i32 {
          %mul3A_342 = arith.constant 2 : i32
          %mul3A_343 = arith.muli %mul3A_342, %scan3A_340 : i32
          %get3A_344 = arith.index_cast %mul3A_343 : i32 to index
          %get3A_345 = tpu.vector_load %arg11[%get3A_344] {strides = array<i32>} : memref<64xi32, #tpu.memory_space<vmem>>, vector<16xi32>,
          %get3A_346 = vector.shape_cast %get3A_345 : vector<16xi32> to vector<16xi32>
          %slice3A_347 = vector.extract_strided_slice %get3A_346 {offsets = [0], sizes = [1], strides = [1]} : vector<16xi32> to vector<1xi32>
          %squeeze3A_348 = vector.extract %slice3A_347[0] : i32 from vector<1xi32>
          %sub3A_349 = arith.subi %squeeze3A_348, %add3A_14 : i32
          %ge3A = arith.constant 0 : i32
          %ge3A_350 = arith.cmpi sge, %sub3A_349, %ge3A : i32
          %lt3A_351 = arith.constant 64 : i32
          %lt3A_352 = arith.cmpi slt, %sub3A_349, %lt3A_351 : i32
          %and3A_353 = arith.andi %ge3A_350, %lt3A_352 : i1
          %and3A_354 = arith.andi %and3A_353, %lt3A : i1
          %slice3A_355 = vector.extract_strided_slice %get3A_346 {offsets = [1], sizes = [1], strides = [1]} : vector<16xi32> to vector<1xi32>
          %squeeze3A_356 = vector.extract %slice3A_355[0] : i32 from vector<1xi32>
          %bitcast_convert_type3A = arith.bitcast %squeeze3A_356 : i32 to f32
          %jit3A_357 = arith.constant 0.000000e+00 : f32
          %select_n3A_358 = arith.select %and3A_354, %bitcast_convert_type3A, %jit3A_357 : f32
          %jit3A_359 = arith.constant 0 : i32
          %select_n3A_360 = arith.select %and3A_354, %sub3A_349, %jit3A_359 : i32
          %broadcast_in_dim3A_361 = vector.broadcast %select_n3A_358 : f32 to vector<16xf32>
          %parallel_loop3A_362 = arith.constant 0 : i32
          %parallel_loop3A_363 = arith.constant 64 : i32
          %parallel_loop3A_364 = arith.constant 1 : i32
          scf.for %parallel_loop3A_366 = %parallel_loop3A_362 to %parallel_loop3A_363 step %parallel_loop3A_364  : i32 {
            %parallel_loop3A_367 = arith.constant 16 : i32
            %parallel_loop3A_368 = arith.muli %parallel_loop3A_366, %parallel_loop3A_367 : i32
            %parallel_loop3A_369 = arith.index_cast %scan3A_340 : i32 to index
            %parallel_loop3A_370 = arith.index_cast %parallel_loop3A_368 : i32 to index
            %parallel_loop3A_371 = tpu.vector_load %arg13[%parallel_loop3A_369, %parallel_loop3A_370] {strides = array<i32>} : memref<24x1024xf32, #tpu.memory_space<vmem>>, vector<1x16xf32>,
            %parallel_loop3A_372 = vector.shape_cast %parallel_loop3A_371 : vector<1x16xf32> to vector<16xf32>
            %parallel_loop3A_373 = arith.constant 0.000000e+00 : f32
            %parallel_loop3A_374 = vector.broadcast %parallel_loop3A_373 : f32 to vector<16xf32>
            %parallel_loop3A_375 = arith.maximumf %parallel_loop3A_372, %parallel_loop3A_374 : vector<16xf32>
            %parallel_loop3A_376 = arith.constant 16 : i32
            %parallel_loop3A_377 = arith.muli %parallel_loop3A_366, %parallel_loop3A_376 : i32
            %parallel_loop3A_378 = arith.mulf %broadcast_in_dim3A_361, %parallel_loop3A_375 : vector<16xf32>
            %parallel_loop3A_379 = arith.index_cast %select_n3A_360 : i32 to index
            %parallel_loop3A_380 = arith.index_cast %parallel_loop3A_377 : i32 to index
            %parallel_loop3A_381 = tpu.vector_load %arg14[%parallel_loop3A_379, %parallel_loop3A_380] {strides = array<i32>} : memref<64x1024xf32, #tpu.memory_space<vmem>>, vector<1x16xf32>,
            %parallel_loop3A_382 = vector.shape_cast %parallel_loop3A_381 : vector<1x16xf32> to vector<16xf32>
            %parallel_loop3A_383 = vector.shape_cast %parallel_loop3A_378 : vector<16xf32> to vector<1x16xf32>
            tpu.vector_store %arg14[%parallel_loop3A_379, %parallel_loop3A_380], %parallel_loop3A_383 {add = true, strides = array<i32>} : memref<64x1024xf32, #tpu.memory_space<vmem>>, vector<1x16xf32>,
          } {sc.loop_unroll_factor = 8 : i64, sc.parallel_access}
          %scan3A_365 = arith.constant 0 : i32
          scf.yield %scan3A_365 : i32
        }
        %scan3A_322 = arith.constant 24 : i32
        %add3A_323 = arith.constant 2 : i32
        %add3A_324 = arith.addi %add3A_214, %add3A_323 : i32
        %sub3A_325 = arith.constant 1 : i32
        %sub3A_326 = arith.subi %max3A_69, %sub3A_325 : i32
        %min3A_327 = arith.minsi %add3A_324, %sub3A_326 : i32
        %mul3A_328 = arith.constant 24 : i32
        %mul3A_329 = arith.muli %min3A_327, %mul3A_328 : i32
        %add3A_330 = arith.addi %mul3A_39, %mul3A_329 : i32
        %mul3A_331 = arith.constant 2 : i32
        %mul3A_332 = arith.muli %mul3A_331, %add3A_330 : i32
        %dma_start3A_333 = arith.constant 0 : i32
        %dma_start3A_334 = tpu.memref_slice %arg11[%dma_start3A_333] : memref<64xi32, #tpu.memory_space<vmem>> -> memref<48xi32, #tpu.memory_space<vmem>>
        %dma_start3A_335 = tpu.memref_slice %arg3[%mul3A_332] : memref<133920xi32, #tpu.memory_space<hbm>> -> memref<48xi32, #tpu.memory_space<hbm>>
        %dma_start3A_336 = arith.constant 0 : i32
        %dma_start3A_337 = tpu.memref_slice %arg11[%dma_start3A_336] : memref<64xi32, #tpu.memory_space<vmem>> -> memref<48xi32, #tpu.memory_space<vmem>>
        %dma_start3A_338 = tpu.memref_slice %arg3[%mul3A_332] : memref<133920xi32, #tpu.memory_space<hbm>> -> memref<48xi32, #tpu.memory_space<hbm>>
        tpu.enqueue_dma source(%dma_start3A_338 : memref<48xi32, #tpu.memory_space<hbm>>) target(%dma_start3A_337 : memref<48xi32, #tpu.memory_space<vmem>>) target_semaphore(%arg20 : memref<!tpu.dma_semaphore, #tpu.memory_space<semaphore_mem>>)
        %while3A_339 = arith.constant 0 : i32
        scf.yield %while3A_339 : i32
      }
      %dma_wait3A_166 = arith.constant 0 : i32
      %dma_wait3A_167 = arith.constant 0 : i32
      %dma_wait3A_168 = tpu.memref_slice %arg2[%dma_wait3A_166, %dma_wait3A_167] : memref<16384x1024xf32, #tpu.memory_space<hbm>> -> memref<16384x1024xf32, #tpu.memory_space<hbm>>
      tpu.wait_indirect_dma semaphore(%arg15 : memref<!tpu.dma_semaphore, #tpu.memory_space<semaphore_mem>>) src(%dma_wait3A_168 : memref<16384x1024xf32, #tpu.memory_space<hbm>>) dst(%arg12 : memref<24x1024xf32, #tpu.memory_space<vmem>>)
      %sub3A_169 = arith.constant 1 : i32
      %sub3A_170 = arith.subi %max3A_69, %sub3A_169 : i32
      %min3A_171 = arith.constant 0 : i32
      %min3A_172 = arith.minsi %min3A_171, %sub3A_170 : i32
      %mul3A_173 = arith.constant 24 : i32
      %mul3A_174 = arith.muli %min3A_172, %mul3A_173 : i32
      %add3A_175 = arith.addi %mul3A_39, %mul3A_174 : i32
      %dma_wait3A_176 = tpu.memref_slice %arg4[%add3A_175] : memref<66960xi32, #tpu.memory_space<hbm>> -> memref<24xi32, #tpu.memory_space<hbm>>
      %dma_wait3A_177 = tpu.memref_slice %arg4[%add3A_175] : memref<66960xi32, #tpu.memory_space<hbm>> -> memref<24xi32, #tpu.memory_space<hbm>>
      tpu.wait_dma2 semaphore(%arg18 : memref<!tpu.dma_semaphore, #tpu.memory_space<semaphore_mem>>) src(%dma_wait3A_177 : memref<24xi32, #tpu.memory_space<hbm>>) dst(%arg9 : memref<24xi32, #tpu.memory_space<vmem>>)
      %sub3A_178 = arith.constant 1 : i32
      %sub3A_179 = arith.subi %max3A_69, %sub3A_178 : i32
      %min3A_180 = arith.constant 0 : i32
      %min3A_181 = arith.minsi %min3A_180, %sub3A_179 : i32
      %mul3A_182 = arith.constant 24 : i32
      %mul3A_183 = arith.muli %min3A_181, %mul3A_182 : i32
      %add3A_184 = arith.addi %mul3A_39, %mul3A_183 : i32
      %mul3A_185 = arith.constant 2 : i32
      %mul3A_186 = arith.muli %mul3A_185, %add3A_184 : i32
      %dma_wait3A_187 = arith.constant 0 : i32
      %dma_wait3A_188 = tpu.memref_slice %arg10[%dma_wait3A_187] : memref<64xi32, #tpu.memory_space<vmem>> -> memref<48xi32, #tpu.memory_space<vmem>>
      %dma_wait3A_189 = tpu.memref_slice %arg3[%mul3A_186] : memref<133920xi32, #tpu.memory_space<hbm>> -> memref<48xi32, #tpu.memory_space<hbm>>
      %dma_wait3A_190 = arith.constant 0 : i32
      %dma_wait3A_191 = tpu.memref_slice %arg10[%dma_wait3A_190] : memref<64xi32, #tpu.memory_space<vmem>> -> memref<48xi32, #tpu.memory_space<vmem>>
      %dma_wait3A_192 = tpu.memref_slice %arg3[%mul3A_186] : memref<133920xi32, #tpu.memory_space<hbm>> -> memref<48xi32, #tpu.memory_space<hbm>>
      tpu.wait_dma2 semaphore(%arg19 : memref<!tpu.dma_semaphore, #tpu.memory_space<semaphore_mem>>) src(%dma_wait3A_192 : memref<48xi32, #tpu.memory_space<hbm>>) dst(%dma_wait3A_191 : memref<48xi32, #tpu.memory_space<vmem>>)
      %sub3A_193 = arith.constant 1 : i32
      %sub3A_194 = arith.subi %max3A_69, %sub3A_193 : i32
      %min3A_195 = arith.constant 0 : i32
      %min3A_196 = arith.minsi %min3A_195, %sub3A_194 : i32
      %mul3A_197 = arith.constant 24 : i32
      %mul3A_198 = arith.muli %min3A_196, %mul3A_197 : i32
      %add3A_199 = arith.addi %mul3A_39, %mul3A_198 : i32
      %mul3A_200 = arith.constant 2 : i32
      %mul3A_201 = arith.muli %mul3A_200, %add3A_199 : i32
      %dma_wait3A_202 = arith.constant 0 : i32
      %dma_wait3A_203 = tpu.memref_slice %arg11[%dma_wait3A_202] : memref<64xi32, #tpu.memory_space<vmem>> -> memref<48xi32, #tpu.memory_space<vmem>>
      %dma_wait3A_204 = tpu.memref_slice %arg3[%mul3A_201] : memref<133920xi32, #tpu.memory_space<hbm>> -> memref<48xi32, #tpu.memory_space<hbm>>
      %dma_wait3A_205 = arith.constant 0 : i32
      %dma_wait3A_206 = tpu.memref_slice %arg11[%dma_wait3A_205] : memref<64xi32, #tpu.memory_space<vmem>> -> memref<48xi32, #tpu.memory_space<vmem>>
      %dma_wait3A_207 = tpu.memref_slice %arg3[%mul3A_201] : memref<133920xi32, #tpu.memory_space<hbm>> -> memref<48xi32, #tpu.memory_space<hbm>>
      tpu.wait_dma2 semaphore(%arg20 : memref<!tpu.dma_semaphore, #tpu.memory_space<semaphore_mem>>) src(%dma_wait3A_207 : memref<48xi32, #tpu.memory_space<hbm>>) dst(%dma_wait3A_206 : memref<48xi32, #tpu.memory_space<vmem>>)
      "tpu.region"() ({
        %run_scoped3A = tpu.sem_alloc : memref<!tpu.dma_semaphore, #tpu.memory_space<semaphore_mem>>
        %dma_start3A_209 = arith.constant 0 : i32
        %dma_start3A_210 = tpu.memref_slice %arg6[%add3A_14, %dma_start3A_209] : memref<4096x1024xf32, #tpu.memory_space<hbm>> -> memref<64x1024xf32, #tpu.memory_space<hbm>>
        %dma_start3A_211 = arith.constant 0 : i32
        %dma_start3A_212 = tpu.memref_slice %arg6[%add3A_14, %dma_start3A_211] : memref<4096x1024xf32, #tpu.memory_space<hbm>> -> memref<64x1024xf32, #tpu.memory_space<hbm>>
        tpu.enqueue_dma source(%arg14 : memref<64x1024xf32, #tpu.memory_space<vmem>>) target(%dma_start3A_212 : memref<64x1024xf32, #tpu.memory_space<hbm>>) target_semaphore(%run_scoped3A : memref<!tpu.dma_semaphore, #tpu.memory_space<semaphore_mem>>)
        %dma_wait3A_213 = arith.constant 0 : i32
        %dma_wait3A_214 = tpu.memref_slice %arg6[%add3A_14, %dma_wait3A_213] : memref<4096x1024xf32, #tpu.memory_space<hbm>> -> memref<64x1024xf32, #tpu.memory_space<hbm>>
        %dma_wait3A_215 = arith.constant 0 : i32
        %dma_wait3A_216 = tpu.memref_slice %arg6[%add3A_14, %dma_wait3A_215] : memref<4096x1024xf32, #tpu.memory_space<hbm>> -> memref<64x1024xf32, #tpu.memory_space<hbm>>
        tpu.wait_dma2 semaphore(%run_scoped3A : memref<!tpu.dma_semaphore, #tpu.memory_space<semaphore_mem>>) src(%arg14 : memref<64x1024xf32, #tpu.memory_space<vmem>>) dst(%dma_wait3A_216 : memref<64x1024xf32, #tpu.memory_space<hbm>>)
        tpu.yield
      }) : () -> ()
      %scan3A_208 = arith.constant 0 : i32
      scf.yield %scan3A_208 : i32
    }
    %scan3A_7 = arith.constant 2 : i32
    return
  }
}

module attributes {stable_mosaic.version = 14 : i64} {
  func.func @_dense_body(%arg0: i32, %arg1: memref<256x4096xf32, #tpu.memory_space<vmem>>, %arg2: memref<1024x4096xf32, #tpu.memory_space<vmem>>, %arg3: memref<1x4096xf32, #tpu.memory_space<vmem>>, %arg4: memref<256x1024xf32, #tpu.memory_space<vmem>>) attributes {dimension_semantics = [#tpu.dimension_semantics<arbitrary>], iteration_bounds = array<i64: 16>, scalar_prefetch = 0 : i64, scratch_operands = 0 : i64, tpu.core_type = #tpu.core_type<tc>, window_params = [{transform_indices = @transform_0, window_bounds = array<i64: 256, 4096>}, {pipeline_mode = #tpu.pipeline_mode<synchronous>, transform_indices = @transform_1, window_bounds = array<i64: 1024, 4096>}, {pipeline_mode = #tpu.pipeline_mode<synchronous>, transform_indices = @transform_2, window_bounds = array<i64: 1, 4096>}, {transform_indices = @transform_3, window_bounds = array<i64: 256, 1024>}]} {
    %get3A = arith.constant 0 : index
    %get3A_0 = arith.constant 0 : index
    %get3A_1 = vector.load %arg1[%get3A, %get3A_0] : memref<256x4096xf32, #tpu.memory_space<vmem>>, vector<256x4096xf32>
    %get3A_2 = arith.constant 0 : index
    %get3A_3 = arith.constant 0 : index
    %get3A_4 = vector.load %arg2[%get3A_2, %get3A_3] : memref<1024x4096xf32, #tpu.memory_space<vmem>>, vector<1024x4096xf32>
    %dot_general3A = arith.constant dense<0.000000e+00> : vector<256x1024xf32>
    %dot_general3A_5 = tpu.matmul %get3A_1, %get3A_4, %dot_general3A {dimension_numbers = #tpu.dot_dimension_numbers<[1], [1], [0], [0], [0, 0, 1, 0], [], []>, transpose_lhs_hint = false} : vector<256x4096xf32>, vector<1024x4096xf32>, vector<256x1024xf32> -> vector<256x1024xf32>
    %mul3A = arith.constant 256 : i32
    %mul3A_6 = arith.muli %arg0, %mul3A : i32
    %get3A_7 = arith.constant 0 : index
    %get3A_8 = arith.index_cast %mul3A_6 : i32 to index
    %get3A_9 = vector.load %arg3[%get3A_7, %get3A_8] : memref<1x4096xf32, #tpu.memory_space<vmem>>, vector<1x256xf32>
    %get3A_10 = vector.shape_cast %get3A_9 : vector<1x256xf32> to vector<256xf32>
    %broadcast_in_dim3A = vector.shape_cast %get3A_10 : vector<256xf32> to vector<256x1xf32>
    %add3A = vector.broadcast %broadcast_in_dim3A : vector<256x1xf32> to vector<256x1024xf32>
    %add3A_11 = arith.addf %dot_general3A_5, %add3A : vector<256x1024xf32>
    %max3A = arith.constant 0.000000e+00 : f32
    %max3A_12 = vector.broadcast %max3A : f32 to vector<256x1024xf32>
    %max3A_13 = arith.maximumf %add3A_11, %max3A_12 : vector<256x1024xf32>
    %swap3A = arith.constant 0 : index
    %swap3A_14 = arith.constant 0 : index
    %swap3A_15 = vector.load %arg4[%swap3A, %swap3A_14] : memref<256x1024xf32, #tpu.memory_space<vmem>>, vector<256x1024xf32>
    tpu.vector_store %arg4[%swap3A, %swap3A_14], %max3A_13 {strides = array<i32>} : memref<256x1024xf32, #tpu.memory_space<vmem>>, vector<256x1024xf32>,
    return
  }
  func.func @transform_0(%arg0: i32) -> (i32, i32) {
    %c0_i32 = arith.constant 0 : i32
    %c0_i32_0 = arith.constant 0 : i32
    return %arg0, %c0_i32 : i32, i32
  }
  func.func @transform_1(%arg0: i32) -> (i32, i32) {
    %c0_i32 = arith.constant 0 : i32
    %c0_i32_0 = arith.constant 0 : i32
    %c0_i32_1 = arith.constant 0 : i32
    return %c0_i32, %c0_i32_0 : i32, i32
  }
  func.func @transform_2(%arg0: i32) -> (i32, i32) {
    %c0_i32 = arith.constant 0 : i32
    %c0_i32_0 = arith.constant 0 : i32
    %c0_i32_1 = arith.constant 0 : i32
    return %c0_i32, %c0_i32_0 : i32, i32
  }
  func.func @transform_3(%arg0: i32) -> (i32, i32) {
    %c0_i32 = arith.constant 0 : i32
    %c0_i32_0 = arith.constant 0 : i32
    return %arg0, %c0_i32 : i32, i32
  }
}

module attributes {stable_mosaic.version = 14 : i64} {
  func.func @_transpose_body(%arg0: i32, %arg1: i32, %arg2: memref<512x256xf32, #tpu.memory_space<vmem>>, %arg3: memref<256x512xf32, #tpu.memory_space<vmem>>) attributes {dimension_semantics = [#tpu.dimension_semantics<arbitrary>, #tpu.dimension_semantics<arbitrary>], iteration_bounds = array<i64: 8, 4>, scalar_prefetch = 0 : i64, scratch_operands = 0 : i64, tpu.core_type = #tpu.core_type<tc>, window_params = [{transform_indices = @transform_0, window_bounds = array<i64: 512, 256>}, {transform_indices = @transform_1, window_bounds = array<i64: 256, 512>}]} {
    %get3A = arith.constant 0 : index
    %get3A_0 = arith.constant 0 : index
    %get3A_1 = vector.load %arg2[%get3A, %get3A_0] : memref<512x256xf32, #tpu.memory_space<vmem>>, vector<512x256xf32>
    %transpose3A = tpu.transpose %get3A_1, [1, 0] : vector<512x256xf32> -> vector<256x512xf32>
    %max3A = arith.constant 0.000000e+00 : f32
    %max3A_2 = vector.broadcast %max3A : f32 to vector<256x512xf32>
    %max3A_3 = arith.maximumf %transpose3A, %max3A_2 : vector<256x512xf32>
    %swap3A = arith.constant 0 : index
    %swap3A_4 = arith.constant 0 : index
    %swap3A_5 = vector.load %arg3[%swap3A, %swap3A_4] : memref<256x512xf32, #tpu.memory_space<vmem>>, vector<256x512xf32>
    tpu.vector_store %arg3[%swap3A, %swap3A_4], %max3A_3 {strides = array<i32>} : memref<256x512xf32, #tpu.memory_space<vmem>>, vector<256x512xf32>,
    return
  }
  func.func @transform_0(%arg0: i32, %arg1: i32) -> (i32, i32) {
    %c0_i32 = arith.constant 0 : i32
    return %arg0, %arg1 : i32, i32
  }
  func.func @transform_1(%arg0: i32, %arg1: i32) -> (i32, i32) {
    %c0_i32 = arith.constant 0 : i32
    return %arg1, %arg0 : i32, i32
  }
}

</mosaic_0001>

<sc_bundles>
// kernel: kernel.6.cloned.1.call-start
scs
__scs_entry_jumppad:
0x0: {  	(pc) =	sbr.rel $0x88, $3  }
0x1: {  	(tag) =	ssettag $0x0;
	lr =	simm.s32 $0x1  }
0x2: {  	[smem:$0x3F98] =	sst lr;
	_ =	strace $0xD0000000  }
0x3: {  	_ = 	snop  }
0x4: {  	_ = 	snop  }
0x5: {  	_ = 	snop  }
0x6: {  	_ = 	snop  }
0x7: {  	_ = 	snop  }
__scs_overlays_trampoline_lowered:
0x8: {  	[smem:$0x3FA7] =	sst s0  }
0x9: {  	[smem:$0x3FA8] =	sst s1  }
0xa: {  	[smem:$0x3FA9] =	sst s2  }
0xb: {  	[smem:$0x3FAA] =	sst s3  }
0xc: {  	[smem:$0x3FAB] =	sst s4  }
0xd: {  	[smem:$0x3FAC] =	sst s5  }
0xe: {  	[smem:$0x3FAD] =	sst s6  }
0xf: {  	[smem:$0x3FAE] =	sst s7  }
0x10: {  	[smem:$0x3FAF] =	sst s8  }
0x11: {  	[smem:$0x3FB0] =	sst s9;
	s0 =	simm.s32 @!p0 $0x0  }
0x12: {  	s1 =	sld [smem:$0x3F96];
	s0 =	simm.s32 @p0 $0x1  }
0x13: {  	[smem:$0x3FB1] =	sst s0;
	s0 =	simm.s32 @!p1 $0x0  }
0x14: {  	s2 =	sld [smem:$0x3F95];
	s0 =	simm.s32 @p1 $0x1  }
0x15: {  	[smem:$0x3FB2] =	sst s0;
	s0 =	simm.s32 @!p2 $0x0  }
0x16: {  	s3 =	sld [smem:$0x3FDB];
	s0 =	simm.s32 @p2 $0x1  }
0x17: {  	s4 =	simm.s32 $0x1BF5;
	[smem:$0x3FB4] =	sst s0  }
0x18: {  	s0 =	sld [smem:$0x3F97];
	_ =	swait.ge [sflag:s4], $0x0  }
0x19: {  	s7 =	sld [smem:$0x3F98]  }
0x1a: {  	s8 =	sadd.s32 $0xFFFFE003, lr  }
0x1b: {  	s9 =	sadd.s32 $0xFFFFFEF7, lr;
	s5 =	simm.s32 $0xFFFFFFFF;
	p2 =	slt.u32 s8, $0xFFFFF086  }
0x1c: {  	p1 =	slt.u32 s9, $0xF7A;
	s5 =	simm.s32 @!p2 $0x0  }
0x1d: {  	s5 =	simm.s32 @p1 $0x1;
	p0 =	seq.s32 s7, s2  }
0x1e: {  	s7 =	smul.u32 @!p0 $0xF7A, s2;
	p2 =	seq.s32 @!p0 s5, $0x0  }
0x1f: {  	s9 =	smul.u32 $0xF7A, s1;
	s8 =	simm.s32 @!p0 $0x1BF5;
	p2 =	por !p2, p0  }
0x20: {  	[sflag:s8] =	ssyncset.s32 @!p0 $0xFFFFF086;
	s6 =	sadd.s32 @!p0 s3, s7;
	s7 =	simm.s32 @!p0 $0x108  }
0x21: {  	s3 =	sadd.s32 s3, s9;
	s6 =	sadd.s32 @!p0 $0x88, s6;
	s7 =	simm.s32 @p2 $0x1082  }
0x22: {  	[simem:s7], [sflag:s8] =	dma.local @!p0 [hbm:s6], $0xF7A  }
0x23: {  	s9 =	sor.u32 $0xD0000000, s2;
	s6 =	simm.s32 $0x108;
	_ =	swait.ge @!p0 [sflag:s8], $0x0  }
0x24: {  	s3 =	sadd.s32 $0x88, s3;
	s6 =	simm.s32 @!p1 $0x1082;
	[sflag:s4] =	ssyncset.s32 $0xFFFFF086  }
0x25: {  	[simem:s6], [sflag:s4] =	dma.local [hbm:s3], $0xF7A  }
0x26: {  	[smem:$0x3F98] =	sst s1;
	(tag) =	ssettag s2;
	_ =	strace s9  }
0x27: {  	s1 =	sld [smem:$0x3FA8]  }
0x28: {  	s2 =	sld [smem:$0x3FA9]  }
0x29: {  	s4 =	sld [smem:$0x3FAB]  }
0x2a: {  	p0 =	seq.s32 s5, $0x0;
	s5 =	sld [smem:$0x3FAC]  }
0x2b: {  	s6 =	sld [smem:$0x3FAD]  }
0x2c: {  	s7 =	sld [smem:$0x3FAE]  }
0x2d: {  	s3 =	simm.s32 $0x108;
	s8 =	sld [smem:$0x3FAF]  }
0x2e: {  	s3 =	simm.s32 @!p0 $0x1082;
	s9 =	sld [smem:$0x3FB0]  }
0x2f: {  	lr =	sadd.s32 s0, s3;
	s0 =	sld [smem:$0x3FA7]  }
0x30: {  	s3 =	sld [smem:$0x3FAA]  }
0x31: {  	[smem:$0x3FB3] =	sst s10  }
0x32: {  	s10 =	sld [smem:$0x3FB1];
	_ =	sdelay $0x3  }
0x33: {  	p0 =	seq.s32 s10, $0x1;
	s10 =	sld [smem:$0x3FB3];
	_ =	sdelay $0x3  }
0x34: {  	[smem:$0x3FB3] =	sst s10  }
0x35: {  	s10 =	sld [smem:$0x3FB2];
	_ =	sdelay $0x3  }
0x36: {  	p1 =	seq.s32 s10, $0x1;
	s10 =	sld [smem:$0x3FB3];
	_ =	sdelay $0x3  }
0x37: {  	[smem:$0x3FB3] =	sst s10  }
0x38: {  	s10 =	sld [smem:$0x3FB4]  }
0x39: {  	_ = 	snop;
	(pc) =	sbr.ind lr, $3  }
0x3a: {  	_ = 	snop  }
0x3b: {  	_ = 	snop  }
0x3c: {  	p2 =	seq.s32 s10, $0x1;
	s10 =	sld [smem:$0x3FB3]  }
0x3d: {  	_ =	shalt  }
0x3e: {  	_ =	shalt  }
0x3f: {  	_ =	shalt  }
0x40: {  	_ =	shalt  }
0x41: {  	_ =	shalt  }
0x42: {  	_ =	shalt  }
0x43: {  	_ =	shalt  }
0x44: {  	_ =	shalt  }
0x45: {  	_ =	shalt  }
0x46: {  	_ =	shalt  }
0x47: {  	_ =	shalt  }
0x48: {  	_ =	shalt  }
0x49: {  	_ =	shalt  }
0x4a: {  	_ =	shalt  }
0x4b: {  	_ =	shalt  }
0x4c: {  	_ =	shalt  }
0x4d: {  	_ =	shalt  }
0x4e: {  	_ =	shalt  }
0x4f: {  	_ =	shalt  }
0x50: {  	_ =	shalt  }
0x51: {  	_ =	shalt  }
0x52: {  	_ =	shalt  }
0x53: {  	_ =	shalt  }
0x54: {  	_ =	shalt  }
0x55: {  	_ =	shalt  }
0x56: {  	_ =	shalt  }
0x57: {  	_ =	shalt  }
0x58: {  	_ =	shalt  }
0x59: {  	_ =	shalt  }
0x5a: {  	_ =	shalt  }
0x5b: {  	_ =	shalt  }
0x5c: {  	_ =	shalt  }
0x5d: {  	_ =	shalt  }
0x5e: {  	_ =	shalt  }
0x5f: {  	_ =	shalt  }
0x60: {  	_ =	shalt  }
0x61: {  	_ =	shalt  }
0x62: {  	_ =	shalt  }
0x63: {  	_ =	shalt  }
0x64: {  	_ =	shalt  }
0x65: {  	_ =	shalt  }
0x66: {  	_ =	shalt  }
0x67: {  	_ =	shalt  }
0x68: {  	_ =	shalt  }
0x69: {  	_ =	shalt  }
0x6a: {  	_ =	shalt  }
0x6b: {  	_ =	shalt  }
0x6c: {  	_ =	shalt  }
0x6d: {  	_ =	shalt  }
0x6e: {  	_ =	shalt  }
0x6f: {  	_ =	shalt  }
0x70: {  	_ =	shalt  }
0x71: {  	_ =	shalt  }
0x72: {  	_ =	shalt  }
0x73: {  	_ =	shalt  }
0x74: {  	_ =	shalt  }
0x75: {  	_ =	shalt  }
0x76: {  	_ =	shalt  }
0x77: {  	_ =	shalt  }
0x78: {  	_ =	shalt  }
0x79: {  	_ =	shalt  }
0x7a: {  	_ =	shalt  }
0x7b: {  	_ =	shalt  }
0x7c: {  	_ =	shalt  }
0x7d: {  	_ =	shalt  }
0x7e: {  	_ =	shalt  }
0x7f: {  	_ =	shalt  }
0x80: {  	_ =	shalt  }
0x81: {  	_ =	shalt  }
0x82: {  	_ =	shalt  }
0x83: {  	_ =	shalt  }
0x84: {  	_ =	shalt  }
0x85: {  	_ =	shalt  }
0x86: {  	_ =	shalt  }
0x87: {  	_ =	shalt  }
.Lfunc_end0:
.L_simem_size_0:
called_computation_lowered:
.L_overlay_start_0:
0x88: {  	s2 =	sld [smem:$0x3FD9]  }
0x89: {  	s3 =	sld [smem:$0x3FFE];
	_ =	sdelay $0x1  }
0x8a: {  	s1 =	srdreg.scid  }
0x8b: {  	s0 =	sand.u32 $0x1, s1  }
0x8c: {  	s17 =	sshll.u32 s0, $0xA;
	s2 =	sadd.s32 s3, s2  }
0x8d: {  	s2 =	sadd.s32 s2, s17  }
0x8e: {  	[smem:$0x3FBF] =	sst s2  }
0x8f: {  	_ = 	snop  }
0x90: {  	s2 =	sld [smem:$0x3FD0];
	(tm) =	ssettm $0x1  }
0x91: {  	s18 =	sld [smem:$0x3FFB];
	_ =	sdelay $0x3  }
0x92: {  	_ =	strace s18  }
0x93: {  	s3 =	sld [smem:$0x3FFC];
	_ =	sdelay $0x3  }
0x94: {  	_ =	strace s3  }
0x95: {  	s3 =	sld [smem:$0x3FFD];
	_ =	sdelay $0x3  }
0x96: {  	_ =	strace s3  }
0x97: {  	_ =	strace $0x8FFFFFFF  }
0x98: {  	s19 =	sld [smem:$0x3FDB];
	_ =	sdelay $0x1  }
0x99: {  	s4 =	simm.s32 $_scs_section_size  }
0x9a: {  	s5 =	simm.s32 $_size__tile_overlayer_lowered;
	s6 =	simm.s32 $_tile_overlayer_lowered  }
0x9b: {  	s22 =	simm.s32 $0x1BFF;
	s21 =	sshll.u32 s6, $0x1;
	s3 =	sadd.s32 s4, s19  }
0x9c: {  	s7 =	simm.s32 $0x0;
	s20 =	sshll.u32 s5, $0x1;
	s5 =	sadd.s32 s21, s3  }
0x9d: {  	[timem:s7], [sflag:s22] =	dma.local [hbm:s5], s20  }
0x9e: {  	_ =	swait.ge [sflag:s22], s20  }
0x9f: {  	s4 =	ssub.s32 $0x0, s20;
	[sflag:s22] =	ssyncset.done $0x0  }
0xa0: {  	[sflag:s22] =	ssyncadd.s32 s4;
	_ =	sdelay $0x1  }
0xa1: {  	s23 =	simm.s32 $0x1B8B  }
0xa2: {  	_ =	swait.ge [sflag:s23], $0x1  }
0xa3: {  	[sflag:s23] =	ssyncset.done $0x0  }
0xa4: {  	s25 =	simm.s32 $0x1B8E;
	s24 =	sld [smem:$0x3FFE];
	[sflag:s23] =	ssyncadd.s32 $0xFFFFFFFF  }
0xa5: {  	s26 =	simm.s32 $execute0_lowered;
	[smem:$0x3FD2] =	sst s25  }
0xa6: {  	s5 =	sshll.u32 s26, $0x1;
	_ =	strace $0x80000046;
	[dreg:$0x1] =	wrdreg $0xFFFFFFFF  }
0xa7: {  	s28 =	simm.s32 $_size_execute0_lowered;
	s3 =	sadd.s32 s3, s5;
	[dreg:$0x0] =	wrdreg $0x0  }
0xa8: {  	s5 =	sshll.u32 s28, $0x1;
	[dreg:$0x2] =	wrdreg s3  }
0xa9: {  	[dreg:$0x3] =	wrdreg s5  }
0xaa: {  	[dreg:$0x4] =	wrdreg $0xC0  }
0xab: {  	_ =	task [dreg:s7], $0x5FFFF  }
0xac: {  	[dreg:$0x1] =	wrdreg $0xFFFFFFFF  }
0xad: {  	[dreg:$0x0] =	wrdreg $0x60  }
0xae: {  	[dreg:$0x2] =	wrdreg s2  }
0xaf: {  	[dreg:$0x3] =	wrdreg s24  }
0xb0: {  	[dreg:$0x4] =	wrdreg $0x9  }
0xb1: {  	_ =	task.clear_ibuf [dreg:s7], $0x5FFFF;
	_ =	strace $0x90000046  }
0xb2: {  	s29 =	simm.s32 $0x9;
	_ =	strace $0x80000048  }
0xb3: {  	_ =	swait.ge [sflag:s29], $0x1  }
0xb4: {  	[sflag:s29] =	ssyncadd.s32 $0xFFFFFFFF  }
0xb5: {  	_ =	strace $0x90000048  }
0xb6: {  	_ =	sfence  }
0xb7: {  	s30 =	sld [smem:$0x0];
	_ =	sdelay $0x2  }
0xb8: {  	s31 =	sshll.u32 s1, $0xD;
	s1 =	sshrl.u32 s1, $0x2  }
0xb9: {  	s3 =	sand.u32 $0x4000, s31;
	s1 =	sadd.s32 s1, s30  }
0xba: {  	s0 =	sor.u32 s3, s0;
	s1 =	sshll.u32 s1, $0x11  }
0xbb: {  	s0 =	sor.u32 s1, s0  }
0xbc: {  	s0 =	sadd.s32 $0x8F2B, s0  }
0xbd: {  	[sflag:s0] =	ssyncadd.remote.s32 $0x1  }
0xbe: {  	_ =	sfence.sel $0xFFFF  }
0xbf: {  	[dreg:$0x0] =	wrdreg $0xFFFFFFFF;
	(pc) =	sbr.abs _section_cstart, $3  }
0xc0: {  	[dreg:$0x1] =	wrdreg $0xFFFFFFFF  }
0xc1: {  	_ =	task.clear_ibuf [dreg:s7], $0x2FFFF;
	_ =	strace $0x9FFFFFFF  }
0xc2: {  	(tm) =	ssettm $0x7FFFFFFF  }
0xc3: {  	_ =	shalt  }
tec
execute0_lowered:
.L_overlay_start_1:
0x0: {  	(tag) =	ssettag $0x1  }
0x1: {  	s1 =	rddreg [dreg:$0x0]  }
0x2: {  	s0 =	rddreg [dreg:$0x1];
	s2 =	simm.s32 $0x0;
	s26 =	srdreg.scid  }
0x3: {  	s6 =	stileid.u32;
	s14 =	simm.s32 $0x1;
	s19 =	simm.s32 $0x3  }
0x4: {  	s31 =	simm.s32 $0x5380;
	s18 =	simm.s32 $0x5;
	s8 =	simm.s32 $0x2  }
0x5: {  	s13 =	simm.s32 $0x6;
	[smem:$0x7FF] =	sst s2;
	s4 =	sadd.s32 $0x10AA00, s0  }
0x6: {  	s2 =	sand.u32 $0x1, s26;
	s5 =	sadd.s32 $0x1C00, s0;
	s6 =	sshll.u32 s6, $0x1  }
0x7: {  	s7 =	sadd.s32 $0x3E00, s0;
	s0 =	sadd.s32 $0x10EC00, s0;
	s9 =	sadd.s32 $0x100, s1  }
0x8: {  	s10 =	sadd.s32 $0x200, s1;
	s11 =	sadd.s32 $0x300, s1;
	_ =	strace $0x80000047  }
0x9: {  	s3 =	ssub.s32 $0x2, s2;
	[dreg:$0x3] =	wrdreg s7;
	s2 =	sor.u32 s2, s6  }
0xa: {  	[dreg:$0x4] =	wrdreg s0;
	s7 =	simm.s32 $0xBB80;
	s28 =	sshrl.u32 s3, $0x1  }
0xb: {  	v4 =	vlaneseq.u32;
	v1 =	vimm.f32 $0.0e+00;
	s6 =	simm.s32 $0x0;
	s30 =	sshll.u32 s2, $0x9;
	s29 =	ssub.s32 s3, s28  }
0xc: {  	vm0 =	vmmov $0xffff;
	v2 =	vand.u32 $0x7, v4;
	v3 =	vshrl.u32 v4, $0x3;
	s2 =	sshll.u32 s2, $0x3;
	[dreg:$0x5] =	wrdreg s30;
	s0 =	smax.u32 s29, $0x1  }
0xd: {  	v4 =	vor.u32 $0x8, v4;
	v3 =	vmul.u32 $0x8, v3;
	s3 =	simm.s32 $0x4;
	v0 =	vmov s2;
	[dreg:$0x6] =	wrdreg s0;
	s0 =	simm.s32 $0x5B80  }
.LBB2_1:
0xe: {  	[dreg:$0x7] =	wrdreg s6  }
0xf: {  	s2 =	simm.s32 $0x0;
	s29 =	rddreg [dreg:$0x3];
	s30 =	simm.s32 $0x7  }
0x10: {  	[tilespmem:s2], [sflag:$0x7] =	stream.linear.gather [hbm4b:s29+s2], $0x180, $0x38;
	[tilespmem:$0x1C380] =	vst v63  }
0x11: {  	_ =	swait.ge [sflag:s30], $0x180  }
0x12: {  	[sflag:s30] =	ssyncset.done $0x0  }
0x13: {  	s23 =	simm.s32 $0x0;
	[sflag:s30] =	ssyncadd.s32 $0xFFFFFE80  }
.LBB2_2:
0x14: {  	_ =	sdelay $0x3  }
0x15: {  	v5 =	vld.idx.msk [tilespmem:v0+s23+$0x0 ss:$0x1], $0xffff;
	_ =	sdelay $0x4  }
0x16: {  	(v2sf) =	vpush v5, $0x0;
	_ =	sdelay $0x6  }
0x17: {  	(v2sf) =	vpush v5, $0x1;
	_ =	sdelay $0x7  }
0x18: {  	s2 =	spop (v2sf)  }
0x19: {  	s6 =	sand.u32 $0x7, s2  }
0x1a: {  	s12 =	sshra.s32 s2, $0x1F;
	p0 =	slt.s32 s2, $0x1;
	p1 =	sne.s32 s6, $0x0  }
0x1b: {  	s28 =	sshrl.u32 s12, $0x1D;
	p0 =	por !p0, !p1  }
0x1c: {  	s6 =	simm.s32 $0x1;
	s2 =	sadd.s32 s28, s2;
	p0 =	por !p0, !p0  }
0x1d: {  	s2 =	sshra.s32 s2, $0x3;
	s6 =	simm.s32 @!p0 $0x0  }
0x1e: {  	s2 =	ssub.s32 s2, s6  }
0x1f: {  	s29 =	spop (v2sf);
	s20 =	sshll.u32 s2, $0x3  }
0x20: {  	s6 =	ssub.s32 s29, s20  }
0x21: {  	s30 =	sadd.s32 $0x17, s6  }
0x22: {  	s15 =	smulhi.u32 $0x2AAAAAAB, s30;
	s16 =	sshra.s32 s30, $0x1F  }
0x23: {  	s16 =	smul.u32 $0x2AAAAAAB, s16;
	_ =	sdelay $0x1  }
0x24: {  	s15 =	sadd.s32 s16, s15  }
0x25: {  	s16 =	sshrl.u32 s15, $0x1F;
	s15 =	sshra.s32 s15, $0x2  }
0x26: {  	s15 =	sadd.s32 s16, s15  }
0x27: {  	s16 =	smul.u32 $0xFFFFFFE8, s15  }
0x28: {  	s6 =	ssub.s32 $0xFFFFFFE9, s6  }
0x29: {  	s21 =	simm.s32 $0x180;
	p5 =	slt.s32 s30, $0x1;
	p6 =	sne.s32 s16, s6  }
0x2a: {  	s12 =	simm.s32 $0x0;
	s16 =	sand.u32 $0x1FFFFFFF, s2;
	p0 =	por !p5, !p6  }
0x2b: {  	s6 =	simm.s32 $0x1;
	s17 =	sadd.s32 s5, s16;
	p0 =	por !p0, !p0  }
0x2c: {  	[tilespmem:s21], [sflag:$0x3] =	stream.linear.gather [hbm4b:s17+s12], $0x18, $0x38;
	[tilespmem:$0x1C380] =	vst v63  }
0x2d: {  	s2 =	sshll.u32 s2, $0x1;
	s6 =	simm.s32 @!p0 $0x0  }
0x2e: {  	s22 =	sand.u32 $0x1FFFFFFE, s2;
	s6 =	ssub.s32 s15, s6  }
0x2f: {  	s24 =	simm.s32 $0x280;
	s15 =	sadd.s32 s4, s22;
	p0 =	sgt.s32 s6, $0x1  }
0x30: {  	[tilespmem:s24], [sflag:$0x5] =	stream.linear.gather [hbm4b:s15+s12], $0x30, $0x38;
	[tilespmem:$0x1C380] =	vst v63  }
0x31: {  	s6 =	simm.s32 @!p0 $0x1  }
0x32: {  	s2 =	sadd.s32 $0xFFFFFFFF, s6  }
0x33: {  	s15 =	simm.s32 $0x0;
	p0 =	seq.s32 s2, $0x0  }
0x34: {  	s15 =	simm.s32 @!p0 $0x18  }
0x35: {  	s15 =	sadd.s32 s20, s15  }
0x36: {  	s25 =	sshrl.u32 s15, $0x3;
	s15 =	sshrl.u32 s15, $0x2  }
0x37: {  	s17 =	simm.s32 $0x200;
	s16 =	sadd.s32 s5, s25;
	s15 =	sand.u32 $0x1FFFFFFE, s15  }
0x38: {  	[tilespmem:s17], [sflag:$0x4] =	stream.linear.gather [hbm4b:s16+s12], $0x18, $0x38;
	[tilespmem:$0x1C380] =	vst v63  }
0x39: {  	s26 =	simm.s32 $0x300;
	s28 =	simm.s32 $0x0;
	s15 =	sadd.s32 s4, s15  }
0x3a: {  	[tilespmem:s26], [sflag:$0x6] =	stream.linear.gather [hbm4b:s15+s12], $0x30, $0x38;
	[tilespmem:$0x1C380] =	vst v63  }
0x3b: {  	s29 =	sand.u32 $0x1C00, s12;
	s30 =	simm.s32 $0x0;
	s15 =	sand.u32 $0xE000, s28  }
0x3c: {  	s17 =	sand.u32 $0x380, s30;
	s15 =	sor.u32 s29, s15  }
0x3d: {  	s15 =	sor.u32 s17, s15  }
0x3e: {  	[tilespmem:s15+$0xC3F0] =	vst v1  }
0x3f: {  	[tilespmem:s15+$0xC380] =	vst v1  }
0x40: {  	s16 =	simm.s32 $0x0;
	[tilespmem:s15+$0xC390] =	vst v1  }
.LBB2_3:
0x41: {  	s16 =	sadd.s32 $0x8, s16;
	[tilespmem:s15+$0xC3A0] =	vst v1  }
0x42: {  	s12 =	sadd.s32 $0x400, s12;
	s17 =	sshll.u32 s16, $0x4;
	p0 =	slt.u32 s16, $0xFF8;
	[tilespmem:s15+$0xC3B0] =	vst v1  }
0x43: {  	s21 =	sand.u32 $0x1C00, s12;
	s22 =	sshll.u32 s16, $0x1;
	s17 =	sand.u32 $0xE000, s17;
	[tilespmem:s15+$0xC3C0] =	vst v1  }
.Ltmp0:
0x44: {  	s22 =	sand.u32 $0x380, s22;
	s17 =	sor.u32 s21, s17;
	[tilespmem:s15+$0xC3D0] =	vst v1;
	(pc) =	sbr.rel @p0 .LBB2_3-.Ltmp0, $4  }
0x45: {  	[tilespmem:s15+$0xC3E0] =	vst v1;
	s15 =	sor.u32 s22, s17  }
0x46: {  	[tilespmem:s15+$0xC3F0] =	vst v1  }
0x47: {  	[tilespmem:s15+$0xC380] =	vst v1  }
0x48: {  	[tilespmem:s15+$0xC390] =	vst v1  }
0x49: {  	[tilespmem:s15+$0xC3A0] =	vst v1  }
0x4a: {  	[tilespmem:s15+$0xC3B0] =	vst v1  }
0x4b: {  	[tilespmem:s15+$0xC3C0] =	vst v1  }
0x4c: {  	[tilespmem:s15+$0xC3D0] =	vst v1  }
0x4d: {  	[tilespmem:s15+$0xC3E0] =	vst v1  }
0x4e: {  	_ =	swait.ge [sflag:s19], $0x18  }
0x4f: {  	[sflag:s19] =	ssyncset.done $0x0  }
0x50: {  	[sflag:s19] =	ssyncadd.s32 $0xFFFFFFE8  }
0x51: {  	v5 =	vld [tilespmem:$0x180];
	_ =	sdelay $0x4  }
0x52: {  	v6 =	vshll.u32 v5, $0x3  }
0x53: {  	v5 =	vand.u32 $0x7, v5;
	v6 =	vand.u32 $0xFFFFFFC0, v6  }
0x54: {  	v5 =	vor.u32 v5, v6  }
0x55: {  	v6 =	vperm.xlane v5, v2;
	_ =	sdelay $0x1  }
0x56: {  	v6 =	vadd.s32 v3, v6;
	_ =	sdelay $0x3  }
0x57: {  	s21 =	simm.s32 $0x0;
	s12 =	simm.s32 $0x380  }
0x58: {  	[tilespmem:s12], [sflag:$0x1] =	stream.indirect_vreg.gather [hbm4b:s1+s21], $0x80, v6, vm0, $0xb8;
	[tilespmem:$0x1C380] =	vst v63  }
0x59: {  	s30 =	simm.s32 $0xB80;
	v5 =	vperm.xlane v5, v4  }
0x5a: {  	[tilespmem:s30], [sflag:$0x1] =	stream.indirect_vreg.gather [hbm4b:s9+s21], $0x80, v6, vm0, $0xb8;
	[tilespmem:$0x1C380] =	vst v63  }
0x5b: {  	s15 =	simm.s32 $0x1380;
	v5 =	vadd.s32 v3, v5  }
0x5c: {  	[tilespmem:s15], [sflag:$0x1] =	stream.indirect_vreg.gather [hbm4b:s10+s21], $0x80, v6, vm0, $0xb8;
	[tilespmem:$0x1C380] =	vst v63  }
0x5d: {  	s16 =	simm.s32 $0x1B80  }
0x5e: {  	[tilespmem:s16], [sflag:$0x1] =	stream.indirect_vreg.gather [hbm4b:s11+s21], $0x80, v6, vm0, $0xb8;
	[tilespmem:$0x1C380] =	vst v63  }
0x5f: {  	s17 =	simm.s32 $0x2380  }
0x60: {  	[tilespmem:s17], [sflag:$0x1] =	stream.indirect_vreg.gather [hbm4b:s1+s21], $0x80, v5, vm0, $0xb8;
	[tilespmem:$0x1C380] =	vst v63  }
0x61: {  	s22 =	simm.s32 $0x2B80  }
0x62: {  	[tilespmem:s22], [sflag:$0x1] =	stream.indirect_vreg.gather [hbm4b:s9+s21], $0x80, v5, vm0, $0xb8;
	[tilespmem:$0x1C380] =	vst v63  }
0x63: {  	s24 =	simm.s32 $0x3380  }
0x64: {  	[tilespmem:s24], [sflag:$0x1] =	stream.indirect_vreg.gather [hbm4b:s10+s21], $0x80, v5, vm0, $0xb8;
	[tilespmem:$0x1C380] =	vst v63  }
0x65: {  	s25 =	simm.s32 $0x3B80  }
0x66: {  	[tilespmem:s25], [sflag:$0x1] =	stream.indirect_vreg.gather [hbm4b:s11+s21], $0x80, v5, vm0, $0xb8;
	[tilespmem:$0x1C380] =	vst v63  }
0x67: {  	v5 =	vld.msk [tilespmem:$0x190], $0xff;
	_ =	sdelay $0x4  }
0x68: {  	v6 =	vshll.u32 v5, $0x3  }
0x69: {  	v5 =	vand.u32 $0x7, v5;
	v6 =	vand.u32 $0xFFFFFFC0, v6  }
0x6a: {  	v5 =	vor.u32 v5, v6  }
0x6b: {  	v5 =	vperm.xlane v5, v2;
	_ =	sdelay $0x1  }
0x6c: {  	v5 =	vadd.s32 v3, v5;
	_ =	sdelay $0x3  }
0x6d: {  	s26 =	simm.s32 $0x4380  }
0x6e: {  	[tilespmem:s26], [sflag:$0x1] =	stream.indirect_vreg.gather [hbm4b:s1+s21], $0x80, v5, vm0, $0xb8;
	[tilespmem:$0x1C380] =	vst v63  }
0x6f: {  	s28 =	simm.s32 $0x4B80;
	[dreg:$0x8] =	wrdreg s23  }
0x70: {  	[tilespmem:s28], [sflag:$0x1] =	stream.indirect_vreg.gather [hbm4b:s9+s21], $0x80, v5, vm0, $0xb8;
	[tilespmem:$0x1C380] =	vst v63  }
0x71: {  	s29 =	sshll.u32 s23, $0x6;
	s6 =	sadd.s32 $0x1, s6;
	s30 =	rddreg [dreg:$0x5]  }
0x72: {  	[tilespmem:s31], [sflag:$0x1] =	stream.indirect_vreg.gather [hbm4b:s10+s21], $0x80, v5, vm0, $0xb8;
	[tilespmem:$0x1C380] =	vst v63  }
0x73: {  	s15 =	sadd.s32 s30, s29;
	s22 =	sshrl.u32 s6, $0x1;
	s6 =	simm.s32 $0x0  }
0x74: {  	[tilespmem:s0], [sflag:$0x1] =	stream.indirect_vreg.gather [hbm4b:s11+s21], $0x80, v5, vm0, $0xb8;
	[tilespmem:$0x1C380] =	vst v63  }
.LBB2_5:
0x75: {  	_ =	swait.ge [sflag:s14], $0x6000  }
0x76: {  	[sflag:s14] =	ssyncset.done $0x0  }
0x77: {  	[sflag:s14] =	ssyncadd.s32 $0xFFFFA000  }
0x78: {  	_ =	swait.ge [sflag:s3], $0x18  }
0x79: {  	[sflag:s3] =	ssyncset.done $0x0  }
0x7a: {  	[sflag:s3] =	ssyncadd.s32 $0xFFFFFFE8  }
0x7b: {  	v5 =	vld [tilespmem:$0x200];
	_ =	sdelay $0x4  }
0x7c: {  	v6 =	vshll.u32 v5, $0x3  }
0x7d: {  	v5 =	vand.u32 $0x7, v5;
	v6 =	vand.u32 $0xFFFFFFC0, v6  }
0x7e: {  	v5 =	vor.u32 v5, v6  }
0x7f: {  	v6 =	vperm.xlane v5, v2;
	_ =	sdelay $0x1  }
0x80: {  	v6 =	vadd.s32 v3, v6;
	_ =	sdelay $0x3  }
0x81: {  	s12 =	simm.s32 $0x6380  }
0x82: {  	[tilespmem:s12], [sflag:$0x2] =	stream.indirect_vreg.gather [hbm4b:s1+s21], $0x80, v6, vm0, $0xb8;
	[tilespmem:$0x1C380] =	vst v63  }
0x83: {  	s29 =	simm.s32 $0x6B80;
	v5 =	vperm.xlane v5, v4  }
0x84: {  	[tilespmem:s29], [sflag:$0x2] =	stream.indirect_vreg.gather [hbm4b:s9+s21], $0x80, v6, vm0, $0xb8;
	[tilespmem:$0x1C380] =	vst v63  }
0x85: {  	s30 =	simm.s32 $0x7380;
	v5 =	vadd.s32 v3, v5  }
0x86: {  	[tilespmem:s30], [sflag:$0x2] =	stream.indirect_vreg.gather [hbm4b:s10+s21], $0x80, v6, vm0, $0xb8;
	[tilespmem:$0x1C380] =	vst v63  }
0x87: {  	s16 =	simm.s32 $0x7B80  }
0x88: {  	[tilespmem:s16], [sflag:$0x2] =	stream.indirect_vreg.gather [hbm4b:s11+s21], $0x80, v6, vm0, $0xb8;
	[tilespmem:$0x1C380] =	vst v63  }
0x89: {  	s17 =	simm.s32 $0x8380  }
0x8a: {  	[tilespmem:s17], [sflag:$0x2] =	stream.indirect_vreg.gather [hbm4b:s1+s21], $0x80, v5, vm0, $0xb8;
	[tilespmem:$0x1C380] =	vst v63  }
0x8b: {  	s23 =	simm.s32 $0x8B80  }
0x8c: {  	[tilespmem:s23], [sflag:$0x2] =	stream.indirect_vreg.gather [hbm4b:s9+s21], $0x80, v5, vm0, $0xb8;
	[tilespmem:$0x1C380] =	vst v63  }
0x8d: {  	s24 =	simm.s32 $0x9380  }
0x8e: {  	[tilespmem:s24], [sflag:$0x2] =	stream.indirect_vreg.gather [hbm4b:s10+s21], $0x80, v5, vm0, $0xb8;
	[tilespmem:$0x1C380] =	vst v63  }
0x8f: {  	s25 =	simm.s32 $0x9B80  }
0x90: {  	[tilespmem:s25], [sflag:$0x2] =	stream.indirect_vreg.gather [hbm4b:s11+s21], $0x80, v5, vm0, $0xb8;
	[tilespmem:$0x1C380] =	vst v63  }
0x91: {  	v5 =	vld.msk [tilespmem:$0x210], $0xff;
	_ =	sdelay $0x4  }
0x92: {  	v6 =	vshll.u32 v5, $0x3  }
0x93: {  	v5 =	vand.u32 $0x7, v5;
	v6 =	vand.u32 $0xFFFFFFC0, v6  }
0x94: {  	v5 =	vor.u32 v5, v6  }
0x95: {  	v5 =	vperm.xlane v5, v2;
	_ =	sdelay $0x1  }
0x96: {  	v5 =	vadd.s32 v3, v5  }
0x97: {  	s23 =	sshll.u32 s6, $0x1  }
0x98: {  	s12 =	sadd.s32 $0x2, s23  }
0x99: {  	s16 =	smov.u32 s2;
	p0 =	slt.s32 s12, s2  }
0x9a: {  	s26 =	simm.s32 $0xA380;
	s16 =	smov.u32 @p0 s12  }
0x9b: {  	[tilespmem:s26], [sflag:$0x2] =	stream.indirect_vreg.gather [hbm4b:s1+s21], $0x80, v5, vm0, $0xb8;
	[tilespmem:$0x1C380] =	vst v63  }
0x9c: {  	s28 =	simm.s32 $0xAB80;
	s12 =	smul.u32 $0x18, s16  }
0x9d: {  	[tilespmem:s28], [sflag:$0x2] =	stream.indirect_vreg.gather [hbm4b:s9+s21], $0x80, v5, vm0, $0xb8;
	[tilespmem:$0x1C380] =	vst v63  }
0x9e: {  	s29 =	simm.s32 $0xB380;
	s24 =	sadd.s32 s20, s12  }
0x9f: {  	[tilespmem:s29], [sflag:$0x2] =	stream.indirect_vreg.gather [hbm4b:s10+s21], $0x80, v5, vm0, $0xb8;
	[tilespmem:$0x1C380] =	vst v63  }
0xa0: {  	s12 =	sshrl.u32 s24, $0x3  }
0xa1: {  	[tilespmem:s7], [sflag:$0x2] =	stream.indirect_vreg.gather [hbm4b:s11+s21], $0x80, v5, vm0, $0xb8;
	[tilespmem:$0x1C380] =	vst v63  }
0xa2: {  	s30 =	simm.s32 $0x180;
	s12 =	sadd.s32 s5, s12  }
0xa3: {  	[tilespmem:s30], [sflag:$0x3] =	stream.linear.gather [hbm4b:s12+s21], $0x18, $0x38;
	[tilespmem:$0x1C380] =	vst v63  }
0xa4: {  	_ =	swait.ge [sflag:s18], $0x30  }
0xa5: {  	s25 =	simm.s32 $0x0;
	[sflag:s18] =	ssyncset.done $0x0  }
0xa6: {  	s16 =	simm.s32 $0x0;
	s26 =	simm.s32 $0x0;
	[sflag:s18] =	ssyncadd.s32 $0xFFFFFFD0  }
.LBB2_6:
0xa7: {  	s12 =	sshll.u32 s26, $0x1  }
0xa8: {  	s12 =	sand.u32 $0x3FFFFFFE, s12  }
0xa9: {  	v5 =	vld [tilespmem:s12+$0x280];
	_ =	sdelay $0x4  }
0xaa: {  	(v2sf) =	vpush v5, $0x0;
	_ =	sdelay $0x3  }
0xab: {  	(v2sf) =	vpush v5, $0x1;
	_ =	sdelay $0x1  }
0xac: {  	s30 =	sshll.u32 s16, $0x2;
	s17 =	sand.u32 $0x7, s25  }
0xad: {  	s17 =	sshll.u32 s17, $0x9;
	s12 =	sand.u32 $0xFFFF8000, s30  }
0xae: {  	s12 =	sor.u32 s17, s12  }
0xaf: {  	s12 =	sshrl.u32 s12, $0x2  }
0xb0: {  	s12 =	sadd.s32 $0x3C0, s12  }
0xb1: {  	v5 =	vmov s12;
	_ =	sdelay $0x3  }
0xb2: {  	s28 =	simm.s32 $0x0;
	s30 =	spop (v2sf)  }
0xb3: {  	v7 =	vld.idx.msk [tilespmem:v5+s28+$0x30 ss:$0x1], $0xffff;
	s12 =	ssub.s32 s30, s15  }
0xb4: {  	v8 =	vld.idx.msk [tilespmem:v5+s28+$0xFFFFFFC0 ss:$0x1], $0xffff;
	p0 =	slt.u32 s12, $0x40  }
0xb5: {  	v9 =	vld.idx.msk [tilespmem:v5+s28+$0xFFFFFFD0 ss:$0x1], $0xffff;
	s12 =	simm.s32 @!p0 $0x0  }
0xb6: {  	v10 =	vld.idx.msk [tilespmem:v5+s28+$0xFFFFFFE0 ss:$0x1], $0xffff;
	s17 =	spop (v2sf);
	s29 =	sshll.u32 s12, $0xA;
	s12 =	sshll.u32 s12, $0x7  }
0xb7: {  	v11 =	vld.idx.msk [tilespmem:v5+s28+$0xFFFFFFF0 ss:$0x1], $0xffff;
	s17 =	simm.s32 @!p0 $0x0;
	s29 =	sand.u32 $0xFFFFE000, s29;
	s12 =	sand.u32 $0x380, s12  }
0xb8: {  	v12 =	vld.idx.msk [tilespmem:v5+s28+$0x0 ss:$0x1], $0xffff;
	v6 =	vmov s17;
	s12 =	sor.u32 s12, s29  }
0xb9: {  	v13 =	vld.idx.msk [tilespmem:v5+s28+$0x10 ss:$0x1], $0xffff;
	v7 =	vmul.f32 v7, v6;
	s12 =	sadd.s32 $0xC380, s12  }
0xba: {  	v14 =	vld.idx.msk [tilespmem:v5+s28+$0x20 ss:$0x1], $0xffff;
	v8 =	vmul.f32 v8, v6;
	s17 =	sadd.s32 $0x0, s12  }
0xbb: {  	v9 =	vmul.f32 v9, v6;
	[tilespmem:s17+$0x70] =	vst.add.f32.msk $0xffff, v7  }
0xbc: {  	[tilespmem:s17+$0x0] =	vst.add.f32.msk $0xffff, v8;
	v7 =	vmul.f32 v10, v6  }
0xbd: {  	[tilespmem:s17+$0x10] =	vst.add.f32.msk $0xffff, v9;
	v8 =	vmul.f32 v11, v6  }
0xbe: {  	[tilespmem:s17+$0x20] =	vst.add.f32.msk $0xffff, v7;
	v7 =	vmul.f32 v12, v6  }
0xbf: {  	[tilespmem:s17+$0x30] =	vst.add.f32.msk $0xffff, v8;
	v8 =	vmul.f32 v13, v6  }
0xc0: {  	[tilespmem:s17+$0x40] =	vst.add.f32.msk $0xffff, v7;
	v7 =	vmul.f32 v14, v6  }
0xc1: {  	s28 =	simm.s32 $0x0;
	s29 =	simm.s32 $0x1000;
	[tilespmem:s17+$0x50] =	vst.add.f32.msk $0xffff, v8  }
.LBB2_7:
0xc2: {  	s30 =	sshra.s32 s29, $0x2;
	s28 =	sadd.s32 $0x8, s28;
	[tilespmem:s17+$0x60] =	vst.add.f32.msk $0xffff, v7  }
0xc3: {  	v7 =	vld.idx.msk [tilespmem:v5+s30+$0x30 ss:$0x1], $0xffff;
	p0 =	slt.u32 s28, $0x38  }
0xc4: {  	v8 =	vld.idx.msk [tilespmem:v5+s30+$0xFFFFFFC0 ss:$0x1], $0xffff  }
0xc5: {  	v9 =	vld.idx.msk [tilespmem:v5+s30+$0xFFFFFFD0 ss:$0x1], $0xffff  }
0xc6: {  	v10 =	vld.idx.msk [tilespmem:v5+s30+$0xFFFFFFE0 ss:$0x1], $0xffff  }
0xc7: {  	v11 =	vld.idx.msk [tilespmem:v5+s30+$0xFFFFFFF0 ss:$0x1], $0xffff  }
0xc8: {  	v12 =	vld.idx.msk [tilespmem:v5+s30+$0x0 ss:$0x1], $0xffff  }
0xc9: {  	v7 =	vmul.f32 v7, v6;
	v13 =	vld.idx.msk [tilespmem:v5+s30+$0x10 ss:$0x1], $0xffff  }
0xca: {  	s17 =	sadd.s32 s30, s12;
	v8 =	vmul.f32 v8, v6;
	v14 =	vld.idx.msk [tilespmem:v5+s30+$0x20 ss:$0x1], $0xffff  }
0xcb: {  	v9 =	vmul.f32 v9, v6;
	[tilespmem:s17+$0x70] =	vst.add.f32.msk $0xffff, v7  }
0xcc: {  	v7 =	vmul.f32 v10, v6;
	[tilespmem:s17+$0x0] =	vst.add.f32.msk $0xffff, v8  }
.Ltmp1:
0xcd: {  	v8 =	vmul.f32 v11, v6;
	[tilespmem:s17+$0x10] =	vst.add.f32.msk $0xffff, v9;
	(pc) =	sbr.rel @p0 .LBB2_7-.Ltmp1, $4  }
0xce: {  	[tilespmem:s17+$0x20] =	vst.add.f32.msk $0xffff, v7;
	v7 =	vmul.f32 v12, v6  }
0xcf: {  	[tilespmem:s17+$0x30] =	vst.add.f32.msk $0xffff, v8;
	v8 =	vmul.f32 v13, v6  }
0xd0: {  	[tilespmem:s17+$0x40] =	vst.add.f32.msk $0xffff, v7;
	v7 =	vmul.f32 v14, v6  }
0xd1: {  	s29 =	sadd.s32 $0x1000, s29;
	[tilespmem:s17+$0x50] =	vst.add.f32.msk $0xffff, v8  }
0xd2: {  	s26 =	sadd.s32 $0x1, s26  }
0xd3: {  	p0 =	sne.s32 s26, $0x18  }
.Ltmp2:
0xd4: {  	_ = 	snop;
	(pc) =	sbr.rel @p0 .LBB2_6-.Ltmp2, $2  }
0xd5: {  	_ =	sdelay $0x2  }
0xd6: {  	[tilespmem:s17+$0x60] =	vst.add.f32.msk $0xffff, v7;
	s16 =	sadd.s32 $0x400, s16;
	s25 =	sadd.s32 $0x1, s25  }
0xd7: {  	s12 =	sshrl.u32 s24, $0x2  }
0xd8: {  	s12 =	sand.u32 $0x1FFFFFFE, s12  }
0xd9: {  	s24 =	simm.s32 $0x0;
	s16 =	simm.s32 $0x280;
	s12 =	sadd.s32 s4, s12  }
0xda: {  	[tilespmem:s16], [sflag:$0x5] =	stream.linear.gather [hbm4b:s12+s24], $0x30, $0x38;
	[tilespmem:$0x1C380] =	vst v63  }
0xdb: {  	_ =	swait.ge [sflag:s8], $0x6000  }
0xdc: {  	[sflag:s8] =	ssyncset.done $0x0  }
0xdd: {  	[sflag:s8] =	ssyncadd.s32 $0xFFFFA000  }
0xde: {  	_ =	swait.ge [sflag:s19], $0x18  }
0xdf: {  	[sflag:s19] =	ssyncset.done $0x0  }
0xe0: {  	[sflag:s19] =	ssyncadd.s32 $0xFFFFFFE8  }
0xe1: {  	v5 =	vld [tilespmem:$0x180];
	_ =	sdelay $0x4  }
0xe2: {  	v6 =	vshll.u32 v5, $0x3  }
0xe3: {  	v5 =	vand.u32 $0x7, v5;
	v6 =	vand.u32 $0xFFFFFFC0, v6  }
0xe4: {  	v5 =	vor.u32 v5, v6  }
0xe5: {  	v6 =	vperm.xlane v5, v2;
	_ =	sdelay $0x1  }
0xe6: {  	v6 =	vadd.s32 v3, v6;
	_ =	sdelay $0x3  }
0xe7: {  	s26 =	simm.s32 $0x380  }
0xe8: {  	[tilespmem:s26], [sflag:$0x1] =	stream.indirect_vreg.gather [hbm4b:s1+s24], $0x80, v6, vm0, $0xb8;
	[tilespmem:$0x1C380] =	vst v63  }
0xe9: {  	s28 =	simm.s32 $0xB80;
	v5 =	vperm.xlane v5, v4  }
0xea: {  	[tilespmem:s28], [sflag:$0x1] =	stream.indirect_vreg.gather [hbm4b:s9+s24], $0x80, v6, vm0, $0xb8;
	[tilespmem:$0x1C380] =	vst v63  }
0xeb: {  	s29 =	simm.s32 $0x1380;
	v5 =	vadd.s32 v3, v5  }
0xec: {  	[tilespmem:s29], [sflag:$0x1] =	stream.indirect_vreg.gather [hbm4b:s10+s24], $0x80, v6, vm0, $0xb8;
	[tilespmem:$0x1C380] =	vst v63  }
0xed: {  	s30 =	simm.s32 $0x1B80  }
0xee: {  	[tilespmem:s30], [sflag:$0x1] =	stream.indirect_vreg.gather [hbm4b:s11+s24], $0x80, v6, vm0, $0xb8;
	[tilespmem:$0x1C380] =	vst v63  }
0xef: {  	s16 =	simm.s32 $0x2380  }
0xf0: {  	[tilespmem:s16], [sflag:$0x1] =	stream.indirect_vreg.gather [hbm4b:s1+s24], $0x80, v5, vm0, $0xb8;
	[tilespmem:$0x1C380] =	vst v63  }
0xf1: {  	s17 =	simm.s32 $0x2B80  }
0xf2: {  	[tilespmem:s17], [sflag:$0x1] =	stream.indirect_vreg.gather [hbm4b:s9+s24], $0x80, v5, vm0, $0xb8;
	[tilespmem:$0x1C380] =	vst v63  }
0xf3: {  	s25 =	simm.s32 $0x3380  }
0xf4: {  	[tilespmem:s25], [sflag:$0x1] =	stream.indirect_vreg.gather [hbm4b:s10+s24], $0x80, v5, vm0, $0xb8;
	[tilespmem:$0x1C380] =	vst v63  }
0xf5: {  	s26 =	simm.s32 $0x3B80  }
0xf6: {  	[tilespmem:s26], [sflag:$0x1] =	stream.indirect_vreg.gather [hbm4b:s11+s24], $0x80, v5, vm0, $0xb8;
	[tilespmem:$0x1C380] =	vst v63  }
0xf7: {  	v5 =	vld.msk [tilespmem:$0x190], $0xff;
	_ =	sdelay $0x4  }
0xf8: {  	v6 =	vshll.u32 v5, $0x3  }
0xf9: {  	v5 =	vand.u32 $0x7, v5;
	v6 =	vand.u32 $0xFFFFFFC0, v6  }
0xfa: {  	v5 =	vor.u32 v5, v6  }
0xfb: {  	v5 =	vperm.xlane v5, v2;
	_ =	sdelay $0x1  }
0xfc: {  	v5 =	vadd.s32 v3, v5;
	_ =	sdelay $0x1  }
0xfd: {  	s12 =	sadd.s32 $0x3, s23  }
0xfe: {  	p0 =	slt.s32 s12, s2;
	s16 =	smov.u32 s2  }
0xff: {  	s28 =	simm.s32 $0x4380;
	s16 =	smov.u32 @p0 s12  }
0x100: {  	[tilespmem:s28], [sflag:$0x1] =	stream.indirect_vreg.gather [hbm4b:s1+s24], $0x80, v5, vm0, $0xb8;
	[tilespmem:$0x1C380] =	vst v63  }
0x101: {  	s29 =	simm.s32 $0x4B80;
	s12 =	smul.u32 $0x18, s16  }
0x102: {  	[tilespmem:s29], [sflag:$0x1] =	stream.indirect_vreg.gather [hbm4b:s9+s24], $0x80, v5, vm0, $0xb8;
	[tilespmem:$0x1C380] =	vst v63  }
0x103: {  	s25 =	sadd.s32 s20, s12  }
0x104: {  	[tilespmem:s31], [sflag:$0x1] =	stream.indirect_vreg.gather [hbm4b:s10+s24], $0x80, v5, vm0, $0xb8;
	[tilespmem:$0x1C380] =	vst v63  }
0x105: {  	s12 =	sshrl.u32 s25, $0x3  }
0x106: {  	[tilespmem:s0], [sflag:$0x1] =	stream.indirect_vreg.gather [hbm4b:s11+s24], $0x80, v5, vm0, $0xb8;
	[tilespmem:$0x1C380] =	vst v63  }
0x107: {  	s30 =	simm.s32 $0x200;
	s12 =	sadd.s32 s5, s12  }
0x108: {  	[tilespmem:s30], [sflag:$0x4] =	stream.linear.gather [hbm4b:s12+s24], $0x18, $0x38;
	[tilespmem:$0x1C380] =	vst v63  }
0x109: {  	_ =	swait.ge [sflag:s13], $0x30  }
0x10a: {  	p0 =	slt.u32 s23, s2;
	[sflag:s13] =	ssyncset.done $0x0  }
0x10b: {  	s23 =	simm.s32 $0x0;
	s16 =	simm.s32 $0x0;
	[sflag:s13] =	ssyncadd.s32 $0xFFFFFFD0  }
.LBB2_10:
0x10c: {  	s12 =	sshll.u32 s16, $0x1  }
0x10d: {  	s12 =	sand.u32 $0x3FFFFFFE, s12  }
0x10e: {  	v5 =	vld [tilespmem:s12+$0x300];
	_ =	sdelay $0x4  }
0x10f: {  	(v2sf) =	vpush v5, $0x0;
	_ =	sdelay $0x5  }
0x110: {  	(v2sf) =	vpush v5, $0x1;
	_ =	sdelay $0x1  }
0x111: {  	s29 =	sshll.u32 s23, $0x2;
	s17 =	sand.u32 $0x7, s24  }
0x112: {  	s17 =	sshll.u32 s17, $0x9;
	s12 =	sand.u32 $0xFFFF8000, s29  }
0x113: {  	s12 =	sor.u32 s17, s12  }
0x114: {  	s12 =	sshrl.u32 s12, $0x2  }
0x115: {  	s12 =	sadd.s32 $0x63C0, s12  }
0x116: {  	v5 =	vmov s12;
	_ =	sdelay $0x1  }
0x117: {  	s30 =	spop (v2sf)  }
0x118: {  	s12 =	ssub.s32 s30, s15  }
0x119: {  	s26 =	simm.s32 $0x0;
	p1 =	slt.u32 s12, $0x40  }
0x11a: {  	v7 =	vld.idx.msk [tilespmem:v5+s26+$0x30 ss:$0x1], $0xffff;
	p1 =	por !p0, !p1  }
0x11b: {  	v8 =	vld.idx.msk [tilespmem:v5+s26+$0xFFFFFFC0 ss:$0x1], $0xffff;
	p1 =	por !p1, !p1  }
0x11c: {  	v9 =	vld.idx.msk [tilespmem:v5+s26+$0xFFFFFFD0 ss:$0x1], $0xffff;
	s12 =	simm.s32 @!p1 $0x0  }
0x11d: {  	v10 =	vld.idx.msk [tilespmem:v5+s26+$0xFFFFFFE0 ss:$0x1], $0xffff;
	s17 =	spop (v2sf);
	s28 =	sshll.u32 s12, $0xA;
	s12 =	sshll.u32 s12, $0x7  }
0x11e: {  	v11 =	vld.idx.msk [tilespmem:v5+s26+$0xFFFFFFF0 ss:$0x1], $0xffff;
	s17 =	simm.s32 @!p1 $0x0;
	s28 =	sand.u32 $0xFFFFE000, s28;
	s12 =	sand.u32 $0x380, s12  }
0x11f: {  	v12 =	vld.idx.msk [tilespmem:v5+s26+$0x0 ss:$0x1], $0xffff;
	v6 =	vmov s17;
	s12 =	sor.u32 s12, s28  }
0x120: {  	v13 =	vld.idx.msk [tilespmem:v5+s26+$0x10 ss:$0x1], $0xffff;
	v7 =	vmul.f32 v7, v6;
	s12 =	sadd.s32 $0xC380, s12  }
0x121: {  	v14 =	vld.idx.msk [tilespmem:v5+s26+$0x20 ss:$0x1], $0xffff;
	v8 =	vmul.f32 v8, v6;
	s17 =	sadd.s32 $0x0, s12  }
0x122: {  	v9 =	vmul.f32 v9, v6;
	[tilespmem:s17+$0x70] =	vst.add.f32.msk $0xffff, v7  }
0x123: {  	[tilespmem:s17+$0x0] =	vst.add.f32.msk $0xffff, v8;
	v7 =	vmul.f32 v10, v6  }
0x124: {  	[tilespmem:s17+$0x10] =	vst.add.f32.msk $0xffff, v9;
	v8 =	vmul.f32 v11, v6  }
0x125: {  	[tilespmem:s17+$0x20] =	vst.add.f32.msk $0xffff, v7;
	v7 =	vmul.f32 v12, v6  }
0x126: {  	[tilespmem:s17+$0x30] =	vst.add.f32.msk $0xffff, v8;
	v8 =	vmul.f32 v13, v6  }
0x127: {  	[tilespmem:s17+$0x40] =	vst.add.f32.msk $0xffff, v7;
	v7 =	vmul.f32 v14, v6  }
0x128: {  	s26 =	simm.s32 $0x0;
	s28 =	simm.s32 $0x1000;
	[tilespmem:s17+$0x50] =	vst.add.f32.msk $0xffff, v8  }
.LBB2_11:
0x129: {  	s29 =	sshra.s32 s28, $0x2;
	s26 =	sadd.s32 $0x8, s26;
	[tilespmem:s17+$0x60] =	vst.add.f32.msk $0xffff, v7  }
0x12a: {  	v7 =	vld.idx.msk [tilespmem:v5+s29+$0x30 ss:$0x1], $0xffff;
	p1 =	slt.u32 s26, $0x38  }
0x12b: {  	v8 =	vld.idx.msk [tilespmem:v5+s29+$0xFFFFFFC0 ss:$0x1], $0xffff  }
0x12c: {  	v9 =	vld.idx.msk [tilespmem:v5+s29+$0xFFFFFFD0 ss:$0x1], $0xffff  }
0x12d: {  	v10 =	vld.idx.msk [tilespmem:v5+s29+$0xFFFFFFE0 ss:$0x1], $0xffff  }
0x12e: {  	v11 =	vld.idx.msk [tilespmem:v5+s29+$0xFFFFFFF0 ss:$0x1], $0xffff  }
0x12f: {  	v12 =	vld.idx.msk [tilespmem:v5+s29+$0x0 ss:$0x1], $0xffff  }
0x130: {  	v7 =	vmul.f32 v7, v6;
	v13 =	vld.idx.msk [tilespmem:v5+s29+$0x10 ss:$0x1], $0xffff  }
0x131: {  	s17 =	sadd.s32 s29, s12;
	v8 =	vmul.f32 v8, v6;
	v14 =	vld.idx.msk [tilespmem:v5+s29+$0x20 ss:$0x1], $0xffff  }
0x132: {  	v9 =	vmul.f32 v9, v6;
	[tilespmem:s17+$0x70] =	vst.add.f32.msk $0xffff, v7  }
0x133: {  	v7 =	vmul.f32 v10, v6;
	[tilespmem:s17+$0x0] =	vst.add.f32.msk $0xffff, v8  }
.Ltmp3:
0x134: {  	v8 =	vmul.f32 v11, v6;
	[tilespmem:s17+$0x10] =	vst.add.f32.msk $0xffff, v9;
	(pc) =	sbr.rel @p1 .LBB2_11-.Ltmp3, $4  }
0x135: {  	[tilespmem:s17+$0x20] =	vst.add.f32.msk $0xffff, v7;
	v7 =	vmul.f32 v12, v6  }
0x136: {  	[tilespmem:s17+$0x30] =	vst.add.f32.msk $0xffff, v8;
	v8 =	vmul.f32 v13, v6  }
0x137: {  	[tilespmem:s17+$0x40] =	vst.add.f32.msk $0xffff, v7;
	v7 =	vmul.f32 v14, v6  }
0x138: {  	s28 =	sadd.s32 $0x1000, s28;
	[tilespmem:s17+$0x50] =	vst.add.f32.msk $0xffff, v8  }
0x139: {  	s16 =	sadd.s32 $0x1, s16  }
0x13a: {  	p1 =	sne.s32 s16, $0x18  }
.Ltmp4:
0x13b: {  	_ = 	snop;
	(pc) =	sbr.rel @p1 .LBB2_10-.Ltmp4, $2  }
0x13c: {  	_ =	sdelay $0x2  }
0x13d: {  	[tilespmem:s17+$0x60] =	vst.add.f32.msk $0xffff, v7;
	s23 =	sadd.s32 $0x400, s23;
	s24 =	sadd.s32 $0x1, s24  }
0x13e: {  	s6 =	sadd.s32 $0x1, s6  }
0x13f: {  	p0 =	sne.s32 s6, s22  }
.Ltmp5:
0x140: {  	_ = 	snop;
	(pc) =	sbr.rel @p0 .LBB2_5-.Ltmp5, $4  }
0x141: {  	s12 =	sshrl.u32 s25, $0x2  }
0x142: {  	s12 =	sand.u32 $0x1FFFFFFE, s12  }
0x143: {  	s16 =	simm.s32 $0x0;
	s17 =	simm.s32 $0x300;
	s12 =	sadd.s32 s4, s12  }
0x144: {  	[tilespmem:s17], [sflag:$0x6] =	stream.linear.gather [hbm4b:s12+s16], $0x30, $0x38;
	[tilespmem:$0x1C380] =	vst v63  }
0x145: {  	_ =	swait.ge [sflag:s14], $0x6000  }
0x146: {  	[sflag:s14] =	ssyncset.done $0x0  }
0x147: {  	[sflag:s14] =	ssyncadd.s32 $0xFFFFA000  }
0x148: {  	_ =	swait.ge [sflag:s3], $0x18  }
0x149: {  	[sflag:s3] =	ssyncset.done $0x0  }
0x14a: {  	[sflag:s3] =	ssyncadd.s32 $0xFFFFFFE8  }
0x14b: {  	_ =	swait.ge [sflag:s18], $0x30  }
0x14c: {  	[sflag:s18] =	ssyncset.done $0x0  }
0x14d: {  	[sflag:s18] =	ssyncadd.s32 $0xFFFFFFD0  }
0x14e: {  	s2 =	sshll.u32 s15, $0x7;
	s29 =	simm.s32 $0x0;
	_ =	swait.ge [sflag:s13], $0x30  }
0x14f: {  	s12 =	simm.s32 $0xC380;
	[sflag:s13] =	ssyncset.done $0x0;
	s6 =	rddreg [dreg:$0x4]  }
0x150: {  	s30 =	simm.s32 $0x7;
	[sflag:s13] =	ssyncadd.s32 $0xFFFFFFD0;
	s2 =	sadd.s32 s6, s2  }
0x151: {  	[hbm4b:s2+s29] =	stream.linear.scatter [tilespmem:s12], [sflag:$0x7], $0x10000, $0x38;
	[tilespmem:$0x1C380] =	vst v63  }
0x152: {  	_ =	swait.ge [sflag:s30], $0x10000  }
0x153: {  	s23 =	rddreg [dreg:$0x8]  }
0x154: {  	s23 =	sadd.s32 $0x1, s23  }
0x155: {  	p0 =	sne.s32 s23, $0x8  }
.Ltmp6:
0x156: {  	_ = 	snop;
	(pc) =	sbr.rel @p0 .LBB2_2-.Ltmp6, $3  }
0x157: {  	_ =	sdelay $0x1  }
0x158: {  	[sflag:s30] =	ssyncset.done $0x0  }
0x159: {  	[sflag:s30] =	ssyncadd.s32 $0xFFFF0000  }
0x15a: {  	s6 =	rddreg [dreg:$0x7]  }
0x15b: {  	s2 =	rddreg [dreg:$0x6];
	s6 =	sadd.s32 $0x1, s6  }
0x15c: {  	p0 =	sne.s32 s6, s2  }
.Ltmp7:
0x15d: {  	_ = 	snop;
	(pc) =	sbr.rel @p0 .LBB2_1-.Ltmp7, $1  }
0x15e: {  	_ =	sdelay $0x3  }
0x15f: {  	_ =	sfence.sel $0x180000  }
0x160: {  	[bflag:$0x0] =	sbarrier.arrive $0xFFFF  }
0x161: {  	_ =	strace $0x90000047  }
0x162: {  	s0 =	stileid.u32;
	[bflag:$0x2] =	sbarrier.arrive $0xFFFF  }
0x163: {  	p0 =	sne.s32 s0, $0x0;
	s0 =	rddreg [dreg:$0x2]  }
0x164: {  	s0 =	sadd.s32 @!p0 $0x100000, s0  }
0x165: {  	[sflag:s0] =	ssyncadd.tile.s32 @!p0 $0x1;
	_ =	shalt  }
.Lfunc_end2:
_tile_overlayer_lowered:
.L_overlay_start_2:
0x166: {  	(tag) =	ssettag $0x2  }
0x167: {  	s0 =	rddreg [dreg:$0x0];
	s2 =	stileid.u32  }
0x168: {  	s1 =	rddreg [dreg:$0x1];
	p0 =	sne.s32 s2, $0x0  }
0x169: {  	s3 =	rddreg [dreg:$0x2];
	[bflag:$0x3] =	sbarrier.arrive $0xFFFF;
	s2 =	simm.s32 @!p0 $0x1C07  }
0x16a: {  	[timem:s3], [sflag:s2] =	dma.local @!p0 [hbm:s0], s1  }
0x16b: {  	s0 =	simm.s32 @!p0 $0x7  }
0x16c: {  	_ =	swait.ge @!p0 [sflag:s0], s1  }
0x16d: {  	s1 =	ssub.s32 @!p0 $0x0, s1;
	[sflag:s0] =	ssyncset.done @!p0 $0x0  }
0x16e: {  	[sflag:s0] =	ssyncadd.s32 @!p0 s1  }
0x16f: {  	[bflag:$0x3] =	sbarrier.arrive $0xFFFF  }
0x170: {  	_ =	shalt  }

// kernel: kernel.9.cloned.1.call-start
scs
__scs_entry_jumppad:
0x0: {  	(pc) =	sbr.rel $0x88, $3  }
0x1: {  	(tag) =	ssettag $0x0;
	lr =	simm.s32 $0x1  }
0x2: {  	[smem:$0x3F98] =	sst lr;
	_ =	strace $0xD0000000  }
0x3: {  	_ = 	snop  }
0x4: {  	_ = 	snop  }
0x5: {  	_ = 	snop  }
0x6: {  	_ = 	snop  }
0x7: {  	_ = 	snop  }
__scs_overlays_trampoline_lowered:
0x8: {  	[smem:$0x3FA7] =	sst s0  }
0x9: {  	[smem:$0x3FA8] =	sst s1  }
0xa: {  	[smem:$0x3FA9] =	sst s2  }
0xb: {  	[smem:$0x3FAA] =	sst s3  }
0xc: {  	[smem:$0x3FAB] =	sst s4  }
0xd: {  	[smem:$0x3FAC] =	sst s5  }
0xe: {  	[smem:$0x3FAD] =	sst s6  }
0xf: {  	[smem:$0x3FAE] =	sst s7  }
0x10: {  	[smem:$0x3FAF] =	sst s8  }
0x11: {  	[smem:$0x3FB0] =	sst s9;
	s0 =	simm.s32 @!p0 $0x0  }
0x12: {  	s1 =	sld [smem:$0x3F96];
	s0 =	simm.s32 @p0 $0x1  }
0x13: {  	[smem:$0x3FB1] =	sst s0;
	s0 =	simm.s32 @!p1 $0x0  }
0x14: {  	s2 =	sld [smem:$0x3F95];
	s0 =	simm.s32 @p1 $0x1  }
0x15: {  	[smem:$0x3FB2] =	sst s0;
	s0 =	simm.s32 @!p2 $0x0  }
0x16: {  	s3 =	sld [smem:$0x3FDB];
	s0 =	simm.s32 @p2 $0x1  }
0x17: {  	s4 =	simm.s32 $0x1BF5;
	[smem:$0x3FB4] =	sst s0  }
0x18: {  	s0 =	sld [smem:$0x3F97];
	_ =	swait.ge [sflag:s4], $0x0  }
0x19: {  	s7 =	sld [smem:$0x3F98]  }
0x1a: {  	s8 =	sadd.s32 $0xFFFFE003, lr  }
0x1b: {  	s9 =	sadd.s32 $0xFFFFFEF7, lr;
	s5 =	simm.s32 $0xFFFFFFFF;
	p2 =	slt.u32 s8, $0xFFFFF086  }
0x1c: {  	p1 =	slt.u32 s9, $0xF7A;
	s5 =	simm.s32 @!p2 $0x0  }
0x1d: {  	s5 =	simm.s32 @p1 $0x1;
	p0 =	seq.s32 s7, s2  }
0x1e: {  	s7 =	smul.u32 @!p0 $0xF7A, s2;
	p2 =	seq.s32 @!p0 s5, $0x0  }
0x1f: {  	s9 =	smul.u32 $0xF7A, s1;
	s8 =	simm.s32 @!p0 $0x1BF5;
	p2 =	por !p2, p0  }
0x20: {  	[sflag:s8] =	ssyncset.s32 @!p0 $0xFFFFF086;
	s6 =	sadd.s32 @!p0 s3, s7;
	s7 =	simm.s32 @!p0 $0x108  }
0x21: {  	s3 =	sadd.s32 s3, s9;
	s6 =	sadd.s32 @!p0 $0x88, s6;
	s7 =	simm.s32 @p2 $0x1082  }
0x22: {  	[simem:s7], [sflag:s8] =	dma.local @!p0 [hbm:s6], $0xF7A  }
0x23: {  	s9 =	sor.u32 $0xD0000000, s2;
	s6 =	simm.s32 $0x108;
	_ =	swait.ge @!p0 [sflag:s8], $0x0  }
0x24: {  	s3 =	sadd.s32 $0x88, s3;
	s6 =	simm.s32 @!p1 $0x1082;
	[sflag:s4] =	ssyncset.s32 $0xFFFFF086  }
0x25: {  	[simem:s6], [sflag:s4] =	dma.local [hbm:s3], $0xF7A  }
0x26: {  	[smem:$0x3F98] =	sst s1;
	(tag) =	ssettag s2;
	_ =	strace s9  }
0x27: {  	s1 =	sld [smem:$0x3FA8]  }
0x28: {  	s2 =	sld [smem:$0x3FA9]  }
0x29: {  	s4 =	sld [smem:$0x3FAB]  }
0x2a: {  	p0 =	seq.s32 s5, $0x0;
	s5 =	sld [smem:$0x3FAC]  }
0x2b: {  	s6 =	sld [smem:$0x3FAD]  }
0x2c: {  	s7 =	sld [smem:$0x3FAE]  }
0x2d: {  	s3 =	simm.s32 $0x108;
	s8 =	sld [smem:$0x3FAF]  }
0x2e: {  	s3 =	simm.s32 @!p0 $0x1082;
	s9 =	sld [smem:$0x3FB0]  }
0x2f: {  	lr =	sadd.s32 s0, s3;
	s0 =	sld [smem:$0x3FA7]  }
0x30: {  	s3 =	sld [smem:$0x3FAA]  }
0x31: {  	[smem:$0x3FB3] =	sst s10  }
0x32: {  	s10 =	sld [smem:$0x3FB1];
	_ =	sdelay $0x3  }
0x33: {  	p0 =	seq.s32 s10, $0x1;
	s10 =	sld [smem:$0x3FB3];
	_ =	sdelay $0x3  }
0x34: {  	[smem:$0x3FB3] =	sst s10  }
0x35: {  	s10 =	sld [smem:$0x3FB2];
	_ =	sdelay $0x3  }
0x36: {  	p1 =	seq.s32 s10, $0x1;
	s10 =	sld [smem:$0x3FB3];
	_ =	sdelay $0x3  }
0x37: {  	[smem:$0x3FB3] =	sst s10  }
0x38: {  	s10 =	sld [smem:$0x3FB4]  }
0x39: {  	_ = 	snop;
	(pc) =	sbr.ind lr, $3  }
0x3a: {  	_ = 	snop  }
0x3b: {  	_ = 	snop  }
0x3c: {  	p2 =	seq.s32 s10, $0x1;
	s10 =	sld [smem:$0x3FB3]  }
0x3d: {  	_ =	shalt  }
0x3e: {  	_ =	shalt  }
0x3f: {  	_ =	shalt  }
0x40: {  	_ =	shalt  }
0x41: {  	_ =	shalt  }
0x42: {  	_ =	shalt  }
0x43: {  	_ =	shalt  }
0x44: {  	_ =	shalt  }
0x45: {  	_ =	shalt  }
0x46: {  	_ =	shalt  }
0x47: {  	_ =	shalt  }
0x48: {  	_ =	shalt  }
0x49: {  	_ =	shalt  }
0x4a: {  	_ =	shalt  }
0x4b: {  	_ =	shalt  }
0x4c: {  	_ =	shalt  }
0x4d: {  	_ =	shalt  }
0x4e: {  	_ =	shalt  }
0x4f: {  	_ =	shalt  }
0x50: {  	_ =	shalt  }
0x51: {  	_ =	shalt  }
0x52: {  	_ =	shalt  }
0x53: {  	_ =	shalt  }
0x54: {  	_ =	shalt  }
0x55: {  	_ =	shalt  }
0x56: {  	_ =	shalt  }
0x57: {  	_ =	shalt  }
0x58: {  	_ =	shalt  }
0x59: {  	_ =	shalt  }
0x5a: {  	_ =	shalt  }
0x5b: {  	_ =	shalt  }
0x5c: {  	_ =	shalt  }
0x5d: {  	_ =	shalt  }
0x5e: {  	_ =	shalt  }
0x5f: {  	_ =	shalt  }
0x60: {  	_ =	shalt  }
0x61: {  	_ =	shalt  }
0x62: {  	_ =	shalt  }
0x63: {  	_ =	shalt  }
0x64: {  	_ =	shalt  }
0x65: {  	_ =	shalt  }
0x66: {  	_ =	shalt  }
0x67: {  	_ =	shalt  }
0x68: {  	_ =	shalt  }
0x69: {  	_ =	shalt  }
0x6a: {  	_ =	shalt  }
0x6b: {  	_ =	shalt  }
0x6c: {  	_ =	shalt  }
0x6d: {  	_ =	shalt  }
0x6e: {  	_ =	shalt  }
0x6f: {  	_ =	shalt  }
0x70: {  	_ =	shalt  }
0x71: {  	_ =	shalt  }
0x72: {  	_ =	shalt  }
0x73: {  	_ =	shalt  }
0x74: {  	_ =	shalt  }
0x75: {  	_ =	shalt  }
0x76: {  	_ =	shalt  }
0x77: {  	_ =	shalt  }
0x78: {  	_ =	shalt  }
0x79: {  	_ =	shalt  }
0x7a: {  	_ =	shalt  }
0x7b: {  	_ =	shalt  }
0x7c: {  	_ =	shalt  }
0x7d: {  	_ =	shalt  }
0x7e: {  	_ =	shalt  }
0x7f: {  	_ =	shalt  }
0x80: {  	_ =	shalt  }
0x81: {  	_ =	shalt  }
0x82: {  	_ =	shalt  }
0x83: {  	_ =	shalt  }
0x84: {  	_ =	shalt  }
0x85: {  	_ =	shalt  }
0x86: {  	_ =	shalt  }
0x87: {  	_ =	shalt  }
.Lfunc_end0:
.L_simem_size_0:
called_computation.1_lowered:
.L_overlay_start_0:
0x88: {  	s2 =	sld [smem:$0x3FD9]  }
0x89: {  	s3 =	sld [smem:$0x3FFE];
	_ =	sdelay $0x1  }
0x8a: {  	s1 =	srdreg.scid  }
0x8b: {  	s0 =	sand.u32 $0x1, s1  }
0x8c: {  	s17 =	sshll.u32 s0, $0xA;
	s2 =	sadd.s32 s3, s2  }
0x8d: {  	s2 =	sadd.s32 s2, s17  }
0x8e: {  	[smem:$0x3FBF] =	sst s2  }
0x8f: {  	_ = 	snop  }
0x90: {  	s2 =	sld [smem:$0x3FD0];
	(tm) =	ssettm $0x1  }
0x91: {  	s18 =	sld [smem:$0x3FFB];
	_ =	sdelay $0x3  }
0x92: {  	_ =	strace s18  }
0x93: {  	s3 =	sld [smem:$0x3FFC];
	_ =	sdelay $0x3  }
0x94: {  	_ =	strace s3  }
0x95: {  	s3 =	sld [smem:$0x3FFD];
	_ =	sdelay $0x3  }
0x96: {  	_ =	strace s3  }
0x97: {  	_ =	strace $0x8FFFFFFF  }
0x98: {  	s19 =	sld [smem:$0x3FDB];
	_ =	sdelay $0x1  }
0x99: {  	s4 =	simm.s32 $_scs_section_size  }
0x9a: {  	s5 =	simm.s32 $_size__tile_overlayer_lowered;
	s6 =	simm.s32 $_tile_overlayer_lowered  }
0x9b: {  	s22 =	simm.s32 $0x1BFF;
	s21 =	sshll.u32 s6, $0x1;
	s3 =	sadd.s32 s4, s19  }
0x9c: {  	s7 =	simm.s32 $0x0;
	s20 =	sshll.u32 s5, $0x1;
	s5 =	sadd.s32 s21, s3  }
0x9d: {  	[timem:s7], [sflag:s22] =	dma.local [hbm:s5], s20  }
0x9e: {  	_ =	swait.ge [sflag:s22], s20  }
0x9f: {  	s4 =	ssub.s32 $0x0, s20;
	[sflag:s22] =	ssyncset.done $0x0  }
0xa0: {  	[sflag:s22] =	ssyncadd.s32 s4;
	_ =	sdelay $0x1  }
0xa1: {  	s23 =	simm.s32 $0x1B8B  }
0xa2: {  	_ =	swait.ge [sflag:s23], $0x1  }
0xa3: {  	[sflag:s23] =	ssyncset.done $0x0  }
0xa4: {  	s25 =	simm.s32 $0x1B8E;
	s24 =	sld [smem:$0x3FFE];
	[sflag:s23] =	ssyncadd.s32 $0xFFFFFFFF  }
0xa5: {  	s26 =	simm.s32 $execute0_lowered;
	[smem:$0x3FD2] =	sst s25  }
0xa6: {  	s5 =	sshll.u32 s26, $0x1;
	_ =	strace $0x80000049;
	[dreg:$0x1] =	wrdreg $0xFFFFFFFF  }
0xa7: {  	s28 =	simm.s32 $_size_execute0_lowered;
	s3 =	sadd.s32 s3, s5;
	[dreg:$0x0] =	wrdreg $0x0  }
0xa8: {  	s5 =	sshll.u32 s28, $0x1;
	[dreg:$0x2] =	wrdreg s3  }
0xa9: {  	[dreg:$0x3] =	wrdreg s5  }
0xaa: {  	[dreg:$0x4] =	wrdreg $0xC0  }
0xab: {  	_ =	task [dreg:s7], $0x5FFFF  }
0xac: {  	[dreg:$0x1] =	wrdreg $0xFFFFFFFF  }
0xad: {  	[dreg:$0x0] =	wrdreg $0x60  }
0xae: {  	[dreg:$0x2] =	wrdreg s24  }
0xaf: {  	[dreg:$0x3] =	wrdreg s2  }
0xb0: {  	[dreg:$0x4] =	wrdreg $0x9  }
0xb1: {  	_ =	task.clear_ibuf [dreg:s7], $0x5FFFF;
	_ =	strace $0x90000049  }
0xb2: {  	s29 =	simm.s32 $0x9;
	_ =	strace $0x8000004B  }
0xb3: {  	_ =	swait.ge [sflag:s29], $0x1  }
0xb4: {  	[sflag:s29] =	ssyncadd.s32 $0xFFFFFFFF  }
0xb5: {  	_ =	strace $0x9000004B  }
0xb6: {  	_ =	sfence  }
0xb7: {  	s30 =	sld [smem:$0x0];
	_ =	sdelay $0x2  }
0xb8: {  	s31 =	sshll.u32 s1, $0xD;
	s1 =	sshrl.u32 s1, $0x2  }
0xb9: {  	s3 =	sand.u32 $0x4000, s31;
	s1 =	sadd.s32 s1, s30  }
0xba: {  	s0 =	sor.u32 s3, s0;
	s1 =	sshll.u32 s1, $0x11  }
0xbb: {  	s0 =	sor.u32 s1, s0  }
0xbc: {  	s0 =	sadd.s32 $0x8F2B, s0  }
0xbd: {  	[sflag:s0] =	ssyncadd.remote.s32 $0x1  }
0xbe: {  	_ =	sfence.sel $0xFFFF  }
0xbf: {  	[dreg:$0x0] =	wrdreg $0xFFFFFFFF;
	(pc) =	sbr.abs _section_cstart, $3  }
0xc0: {  	[dreg:$0x1] =	wrdreg $0xFFFFFFFF  }
0xc1: {  	_ =	task.clear_ibuf [dreg:s7], $0x2FFFF;
	_ =	strace $0x9FFFFFFF  }
0xc2: {  	(tm) =	ssettm $0x7FFFFFFF  }
0xc3: {  	_ =	shalt  }
tec
execute0_lowered:
.L_overlay_start_1:
0x0: {  	(tag) =	ssettag $0x1  }
0x1: {  	s0 =	rddreg [dreg:$0x0];
	s1 =	simm.s32 $0x0  }
0x2: {  	s26 =	srdreg.scid;
	s3 =	stileid.u32;
	s14 =	simm.s32 $0x1  }
0x3: {  	s19 =	simm.s32 $0x3;
	s31 =	simm.s32 $0x5280;
	s17 =	simm.s32 $0xBA80  }
0x4: {  	s8 =	simm.s32 $0x5;
	s18 =	simm.s32 $0x2;
	s13 =	simm.s32 $0x6  }
0x5: {  	[smem:$0x7FF] =	sst s1;
	s4 =	sadd.s32 $0x10EC00, s0;
	s1 =	sand.u32 $0x1, s26  }
0x6: {  	s5 =	sadd.s32 $0x6400, s0;
	s6 =	sadd.s32 $0x4200, s0;
	s28 =	sadd.s32 $0x4000, s0  }
0x7: {  	s3 =	sshll.u32 s3, $0x1;
	s9 =	sadd.s32 $0x10ED00, s0;
	s10 =	sadd.s32 $0x10EE00, s0  }
0x8: {  	s11 =	sadd.s32 $0x10EF00, s0;
	s0 =	simm.s32 $0x5A80;
	s2 =	ssub.s32 $0x2, s1  }
0x9: {  	_ =	strace $0x8000004A;
	s1 =	sor.u32 s1, s3;
	s7 =	sshrl.u32 s2, $0x1  }
0xa: {  	v4 =	vlaneseq.u32;
	v1 =	vimm.f32 $0.0e+00;
	[dreg:$0x3] =	wrdreg s28;
	s29 =	sshll.u32 s1, $0x7;
	s2 =	ssub.s32 s2, s7  }
0xb: {  	vm0 =	vmmov $0xffff;
	v2 =	vand.u32 $0x7, v4;
	v3 =	vshrl.u32 v4, $0x3;
	s1 =	sshll.u32 s1, $0x1;
	[dreg:$0x4] =	wrdreg s29;
	s30 =	smax.u32 s2, $0x1  }
0xc: {  	v4 =	vor.u32 $0x8, v4;
	s3 =	simm.s32 $0x4;
	v3 =	vmul.u32 $0x8, v3;
	v0 =	vmov s1;
	s2 =	simm.s32 $0x0;
	[dreg:$0x5] =	wrdreg s30  }
.LBB2_1:
0xd: {  	[dreg:$0x6] =	wrdreg s2  }
0xe: {  	s1 =	simm.s32 $0x0;
	s29 =	rddreg [dreg:$0x3];
	s30 =	simm.s32 $0x7  }
0xf: {  	[tilespmem:s1], [sflag:$0x7] =	stream.linear.gather [hbm4b:s29+s1], $0x80, $0x38;
	[tilespmem:$0x1C280] =	vst v63  }
0x10: {  	_ =	swait.ge [sflag:s30], $0x80  }
0x11: {  	[sflag:s30] =	ssyncset.done $0x0  }
0x12: {  	p1 =	por $0x1, $0x1;
	s15 =	simm.s32 $0x0;
	[sflag:s30] =	ssyncadd.s32 $0xFFFFFF80  }
.LBB2_2:
0x13: {  	_ =	sdelay $0x3  }
0x14: {  	v5 =	vld.idx.msk [tilespmem:v0+s15+$0x0 ss:$0x1], $0xffff;
	_ =	sdelay $0x4  }
0x15: {  	(v2sf) =	vpush v5, $0x0;
	_ =	sdelay $0x6  }
0x16: {  	(v2sf) =	vpush v5, $0x1;
	_ =	sdelay $0x7  }
0x17: {  	s1 =	spop (v2sf)  }
0x18: {  	s2 =	sand.u32 $0x7, s1  }
0x19: {  	s7 =	sshra.s32 s1, $0x1F;
	p0 =	slt.s32 s1, $0x1;
	p2 =	sne.s32 s2, $0x0  }
0x1a: {  	s29 =	sshrl.u32 s7, $0x1D;
	p0 =	por !p0, !p2  }
0x1b: {  	s2 =	simm.s32 $0x1;
	s1 =	sadd.s32 s29, s1;
	p0 =	por !p0, !p0  }
0x1c: {  	s1 =	sshra.s32 s1, $0x3;
	s2 =	simm.s32 @!p0 $0x0  }
0x1d: {  	s30 =	ssub.s32 s1, s2  }
0x1e: {  	s20 =	spop (v2sf);
	s2 =	sshll.u32 s30, $0x3  }
0x1f: {  	s1 =	ssub.s32 s20, s2  }
0x20: {  	s12 =	sadd.s32 $0x17, s1  }
0x21: {  	s16 =	smulhi.u32 $0x2AAAAAAB, s12;
	s20 =	sshra.s32 s12, $0x1F  }
0x22: {  	s20 =	smul.u32 $0x2AAAAAAB, s20;
	_ =	sdelay $0x1  }
0x23: {  	s16 =	sadd.s32 s20, s16  }
0x24: {  	s20 =	sshrl.u32 s16, $0x1F;
	s16 =	sshra.s32 s16, $0x2  }
0x25: {  	s16 =	sadd.s32 s20, s16  }
0x26: {  	s20 =	smul.u32 $0xFFFFFFE8, s16  }
0x27: {  	s1 =	ssub.s32 $0xFFFFFFE9, s1  }
0x28: {  	p5 =	slt.s32 s12, $0x1;
	p6 =	sne.s32 s20, s1  }
0x29: {  	p0 =	por !p5, !p6  }
0x2a: {  	s1 =	simm.s32 $0x1;
	p0 =	por !p0, !p0  }
0x2b: {  	s23 =	simm.s32 $0x80;
	s21 =	sand.u32 $0x1FFFFFFF, s30;
	s1 =	simm.s32 @!p0 $0x0  }
0x2c: {  	s22 =	sadd.s32 s6, s21;
	s12 =	ssub.s32 s16, s1;
	s1 =	simm.s32 $0x0  }
0x2d: {  	[tilespmem:s23], [sflag:$0x3] =	stream.linear.gather [hbm4b:s22+s1], $0x18, $0x38;
	[tilespmem:$0x1C280] =	vst v63  }
0x2e: {  	s7 =	sshll.u32 s30, $0x1;
	p0 =	sgt.s32 s12, $0x1  }
0x2f: {  	s7 =	sand.u32 $0x1FFFFFFE, s7;
	s12 =	simm.s32 @!p0 $0x1  }
0x30: {  	s24 =	simm.s32 $0x180;
	s7 =	sadd.s32 s5, s7;
	s20 =	sadd.s32 $0xFFFFFFFF, s12  }
0x31: {  	[tilespmem:s24], [sflag:$0x5] =	stream.linear.gather [hbm4b:s7+s1], $0x30, $0x38;
	[tilespmem:$0x1C280] =	vst v63  }
0x32: {  	s7 =	simm.s32 $0x0;
	p0 =	seq.s32 s20, $0x0  }
0x33: {  	s7 =	simm.s32 @!p0 $0x18  }
0x34: {  	s7 =	sadd.s32 s2, s7  }
0x35: {  	s25 =	sshrl.u32 s7, $0x3;
	s7 =	sshrl.u32 s7, $0x2  }
0x36: {  	s21 =	simm.s32 $0x100;
	s16 =	sadd.s32 s6, s25;
	s7 =	sand.u32 $0x1FFFFFFE, s7  }
0x37: {  	[tilespmem:s21], [sflag:$0x4] =	stream.linear.gather [hbm4b:s16+s1], $0x18, $0x38;
	[tilespmem:$0x1C280] =	vst v63  }
0x38: {  	s26 =	simm.s32 $0x200;
	s28 =	simm.s32 $0x0;
	s7 =	sadd.s32 s5, s7  }
0x39: {  	[tilespmem:s26], [sflag:$0x6] =	stream.linear.gather [hbm4b:s7+s1], $0x30, $0x38;
	[tilespmem:$0x1C280] =	vst v63  }
0x3a: {  	s30 =	simm.s32 $0x0;
	s29 =	sand.u32 $0x1C00, s1;
	s7 =	sand.u32 $0xE000, s28  }
0x3b: {  	s21 =	sand.u32 $0x380, s30;
	s7 =	sor.u32 s29, s7  }
0x3c: {  	s7 =	sor.u32 s21, s7  }
0x3d: {  	[tilespmem:s7+$0xC2F0] =	vst v1  }
0x3e: {  	[tilespmem:s7+$0xC280] =	vst v1  }
0x3f: {  	p0 =	por p1, p1;
	s16 =	simm.s32 $0x0;
	[tilespmem:s7+$0xC290] =	vst v1  }
.LBB2_3:
0x40: {  	s16 =	sadd.s32 $0x8, s16;
	[tilespmem:s7+$0xC2A0] =	vst v1  }
0x41: {  	s1 =	sadd.s32 $0x400, s1;
	s21 =	sshll.u32 s16, $0x4;
	p1 =	slt.u32 s16, $0xFF8;
	[tilespmem:s7+$0xC2B0] =	vst v1  }
0x42: {  	s22 =	sand.u32 $0x1C00, s1;
	s23 =	sshll.u32 s16, $0x1;
	s21 =	sand.u32 $0xE000, s21;
	[tilespmem:s7+$0xC2C0] =	vst v1  }
.Ltmp0:
0x43: {  	s23 =	sand.u32 $0x380, s23;
	s21 =	sor.u32 s22, s21;
	[tilespmem:s7+$0xC2D0] =	vst v1;
	(pc) =	sbr.rel @p1 .LBB2_3-.Ltmp0, $4  }
0x44: {  	[tilespmem:s7+$0xC2E0] =	vst v1;
	s7 =	sor.u32 s23, s21  }
0x45: {  	[tilespmem:s7+$0xC2F0] =	vst v1  }
0x46: {  	[tilespmem:s7+$0xC280] =	vst v1  }
0x47: {  	[tilespmem:s7+$0xC290] =	vst v1  }
0x48: {  	[tilespmem:s7+$0xC2A0] =	vst v1  }
0x49: {  	[tilespmem:s7+$0xC2B0] =	vst v1  }
0x4a: {  	[tilespmem:s7+$0xC2C0] =	vst v1  }
0x4b: {  	[tilespmem:s7+$0xC2D0] =	vst v1  }
0x4c: {  	[tilespmem:s7+$0xC2E0] =	vst v1  }
0x4d: {  	_ =	swait.ge [sflag:s19], $0x18  }
0x4e: {  	[sflag:s19] =	ssyncset.done $0x0  }
0x4f: {  	[sflag:s19] =	ssyncadd.s32 $0xFFFFFFE8  }
0x50: {  	v5 =	vld [tilespmem:$0x80];
	_ =	sdelay $0x4  }
0x51: {  	v6 =	vshll.u32 v5, $0x3  }
0x52: {  	v5 =	vand.u32 $0x7, v5;
	v6 =	vand.u32 $0xFFFFFFC0, v6  }
0x53: {  	v5 =	vor.u32 v5, v6  }
0x54: {  	v6 =	vperm.xlane v5, v2;
	_ =	sdelay $0x1  }
0x55: {  	v6 =	vadd.s32 v3, v6;
	_ =	sdelay $0x3  }
0x56: {  	s7 =	simm.s32 $0x0;
	s1 =	simm.s32 $0x280  }
0x57: {  	[tilespmem:s1], [sflag:$0x1] =	stream.indirect_vreg.gather [hbm4b:s4+s7], $0x80, v6, vm0, $0xb8;
	[tilespmem:$0x1C280] =	vst v63  }
0x58: {  	s30 =	simm.s32 $0xA80;
	v5 =	vperm.xlane v5, v4  }
0x59: {  	[tilespmem:s30], [sflag:$0x1] =	stream.indirect_vreg.gather [hbm4b:s9+s7], $0x80, v6, vm0, $0xb8;
	[tilespmem:$0x1C280] =	vst v63  }
0x5a: {  	s16 =	simm.s32 $0x1280;
	v5 =	vadd.s32 v3, v5  }
0x5b: {  	[tilespmem:s16], [sflag:$0x1] =	stream.indirect_vreg.gather [hbm4b:s10+s7], $0x80, v6, vm0, $0xb8;
	[tilespmem:$0x1C280] =	vst v63  }
0x5c: {  	s21 =	simm.s32 $0x1A80  }
0x5d: {  	[tilespmem:s21], [sflag:$0x1] =	stream.indirect_vreg.gather [hbm4b:s11+s7], $0x80, v6, vm0, $0xb8;
	[tilespmem:$0x1C280] =	vst v63  }
0x5e: {  	s22 =	simm.s32 $0x2280  }
0x5f: {  	[tilespmem:s22], [sflag:$0x1] =	stream.indirect_vreg.gather [hbm4b:s4+s7], $0x80, v5, vm0, $0xb8;
	[tilespmem:$0x1C280] =	vst v63  }
0x60: {  	s23 =	simm.s32 $0x2A80  }
0x61: {  	[tilespmem:s23], [sflag:$0x1] =	stream.indirect_vreg.gather [hbm4b:s9+s7], $0x80, v5, vm0, $0xb8;
	[tilespmem:$0x1C280] =	vst v63  }
0x62: {  	s24 =	simm.s32 $0x3280  }
0x63: {  	[tilespmem:s24], [sflag:$0x1] =	stream.indirect_vreg.gather [hbm4b:s10+s7], $0x80, v5, vm0, $0xb8;
	[tilespmem:$0x1C280] =	vst v63  }
0x64: {  	s25 =	simm.s32 $0x3A80  }
0x65: {  	[tilespmem:s25], [sflag:$0x1] =	stream.indirect_vreg.gather [hbm4b:s11+s7], $0x80, v5, vm0, $0xb8;
	[tilespmem:$0x1C280] =	vst v63  }
0x66: {  	v5 =	vld.msk [tilespmem:$0x90], $0xff;
	_ =	sdelay $0x4  }
0x67: {  	v6 =	vshll.u32 v5, $0x3  }
0x68: {  	v5 =	vand.u32 $0x7, v5;
	v6 =	vand.u32 $0xFFFFFFC0, v6  }
0x69: {  	v5 =	vor.u32 v5, v6  }
0x6a: {  	v5 =	vperm.xlane v5, v2;
	_ =	sdelay $0x1  }
0x6b: {  	v5 =	vadd.s32 v3, v5;
	_ =	sdelay $0x3  }
0x6c: {  	s26 =	simm.s32 $0x4280  }
0x6d: {  	[tilespmem:s26], [sflag:$0x1] =	stream.indirect_vreg.gather [hbm4b:s4+s7], $0x80, v5, vm0, $0xb8;
	[tilespmem:$0x1C280] =	vst v63  }
0x6e: {  	s28 =	simm.s32 $0x4A80  }
0x6f: {  	[tilespmem:s28], [sflag:$0x1] =	stream.indirect_vreg.gather [hbm4b:s9+s7], $0x80, v5, vm0, $0xb8;
	[tilespmem:$0x1C280] =	vst v63  }
0x70: {  	s29 =	sshll.u32 s15, $0x6;
	s12 =	sadd.s32 $0x1, s12;
	s30 =	rddreg [dreg:$0x4]  }
0x71: {  	[tilespmem:s31], [sflag:$0x1] =	stream.indirect_vreg.gather [hbm4b:s10+s7], $0x80, v5, vm0, $0xb8;
	[tilespmem:$0x1C280] =	vst v63  }
0x72: {  	s15 =	sshrl.u32 s12, $0x1;
	s21 =	sor.u32 s30, s29;
	s22 =	simm.s32 $0x0  }
0x73: {  	[tilespmem:s0], [sflag:$0x1] =	stream.indirect_vreg.gather [hbm4b:s11+s7], $0x80, v5, vm0, $0xb8;
	[tilespmem:$0x1C280] =	vst v63  }
.LBB2_5:
0x74: {  	_ =	swait.ge [sflag:s14], $0x6000  }
0x75: {  	[sflag:s14] =	ssyncset.done $0x0  }
0x76: {  	[sflag:s14] =	ssyncadd.s32 $0xFFFFA000  }
0x77: {  	_ =	swait.ge [sflag:s3], $0x18  }
0x78: {  	[sflag:s3] =	ssyncset.done $0x0  }
0x79: {  	[sflag:s3] =	ssyncadd.s32 $0xFFFFFFE8  }
0x7a: {  	v5 =	vld [tilespmem:$0x100];
	_ =	sdelay $0x4  }
0x7b: {  	v6 =	vshll.u32 v5, $0x3  }
0x7c: {  	v5 =	vand.u32 $0x7, v5;
	v6 =	vand.u32 $0xFFFFFFC0, v6  }
0x7d: {  	v5 =	vor.u32 v5, v6  }
0x7e: {  	v6 =	vperm.xlane v5, v2;
	_ =	sdelay $0x1  }
0x7f: {  	v6 =	vadd.s32 v3, v6;
	_ =	sdelay $0x3  }
0x80: {  	s1 =	simm.s32 $0x6280  }
0x81: {  	[tilespmem:s1], [sflag:$0x2] =	stream.indirect_vreg.gather [hbm4b:s4+s7], $0x80, v6, vm0, $0xb8;
	[tilespmem:$0x1C280] =	vst v63  }
0x82: {  	s30 =	simm.s32 $0x6A80;
	v5 =	vperm.xlane v5, v4  }
0x83: {  	[tilespmem:s30], [sflag:$0x2] =	stream.indirect_vreg.gather [hbm4b:s9+s7], $0x80, v6, vm0, $0xb8;
	[tilespmem:$0x1C280] =	vst v63  }
0x84: {  	s12 =	simm.s32 $0x7280;
	v5 =	vadd.s32 v3, v5  }
0x85: {  	[tilespmem:s12], [sflag:$0x2] =	stream.indirect_vreg.gather [hbm4b:s10+s7], $0x80, v6, vm0, $0xb8;
	[tilespmem:$0x1C280] =	vst v63  }
0x86: {  	s16 =	simm.s32 $0x7A80  }
0x87: {  	[tilespmem:s16], [sflag:$0x2] =	stream.indirect_vreg.gather [hbm4b:s11+s7], $0x80, v6, vm0, $0xb8;
	[tilespmem:$0x1C280] =	vst v63  }
0x88: {  	s23 =	simm.s32 $0x8280  }
0x89: {  	[tilespmem:s23], [sflag:$0x2] =	stream.indirect_vreg.gather [hbm4b:s4+s7], $0x80, v5, vm0, $0xb8;
	[tilespmem:$0x1C280] =	vst v63  }
0x8a: {  	s24 =	simm.s32 $0x8A80  }
0x8b: {  	[tilespmem:s24], [sflag:$0x2] =	stream.indirect_vreg.gather [hbm4b:s9+s7], $0x80, v5, vm0, $0xb8;
	[tilespmem:$0x1C280] =	vst v63  }
0x8c: {  	s25 =	simm.s32 $0x9280  }
0x8d: {  	[tilespmem:s25], [sflag:$0x2] =	stream.indirect_vreg.gather [hbm4b:s10+s7], $0x80, v5, vm0, $0xb8;
	[tilespmem:$0x1C280] =	vst v63  }
0x8e: {  	s26 =	simm.s32 $0x9A80  }
0x8f: {  	[tilespmem:s26], [sflag:$0x2] =	stream.indirect_vreg.gather [hbm4b:s11+s7], $0x80, v5, vm0, $0xb8;
	[tilespmem:$0x1C280] =	vst v63  }
0x90: {  	v5 =	vld.msk [tilespmem:$0x110], $0xff;
	_ =	sdelay $0x4  }
0x91: {  	v6 =	vshll.u32 v5, $0x3  }
0x92: {  	v5 =	vand.u32 $0x7, v5;
	v6 =	vand.u32 $0xFFFFFFC0, v6  }
0x93: {  	v5 =	vor.u32 v5, v6  }
0x94: {  	v5 =	vperm.xlane v5, v2;
	_ =	sdelay $0x1  }
0x95: {  	v5 =	vadd.s32 v3, v5  }
0x96: {  	s23 =	sshll.u32 s22, $0x1  }
0x97: {  	s1 =	sadd.s32 $0x2, s23  }
0x98: {  	s12 =	smov.u32 s20;
	p1 =	slt.s32 s1, s20  }
0x99: {  	s28 =	simm.s32 $0xA280;
	s12 =	smov.u32 @p1 s1  }
0x9a: {  	[tilespmem:s28], [sflag:$0x2] =	stream.indirect_vreg.gather [hbm4b:s4+s7], $0x80, v5, vm0, $0xb8;
	[tilespmem:$0x1C280] =	vst v63  }
0x9b: {  	s29 =	simm.s32 $0xAA80;
	s1 =	smul.u32 $0x18, s12  }
0x9c: {  	[tilespmem:s29], [sflag:$0x2] =	stream.indirect_vreg.gather [hbm4b:s9+s7], $0x80, v5, vm0, $0xb8;
	[tilespmem:$0x1C280] =	vst v63  }
0x9d: {  	s30 =	simm.s32 $0xB280;
	s12 =	sadd.s32 s2, s1  }
0x9e: {  	[tilespmem:s30], [sflag:$0x2] =	stream.indirect_vreg.gather [hbm4b:s10+s7], $0x80, v5, vm0, $0xb8;
	[tilespmem:$0x1C280] =	vst v63  }
0x9f: {  	s1 =	sshrl.u32 s12, $0x3  }
0xa0: {  	[tilespmem:s17], [sflag:$0x2] =	stream.indirect_vreg.gather [hbm4b:s11+s7], $0x80, v5, vm0, $0xb8;
	[tilespmem:$0x1C280] =	vst v63  }
0xa1: {  	s16 =	simm.s32 $0x80;
	s1 =	sadd.s32 s6, s1  }
0xa2: {  	[tilespmem:s16], [sflag:$0x3] =	stream.linear.gather [hbm4b:s1+s7], $0x18, $0x38;
	[tilespmem:$0x1C280] =	vst v63  }
0xa3: {  	_ =	swait.ge [sflag:s8], $0x30  }
0xa4: {  	s24 =	simm.s32 $0x0;
	[sflag:s8] =	ssyncset.done $0x0  }
0xa5: {  	s25 =	simm.s32 $0x0;
	s16 =	simm.s32 $0x0;
	[sflag:s8] =	ssyncadd.s32 $0xFFFFFFD0  }
.LBB2_6:
0xa6: {  	s1 =	sshll.u32 s16, $0x1  }
0xa7: {  	s1 =	sand.u32 $0x3FFFFFFE, s1  }
0xa8: {  	v5 =	vld [tilespmem:s1+$0x180];
	_ =	sdelay $0x4  }
0xa9: {  	(v2sf) =	vpush v5, $0x0;
	_ =	sdelay $0x3  }
0xaa: {  	(v2sf) =	vpush v5, $0x1;
	_ =	sdelay $0x1  }
0xab: {  	s30 =	sshll.u32 s25, $0x2;
	s26 =	sand.u32 $0x7, s24  }
0xac: {  	s26 =	sshll.u32 s26, $0x9;
	s1 =	sand.u32 $0xFFFF8000, s30  }
0xad: {  	s1 =	sor.u32 s26, s1  }
0xae: {  	s1 =	sshrl.u32 s1, $0x2  }
0xaf: {  	s1 =	sadd.s32 $0x2C0, s1  }
0xb0: {  	v5 =	vmov s1;
	_ =	sdelay $0x3  }
0xb1: {  	s28 =	simm.s32 $0x0;
	s30 =	spop (v2sf)  }
0xb2: {  	v7 =	vld.idx.msk [tilespmem:v5+s28+$0x30 ss:$0x1], $0xffff;
	s1 =	ssub.s32 s30, s21  }
0xb3: {  	v8 =	vld.idx.msk [tilespmem:v5+s28+$0xFFFFFFC0 ss:$0x1], $0xffff;
	p1 =	slt.u32 s1, $0x40  }
0xb4: {  	v9 =	vld.idx.msk [tilespmem:v5+s28+$0xFFFFFFD0 ss:$0x1], $0xffff;
	s1 =	simm.s32 @!p1 $0x0  }
0xb5: {  	v10 =	vld.idx.msk [tilespmem:v5+s28+$0xFFFFFFE0 ss:$0x1], $0xffff;
	s26 =	spop (v2sf);
	s29 =	sshll.u32 s1, $0xA;
	s1 =	sshll.u32 s1, $0x7  }
0xb6: {  	v11 =	vld.idx.msk [tilespmem:v5+s28+$0xFFFFFFF0 ss:$0x1], $0xffff;
	s26 =	simm.s32 @!p1 $0x0;
	s29 =	sand.u32 $0xFFFFE000, s29;
	s1 =	sand.u32 $0x380, s1  }
0xb7: {  	v12 =	vld.idx.msk [tilespmem:v5+s28+$0x0 ss:$0x1], $0xffff;
	v7 =	vmax.f32 v7, $0.0e+00;
	v6 =	vmov s26;
	s1 =	sor.u32 s1, s29  }
0xb8: {  	v13 =	vld.idx.msk [tilespmem:v5+s28+$0x10 ss:$0x1], $0xffff;
	v8 =	vmax.f32 v8, $0.0e+00;
	v7 =	vmul.f32 v7, v6;
	s26 =	sadd.s32 $0xC280, s1  }
0xb9: {  	v14 =	vld.idx.msk [tilespmem:v5+s28+$0x20 ss:$0x1], $0xffff;
	v9 =	vmax.f32 v9, $0.0e+00;
	v8 =	vmul.f32 v8, v6;
	s1 =	sadd.s32 $0x0, s26  }
0xba: {  	v10 =	vmax.f32 v10, $0.0e+00;
	v9 =	vmul.f32 v9, v6;
	[tilespmem:s1+$0x70] =	vst.add.f32.msk $0xffff, v7  }
0xbb: {  	[tilespmem:s1+$0x0] =	vst.add.f32.msk $0xffff, v8;
	v7 =	vmul.f32 v10, v6;
	v8 =	vmax.f32 v11, $0.0e+00  }
0xbc: {  	[tilespmem:s1+$0x10] =	vst.add.f32.msk $0xffff, v9;
	v9 =	vmax.f32 v12, $0.0e+00;
	v8 =	vmul.f32 v8, v6  }
0xbd: {  	[tilespmem:s1+$0x20] =	vst.add.f32.msk $0xffff, v7;
	v7 =	vmul.f32 v9, v6;
	v9 =	vmax.f32 v13, $0.0e+00  }
0xbe: {  	v10 =	vmax.f32 v14, $0.0e+00;
	[tilespmem:s1+$0x30] =	vst.add.f32.msk $0xffff, v8;
	v8 =	vmul.f32 v9, v6  }
0xbf: {  	s28 =	simm.s32 $0x0;
	s29 =	simm.s32 $0x1000;
	[tilespmem:s1+$0x40] =	vst.add.f32.msk $0xffff, v7;
	v7 =	vmul.f32 v10, v6  }
.LBB2_7:
0xc0: {  	s30 =	sshra.s32 s29, $0x2;
	s28 =	sadd.s32 $0x8, s28;
	[tilespmem:s1+$0x50] =	vst.add.f32.msk $0xffff, v8  }
0xc1: {  	v8 =	vld.idx.msk [tilespmem:v5+s30+$0x30 ss:$0x1], $0xffff;
	p1 =	slt.u32 s28, $0x38  }
0xc2: {  	v9 =	vld.idx.msk [tilespmem:v5+s30+$0xFFFFFFC0 ss:$0x1], $0xffff  }
0xc3: {  	v10 =	vld.idx.msk [tilespmem:v5+s30+$0xFFFFFFD0 ss:$0x1], $0xffff  }
0xc4: {  	v11 =	vld.idx.msk [tilespmem:v5+s30+$0xFFFFFFE0 ss:$0x1], $0xffff  }
0xc5: {  	v12 =	vld.idx.msk [tilespmem:v5+s30+$0xFFFFFFF0 ss:$0x1], $0xffff  }
0xc6: {  	v13 =	vld.idx.msk [tilespmem:v5+s30+$0x0 ss:$0x1], $0xffff  }
0xc7: {  	v8 =	vmax.f32 v8, $0.0e+00;
	v14 =	vld.idx.msk [tilespmem:v5+s30+$0x10 ss:$0x1], $0xffff  }
0xc8: {  	v9 =	vmax.f32 v9, $0.0e+00;
	v8 =	vmul.f32 v8, v6;
	v15 =	vld.idx.msk [tilespmem:v5+s30+$0x20 ss:$0x1], $0xffff  }
0xc9: {  	v9 =	vmul.f32 v9, v6;
	v10 =	vmax.f32 v10, $0.0e+00;
	[tilespmem:s1+$0x60] =	vst.add.f32.msk $0xffff, v7;
	s1 =	sadd.s32 s30, s26  }
0xca: {  	v7 =	vmul.f32 v10, v6;
	v10 =	vmax.f32 v11, $0.0e+00;
	[tilespmem:s1+$0x70] =	vst.add.f32.msk $0xffff, v8  }
.Ltmp1:
0xcb: {  	v8 =	vmul.f32 v10, v6;
	[tilespmem:s1+$0x0] =	vst.add.f32.msk $0xffff, v9;
	v9 =	vmax.f32 v12, $0.0e+00;
	(pc) =	sbr.rel @p1 .LBB2_7-.Ltmp1, $4  }
0xcc: {  	[tilespmem:s1+$0x10] =	vst.add.f32.msk $0xffff, v7;
	v7 =	vmul.f32 v9, v6;
	v9 =	vmax.f32 v13, $0.0e+00  }
0xcd: {  	[tilespmem:s1+$0x20] =	vst.add.f32.msk $0xffff, v8;
	v9 =	vmul.f32 v9, v6;
	v8 =	vmax.f32 v14, $0.0e+00  }
0xce: {  	[tilespmem:s1+$0x30] =	vst.add.f32.msk $0xffff, v7;
	v8 =	vmul.f32 v8, v6;
	v7 =	vmax.f32 v15, $0.0e+00  }
0xcf: {  	s29 =	sadd.s32 $0x1000, s29;
	[tilespmem:s1+$0x40] =	vst.add.f32.msk $0xffff, v9;
	v7 =	vmul.f32 v7, v6  }
0xd0: {  	s16 =	sadd.s32 $0x1, s16  }
0xd1: {  	p1 =	sne.s32 s16, $0x18  }
.Ltmp2:
0xd2: {  	_ = 	snop;
	(pc) =	sbr.rel @p1 .LBB2_6-.Ltmp2, $3  }
0xd3: {  	_ =	sdelay $0x1  }
0xd4: {  	[tilespmem:s1+$0x50] =	vst.add.f32.msk $0xffff, v8  }
0xd5: {  	s25 =	sadd.s32 $0x400, s25;
	s24 =	sadd.s32 $0x1, s24;
	[tilespmem:s1+$0x60] =	vst.add.f32.msk $0xffff, v7  }
0xd6: {  	s1 =	sshrl.u32 s12, $0x2  }
0xd7: {  	s1 =	sand.u32 $0x1FFFFFFE, s1  }
0xd8: {  	s24 =	simm.s32 $0x0;
	s26 =	simm.s32 $0x180;
	s1 =	sadd.s32 s5, s1  }
0xd9: {  	[tilespmem:s26], [sflag:$0x5] =	stream.linear.gather [hbm4b:s1+s24], $0x30, $0x38;
	[tilespmem:$0x1C280] =	vst v63  }
0xda: {  	_ =	swait.ge [sflag:s18], $0x6000  }
0xdb: {  	[sflag:s18] =	ssyncset.done $0x0  }
0xdc: {  	[sflag:s18] =	ssyncadd.s32 $0xFFFFA000  }
0xdd: {  	_ =	swait.ge [sflag:s19], $0x18  }
0xde: {  	[sflag:s19] =	ssyncset.done $0x0  }
0xdf: {  	[sflag:s19] =	ssyncadd.s32 $0xFFFFFFE8  }
0xe0: {  	v5 =	vld [tilespmem:$0x80];
	_ =	sdelay $0x4  }
0xe1: {  	v6 =	vshll.u32 v5, $0x3  }
0xe2: {  	v5 =	vand.u32 $0x7, v5;
	v6 =	vand.u32 $0xFFFFFFC0, v6  }
0xe3: {  	v5 =	vor.u32 v5, v6  }
0xe4: {  	v6 =	vperm.xlane v5, v2;
	_ =	sdelay $0x1  }
0xe5: {  	v6 =	vadd.s32 v3, v6;
	_ =	sdelay $0x3  }
0xe6: {  	s28 =	simm.s32 $0x280  }
0xe7: {  	[tilespmem:s28], [sflag:$0x1] =	stream.indirect_vreg.gather [hbm4b:s4+s24], $0x80, v6, vm0, $0xb8;
	[tilespmem:$0x1C280] =	vst v63  }
0xe8: {  	s29 =	simm.s32 $0xA80;
	v5 =	vperm.xlane v5, v4  }
0xe9: {  	[tilespmem:s29], [sflag:$0x1] =	stream.indirect_vreg.gather [hbm4b:s9+s24], $0x80, v6, vm0, $0xb8;
	[tilespmem:$0x1C280] =	vst v63  }
0xea: {  	s30 =	simm.s32 $0x1280;
	v5 =	vadd.s32 v3, v5  }
0xeb: {  	[tilespmem:s30], [sflag:$0x1] =	stream.indirect_vreg.gather [hbm4b:s10+s24], $0x80, v6, vm0, $0xb8;
	[tilespmem:$0x1C280] =	vst v63  }
0xec: {  	s12 =	simm.s32 $0x1A80  }
0xed: {  	[tilespmem:s12], [sflag:$0x1] =	stream.indirect_vreg.gather [hbm4b:s11+s24], $0x80, v6, vm0, $0xb8;
	[tilespmem:$0x1C280] =	vst v63  }
0xee: {  	s16 =	simm.s32 $0x2280  }
0xef: {  	[tilespmem:s16], [sflag:$0x1] =	stream.indirect_vreg.gather [hbm4b:s4+s24], $0x80, v5, vm0, $0xb8;
	[tilespmem:$0x1C280] =	vst v63  }
0xf0: {  	s25 =	simm.s32 $0x2A80  }
0xf1: {  	[tilespmem:s25], [sflag:$0x1] =	stream.indirect_vreg.gather [hbm4b:s9+s24], $0x80, v5, vm0, $0xb8;
	[tilespmem:$0x1C280] =	vst v63  }
0xf2: {  	s26 =	simm.s32 $0x3280  }
0xf3: {  	[tilespmem:s26], [sflag:$0x1] =	stream.indirect_vreg.gather [hbm4b:s10+s24], $0x80, v5, vm0, $0xb8;
	[tilespmem:$0x1C280] =	vst v63  }
0xf4: {  	s28 =	simm.s32 $0x3A80  }
0xf5: {  	[tilespmem:s28], [sflag:$0x1] =	stream.indirect_vreg.gather [hbm4b:s11+s24], $0x80, v5, vm0, $0xb8;
	[tilespmem:$0x1C280] =	vst v63  }
0xf6: {  	v5 =	vld.msk [tilespmem:$0x90], $0xff;
	_ =	sdelay $0x4  }
0xf7: {  	v6 =	vshll.u32 v5, $0x3  }
0xf8: {  	v5 =	vand.u32 $0x7, v5;
	v6 =	vand.u32 $0xFFFFFFC0, v6  }
0xf9: {  	v5 =	vor.u32 v5, v6  }
0xfa: {  	v5 =	vperm.xlane v5, v2;
	_ =	sdelay $0x1  }
0xfb: {  	v5 =	vadd.s32 v3, v5;
	_ =	sdelay $0x1  }
0xfc: {  	s1 =	sadd.s32 $0x3, s23  }
0xfd: {  	p1 =	slt.s32 s1, s20;
	s12 =	smov.u32 s20  }
0xfe: {  	s29 =	simm.s32 $0x4280;
	s12 =	smov.u32 @p1 s1  }
0xff: {  	[tilespmem:s29], [sflag:$0x1] =	stream.indirect_vreg.gather [hbm4b:s4+s24], $0x80, v5, vm0, $0xb8;
	[tilespmem:$0x1C280] =	vst v63  }
0x100: {  	s30 =	simm.s32 $0x4A80;
	s1 =	smul.u32 $0x18, s12  }
0x101: {  	[tilespmem:s30], [sflag:$0x1] =	stream.indirect_vreg.gather [hbm4b:s9+s24], $0x80, v5, vm0, $0xb8;
	[tilespmem:$0x1C280] =	vst v63  }
0x102: {  	s12 =	sadd.s32 s2, s1  }
0x103: {  	[tilespmem:s31], [sflag:$0x1] =	stream.indirect_vreg.gather [hbm4b:s10+s24], $0x80, v5, vm0, $0xb8;
	[tilespmem:$0x1C280] =	vst v63  }
0x104: {  	s1 =	sshrl.u32 s12, $0x3  }
0x105: {  	[tilespmem:s0], [sflag:$0x1] =	stream.indirect_vreg.gather [hbm4b:s11+s24], $0x80, v5, vm0, $0xb8;
	[tilespmem:$0x1C280] =	vst v63  }
0x106: {  	s16 =	simm.s32 $0x100;
	s1 =	sadd.s32 s6, s1  }
0x107: {  	[tilespmem:s16], [sflag:$0x4] =	stream.linear.gather [hbm4b:s1+s24], $0x18, $0x38;
	[tilespmem:$0x1C280] =	vst v63  }
0x108: {  	_ =	swait.ge [sflag:s13], $0x30  }
0x109: {  	p1 =	slt.u32 s23, s20;
	[sflag:s13] =	ssyncset.done $0x0  }
0x10a: {  	s23 =	simm.s32 $0x0;
	s25 =	simm.s32 $0x0;
	[sflag:s13] =	ssyncadd.s32 $0xFFFFFFD0  }
.LBB2_10:
0x10b: {  	s1 =	sshll.u32 s25, $0x1  }
0x10c: {  	s1 =	sand.u32 $0x3FFFFFFE, s1  }
0x10d: {  	v5 =	vld [tilespmem:s1+$0x200];
	_ =	sdelay $0x4  }
0x10e: {  	(v2sf) =	vpush v5, $0x0;
	_ =	sdelay $0x5  }
0x10f: {  	(v2sf) =	vpush v5, $0x1;
	_ =	sdelay $0x1  }
0x110: {  	s29 =	sshll.u32 s23, $0x2;
	s16 =	sand.u32 $0x7, s24  }
0x111: {  	s16 =	sshll.u32 s16, $0x9;
	s1 =	sand.u32 $0xFFFF8000, s29  }
0x112: {  	s1 =	sor.u32 s16, s1  }
0x113: {  	s1 =	sshrl.u32 s1, $0x2  }
0x114: {  	s1 =	sadd.s32 $0x62C0, s1  }
0x115: {  	v5 =	vmov s1;
	_ =	sdelay $0x1  }
0x116: {  	s30 =	spop (v2sf)  }
0x117: {  	s1 =	ssub.s32 s30, s21  }
0x118: {  	s26 =	simm.s32 $0x0;
	p2 =	slt.u32 s1, $0x40  }
0x119: {  	v7 =	vld.idx.msk [tilespmem:v5+s26+$0x30 ss:$0x1], $0xffff;
	p2 =	por !p1, !p2  }
0x11a: {  	v8 =	vld.idx.msk [tilespmem:v5+s26+$0xFFFFFFC0 ss:$0x1], $0xffff;
	p2 =	por !p2, !p2  }
0x11b: {  	v9 =	vld.idx.msk [tilespmem:v5+s26+$0xFFFFFFD0 ss:$0x1], $0xffff;
	s1 =	simm.s32 @!p2 $0x0  }
0x11c: {  	v10 =	vld.idx.msk [tilespmem:v5+s26+$0xFFFFFFE0 ss:$0x1], $0xffff;
	s16 =	spop (v2sf);
	s28 =	sshll.u32 s1, $0xA;
	s1 =	sshll.u32 s1, $0x7  }
0x11d: {  	v11 =	vld.idx.msk [tilespmem:v5+s26+$0xFFFFFFF0 ss:$0x1], $0xffff;
	s16 =	simm.s32 @!p2 $0x0;
	s28 =	sand.u32 $0xFFFFE000, s28;
	s1 =	sand.u32 $0x380, s1  }
0x11e: {  	v12 =	vld.idx.msk [tilespmem:v5+s26+$0x0 ss:$0x1], $0xffff;
	v7 =	vmax.f32 v7, $0.0e+00;
	v6 =	vmov s16;
	s1 =	sor.u32 s1, s28  }
0x11f: {  	v13 =	vld.idx.msk [tilespmem:v5+s26+$0x10 ss:$0x1], $0xffff;
	v8 =	vmax.f32 v8, $0.0e+00;
	v7 =	vmul.f32 v7, v6;
	s16 =	sadd.s32 $0xC280, s1  }
0x120: {  	v14 =	vld.idx.msk [tilespmem:v5+s26+$0x20 ss:$0x1], $0xffff;
	v9 =	vmax.f32 v9, $0.0e+00;
	v8 =	vmul.f32 v8, v6;
	s1 =	sadd.s32 $0x0, s16  }
0x121: {  	v10 =	vmax.f32 v10, $0.0e+00;
	v9 =	vmul.f32 v9, v6;
	[tilespmem:s1+$0x70] =	vst.add.f32.msk $0xffff, v7  }
0x122: {  	[tilespmem:s1+$0x0] =	vst.add.f32.msk $0xffff, v8;
	v7 =	vmul.f32 v10, v6;
	v8 =	vmax.f32 v11, $0.0e+00  }
0x123: {  	[tilespmem:s1+$0x10] =	vst.add.f32.msk $0xffff, v9;
	v9 =	vmax.f32 v12, $0.0e+00;
	v8 =	vmul.f32 v8, v6  }
0x124: {  	[tilespmem:s1+$0x20] =	vst.add.f32.msk $0xffff, v7;
	v7 =	vmul.f32 v9, v6;
	v9 =	vmax.f32 v13, $0.0e+00  }
0x125: {  	v10 =	vmax.f32 v14, $0.0e+00;
	[tilespmem:s1+$0x30] =	vst.add.f32.msk $0xffff, v8;
	v8 =	vmul.f32 v9, v6  }
0x126: {  	s26 =	simm.s32 $0x0;
	s28 =	simm.s32 $0x1000;
	[tilespmem:s1+$0x40] =	vst.add.f32.msk $0xffff, v7;
	v7 =	vmul.f32 v10, v6  }
.LBB2_11:
0x127: {  	s29 =	sshra.s32 s28, $0x2;
	s26 =	sadd.s32 $0x8, s26;
	[tilespmem:s1+$0x50] =	vst.add.f32.msk $0xffff, v8  }
0x128: {  	v8 =	vld.idx.msk [tilespmem:v5+s29+$0x30 ss:$0x1], $0xffff;
	p2 =	slt.u32 s26, $0x38  }
0x129: {  	v9 =	vld.idx.msk [tilespmem:v5+s29+$0xFFFFFFC0 ss:$0x1], $0xffff  }
0x12a: {  	v10 =	vld.idx.msk [tilespmem:v5+s29+$0xFFFFFFD0 ss:$0x1], $0xffff  }
0x12b: {  	v11 =	vld.idx.msk [tilespmem:v5+s29+$0xFFFFFFE0 ss:$0x1], $0xffff  }
0x12c: {  	v12 =	vld.idx.msk [tilespmem:v5+s29+$0xFFFFFFF0 ss:$0x1], $0xffff  }
0x12d: {  	v13 =	vld.idx.msk [tilespmem:v5+s29+$0x0 ss:$0x1], $0xffff  }
0x12e: {  	v8 =	vmax.f32 v8, $0.0e+00;
	v14 =	vld.idx.msk [tilespmem:v5+s29+$0x10 ss:$0x1], $0xffff  }
0x12f: {  	v9 =	vmax.f32 v9, $0.0e+00;
	v8 =	vmul.f32 v8, v6;
	v15 =	vld.idx.msk [tilespmem:v5+s29+$0x20 ss:$0x1], $0xffff  }
0x130: {  	v9 =	vmul.f32 v9, v6;
	v10 =	vmax.f32 v10, $0.0e+00;
	[tilespmem:s1+$0x60] =	vst.add.f32.msk $0xffff, v7;
	s1 =	sadd.s32 s29, s16  }
0x131: {  	v7 =	vmul.f32 v10, v6;
	v10 =	vmax.f32 v11, $0.0e+00;
	[tilespmem:s1+$0x70] =	vst.add.f32.msk $0xffff, v8  }
.Ltmp3:
0x132: {  	v8 =	vmul.f32 v10, v6;
	[tilespmem:s1+$0x0] =	vst.add.f32.msk $0xffff, v9;
	v9 =	vmax.f32 v12, $0.0e+00;
	(pc) =	sbr.rel @p2 .LBB2_11-.Ltmp3, $4  }
0x133: {  	[tilespmem:s1+$0x10] =	vst.add.f32.msk $0xffff, v7;
	v7 =	vmul.f32 v9, v6;
	v9 =	vmax.f32 v13, $0.0e+00  }
0x134: {  	[tilespmem:s1+$0x20] =	vst.add.f32.msk $0xffff, v8;
	v9 =	vmul.f32 v9, v6;
	v8 =	vmax.f32 v14, $0.0e+00  }
0x135: {  	[tilespmem:s1+$0x30] =	vst.add.f32.msk $0xffff, v7;
	v8 =	vmul.f32 v8, v6;
	v7 =	vmax.f32 v15, $0.0e+00  }
0x136: {  	s28 =	sadd.s32 $0x1000, s28;
	[tilespmem:s1+$0x40] =	vst.add.f32.msk $0xffff, v9;
	v7 =	vmul.f32 v7, v6  }
0x137: {  	s25 =	sadd.s32 $0x1, s25  }
0x138: {  	p2 =	sne.s32 s25, $0x18  }
.Ltmp4:
0x139: {  	_ = 	snop;
	(pc) =	sbr.rel @p2 .LBB2_10-.Ltmp4, $3  }
0x13a: {  	_ =	sdelay $0x1  }
0x13b: {  	[tilespmem:s1+$0x50] =	vst.add.f32.msk $0xffff, v8  }
0x13c: {  	s23 =	sadd.s32 $0x400, s23;
	s24 =	sadd.s32 $0x1, s24;
	[tilespmem:s1+$0x60] =	vst.add.f32.msk $0xffff, v7  }
0x13d: {  	s22 =	sadd.s32 $0x1, s22  }
0x13e: {  	p1 =	sne.s32 s22, s15  }
.Ltmp5:
0x13f: {  	_ = 	snop;
	(pc) =	sbr.rel @p1 .LBB2_5-.Ltmp5, $4  }
0x140: {  	s1 =	sshrl.u32 s12, $0x2  }
0x141: {  	s1 =	sand.u32 $0x1FFFFFFE, s1  }
0x142: {  	s30 =	simm.s32 $0x0;
	s16 =	simm.s32 $0x200;
	s1 =	sadd.s32 s5, s1  }
0x143: {  	[tilespmem:s16], [sflag:$0x6] =	stream.linear.gather [hbm4b:s1+s30], $0x30, $0x38;
	[tilespmem:$0x1C280] =	vst v63  }
0x144: {  	s15 =	simm.s32 $0x1  }
0x145: {  	_ =	swait.ge [sflag:s15], $0x6000  }
0x146: {  	[sflag:s15] =	ssyncset.done $0x0  }
0x147: {  	[sflag:s15] =	ssyncadd.s32 $0xFFFFA000  }
0x148: {  	_ =	swait.ge [sflag:s3], $0x18  }
0x149: {  	[sflag:s3] =	ssyncset.done $0x0  }
0x14a: {  	[sflag:s3] =	ssyncadd.s32 $0xFFFFFFE8  }
0x14b: {  	_ =	swait.ge [sflag:s8], $0x30  }
0x14c: {  	[sflag:s8] =	ssyncset.done $0x0  }
0x14d: {  	[sflag:s8] =	ssyncadd.s32 $0xFFFFFFD0  }
0x14e: {  	_ =	swait.ge [sflag:s13], $0x30  }
0x14f: {  	[sflag:s13] =	ssyncset.done $0x0  }
0x150: {  	s1 =	sshll.u32 s21, $0x7;
	[sflag:s13] =	ssyncadd.s32 $0xFFFFFFD0  }
0x151: {  	s29 =	simm.s32 $0x0;
	s7 =	simm.s32 $0xC280;
	s2 =	rddreg [dreg:$0x1]  }
.Ltmp6:
0x152: {  	s30 =	simm.s32 $0x7;
	s1 =	sadd.s32 s2, s1;
	(pc) =	sbr.rel @p0 .LBB2_2-.Ltmp6, $4  }
0x153: {  	[hbm4b:s1+s29] =	stream.linear.scatter [tilespmem:s7], [sflag:$0x7], $0x10000, $0x38;
	[tilespmem:$0x1C280] =	vst v63  }
0x154: {  	_ =	swait.ge [sflag:s30], $0x10000  }
0x155: {  	[sflag:s30] =	ssyncset.done $0x0  }
0x156: {  	p1 =	por $0x0, $0x0;
	[sflag:s30] =	ssyncadd.s32 $0xFFFF0000  }
0x157: {  	s2 =	rddreg [dreg:$0x6]  }
0x158: {  	s1 =	rddreg [dreg:$0x5];
	s2 =	sadd.s32 $0x1, s2  }
0x159: {  	p0 =	sne.s32 s2, s1  }
.Ltmp7:
0x15a: {  	_ = 	snop;
	(pc) =	sbr.rel @p0 .LBB2_1-.Ltmp7, $1  }
0x15b: {  	_ =	sdelay $0x3  }
0x15c: {  	_ =	sfence.sel $0x180000  }
0x15d: {  	[bflag:$0x0] =	sbarrier.arrive $0xFFFF  }
0x15e: {  	_ =	strace $0x9000004A  }
0x15f: {  	s0 =	stileid.u32;
	[bflag:$0x2] =	sbarrier.arrive $0xFFFF  }
0x160: {  	p0 =	sne.s32 s0, $0x0;
	s0 =	rddreg [dreg:$0x2]  }
0x161: {  	s0 =	sadd.s32 @!p0 $0x100000, s0  }
0x162: {  	[sflag:s0] =	ssyncadd.tile.s32 @!p0 $0x1;
	_ =	shalt  }
.Lfunc_end2:
_tile_overlayer_lowered:
.L_overlay_start_2:
0x163: {  	(tag) =	ssettag $0x2  }
0x164: {  	s0 =	rddreg [dreg:$0x0];
	s2 =	stileid.u32  }
0x165: {  	s1 =	rddreg [dreg:$0x1];
	p0 =	sne.s32 s2, $0x0  }
0x166: {  	s3 =	rddreg [dreg:$0x2];
	[bflag:$0x3] =	sbarrier.arrive $0xFFFF;
	s2 =	simm.s32 @!p0 $0x1C07  }
0x167: {  	[timem:s3], [sflag:s2] =	dma.local @!p0 [hbm:s0], s1  }
0x168: {  	s0 =	simm.s32 @!p0 $0x7  }
0x169: {  	_ =	swait.ge @!p0 [sflag:s0], s1  }
0x16a: {  	s1 =	ssub.s32 @!p0 $0x0, s1;
	[sflag:s0] =	ssyncset.done @!p0 $0x0  }
0x16b: {  	[sflag:s0] =	ssyncadd.s32 @!p0 s1  }
0x16c: {  	[bflag:$0x3] =	sbarrier.arrive $0xFFFF  }
0x16d: {  	_ =	shalt  }

</sc_bundles>
